<compile_context>
chip_gen: v7x
topology: tpu7x:2x2x1
jax: 0.10.2.dev20260603
libtpu: 0.0.44.dev20260713+nightly
codegen_flags: <defaults>
</compile_context>

<pallas_src>
import functools

import jax
import jax.numpy as jnp
from jax import lax
from jax.experimental import pallas as pl
from jax.experimental.pallas import tpu as pltpu
from jax.experimental.pallas import tpu_sc as plsc

NNZ = 320000
NSEG = 10000
NSEG_PAD = 10240
DIM = 128
CHUNK = 80
NCHUNKS = NNZ // CHUNK
NC = 2
NS = 16
NW = NC * NS
SEG_PER_TILE = NSEG_PAD // NS
ZROWS = 80
GCHUNK = 128
GNCHUNKS = NNZ // GCHUNK

_f32 = jnp.float32
_i32 = jnp.int32


def _sc_mesh():
  return plsc.VectorSubcoreMesh(core_axis_name="c", subcore_axis_name="s",
                                num_cores=NC, num_subcores=NS)


def _pools_body(values_hbm, rows_hbm, cols_hbm,
                row_sums_hbm, col_sums_hbm, rowcnt_hbm, colcnt_hbm,
                table, vbuf0, vbuf1, vbuf2, ibuf0, ibuf1, ibuf2,
                sem_li0, sem_li1, sem_li2, sem_lv0, sem_lv1, sem_lv2,
                sem_s0, sem_s1, sem_s2):
  c = lax.axis_index("c")
  s = lax.axis_index("s")
  n_iters = (NCHUNKS + NS - 1) // NS
  vbufs = (vbuf0, vbuf1, vbuf2)
  ibufs = (ibuf0, ibuf1, ibuf2)
  sem_li = (sem_li0, sem_li1, sem_li2)
  sem_lv = (sem_lv0, sem_lv1, sem_lv2)
  sem_s = (sem_s0, sem_s1, sem_s2)

  def fill_vbuf(b, val):
    def fill_row(i, _):
      for j in range(DIM // 16):
        vbufs[b][i, pl.ds(j * 16, 16)] = jnp.full((16,), val, _f32)
      return _
    lax.fori_loop(0, CHUNK, fill_row, None)

  def zero_table():
    for k in range(SEG_PER_TILE // ZROWS):
      off = pl.multiple_of(s * SEG_PER_TILE + k * ZROWS, ZROWS)
      pltpu.sync_copy(vbuf0, table.at[pl.ds(off, ZROWS)])

  def chunk_of(t):
    return s + t * NS

  def base_of(t):
    return pl.multiple_of(chunk_of(t) * CHUNK, CHUNK)

  def scatter_pass(idx_hbm, with_values):

    def fire_loads(b, t):
      base = base_of(t)
      pltpu.async_copy(idx_hbm.at[pl.ds(base, CHUNK)], ibufs[b], sem_li[b])
      if with_values:
        pltpu.async_copy(values_hbm.at[pl.ds(base, CHUNK)], vbufs[b],
                         sem_lv[b])

    def wait_loads(b, t):
      base = base_of(t)
      pltpu.make_async_copy(idx_hbm.at[pl.ds(base, CHUNK)], ibufs[b],
                            sem_li[b]).wait()
      if with_values:
        pltpu.make_async_copy(values_hbm.at[pl.ds(base, CHUNK)], vbufs[b],
                              sem_lv[b]).wait()

    def wait_scatter(b):
      src = vbufs[b] if with_values else vbuf0
      pltpu.make_async_copy(src, table.at[ibufs[b]], sem_s[b]).wait()

    for b in range(2):
      @pl.when(chunk_of(b) < NCHUNKS)
      def _(b=b):
        fire_loads(b, b)

    def body(t3, _):
      tbase = t3 * 3
      for b3 in range(3):
        t = tbase + b3
        sl_t = b3
        sl_p = (b3 + 2) % 3

        @pl.when(chunk_of(t) < NCHUNKS)
        def _(t=t, sl_t=sl_t):
          wait_loads(sl_t, t)
          src = vbufs[sl_t] if with_values else vbuf0
          pltpu.async_copy(src, table.at[ibufs[sl_t]], sem_s[sl_t],
                           add=True)

        @pl.when(chunk_of(t + 2) < NCHUNKS)
        def _(t=t, sl_p=sl_p):
          @pl.when((t >= 1) & (chunk_of(t - 1) < NCHUNKS))
          def _():
            wait_scatter(sl_p)
          fire_loads(sl_p, t + 2)
      return _
    lax.fori_loop(0, (n_iters + 2) // 3, body, None)

    for db in range(4):
      t_tail = n_iters - 4 + db

      @pl.when((chunk_of(t_tail) < NCHUNKS)
               & (chunk_of(t_tail + 3) >= NCHUNKS))
      def _(t_tail=t_tail):
        wait_scatter(t_tail % 3)

  def writeback(dst_hbm):
    seg0 = pl.multiple_of(s * SEG_PER_TILE, ZROWS)
    pltpu.sync_copy(table.at[pl.ds(seg0, SEG_PER_TILE)],
                    dst_hbm.at[pl.ds(seg0, SEG_PER_TILE)])

  fill_vbuf(0, 0.0)
  zero_table()
  plsc.subcore_barrier()

  @pl.when(c == 0)
  def _():
    scatter_pass(rows_hbm, True)

  @pl.when(c == 1)
  def _():
    scatter_pass(cols_hbm, True)

  plsc.subcore_barrier()

  @pl.when(c == 0)
  def _():
    writeback(row_sums_hbm)

  @pl.when(c == 1)
  def _():
    writeback(col_sums_hbm)

  fill_vbuf(0, 0.0)
  zero_table()
  plsc.subcore_barrier()
  fill_vbuf(0, 1.0)

  @pl.when(c == 0)
  def _():
    scatter_pass(rows_hbm, False)

  @pl.when(c == 1)
  def _():
    scatter_pass(cols_hbm, False)

  plsc.subcore_barrier()

  @pl.when(c == 0)
  def _():
    writeback(rowcnt_hbm)

  @pl.when(c == 1)
  def _():
    writeback(colcnt_hbm)


@jax.jit
def _pools(values, rows, cols):
  f = functools.partial(
      pl.kernel,
      out_type=(
          jax.ShapeDtypeStruct((NSEG_PAD, DIM), _f32),
          jax.ShapeDtypeStruct((NSEG_PAD, DIM), _f32),
          jax.ShapeDtypeStruct((NSEG_PAD, DIM), _f32),
          jax.ShapeDtypeStruct((NSEG_PAD, DIM), _f32),
      ),
      mesh=_sc_mesh(),
      scratch_types=(
          [pltpu.VMEM_SHARED((NSEG_PAD, DIM), _f32)]
          + [pltpu.VMEM((CHUNK, DIM), _f32)] * 3
          + [pltpu.VMEM((CHUNK,), _i32)] * 3
          + [pltpu.SemaphoreType.DMA] * 9
      ),
  )(_pools_body)
  return f(values, rows, cols)


def _tables_body(rs_ref, cs_ref, rc_ref, cc_ref, w_ref, rbc_ref, cbc_ref):
  rs = rs_ref[...]
  cs = cs_ref[...]
  rc = rc_ref[...][:, :1]
  cc = cc_ref[...][:, :1]
  w1 = w_ref[1]
  w2 = w_ref[2]
  w3 = w_ref[3]
  rp = rs * (1.0 / jnp.maximum(rc, 1.0))
  cp = cs * (1.0 / jnp.maximum(cc, 1.0))
  all_vec = (jnp.sum(rs, axis=0, keepdims=True) / NNZ)
  rbc_ref[...] = (jnp.dot(rp, w1, preferred_element_type=_f32)
                  + jnp.dot(all_vec, w3, preferred_element_type=_f32))
  cbc_ref[...] = jnp.dot(cp, w2, preferred_element_type=_f32)


@jax.jit
def _tables(row_sums, col_sums, row_cnt, col_cnt, weights):
  return pl.pallas_call(
      _tables_body,
      out_shape=(
          jax.ShapeDtypeStruct((NSEG_PAD, DIM), _f32),
          jax.ShapeDtypeStruct((NSEG_PAD, DIM), _f32),
      ),
  )(row_sums, col_sums, row_cnt, col_cnt, weights)


def _gather_body(rows_hbm, cols_hbm, rbc_hbm, cbc_hbm, g_hbm,
                 rbuf0, rbuf1, rbuf2, cbuf0, cbuf1, cbuf2,
                 ribuf0, ribuf1, ribuf2, cibuf0, cibuf1, cibuf2,
                 sem_ri0, sem_ri1, sem_ri2, sem_ci0, sem_ci1, sem_ci2,
                 sem_gr0, sem_gr1, sem_gr2, sem_gc0, sem_gc1, sem_gc2,
                 sem_o0, sem_o1, sem_o2):
  c = lax.axis_index("c")
  s = lax.axis_index("s")
  wid = s * NC + c
  n_iters = (GNCHUNKS + NW - 1) // NW
  rbufs = (rbuf0, rbuf1, rbuf2)
  cbufs = (cbuf0, cbuf1, cbuf2)
  ribufs = (ribuf0, ribuf1, ribuf2)
  cibufs = (cibuf0, cibuf1, cibuf2)
  sem_ri = (sem_ri0, sem_ri1, sem_ri2)
  sem_ci = (sem_ci0, sem_ci1, sem_ci2)
  sem_gr = (sem_gr0, sem_gr1, sem_gr2)
  sem_gc = (sem_gc0, sem_gc1, sem_gc2)
  sem_o = (sem_o0, sem_o1, sem_o2)

  def chunk_of(t):
    return wid + t * NW

  def base_of(t):
    return pl.multiple_of(chunk_of(t) * GCHUNK, GCHUNK)

  def fire_idx(b, t):
    base = base_of(t)
    pltpu.async_copy(rows_hbm.at[pl.ds(base, GCHUNK)], ribufs[b], sem_ri[b])
    pltpu.async_copy(cols_hbm.at[pl.ds(base, GCHUNK)], cibufs[b], sem_ci[b])

  def wait_idx(b, t):
    base = base_of(t)
    pltpu.make_async_copy(rows_hbm.at[pl.ds(base, GCHUNK)], ribufs[b],
                          sem_ri[b]).wait()
    pltpu.make_async_copy(cols_hbm.at[pl.ds(base, GCHUNK)], cibufs[b],
                          sem_ci[b]).wait()

  def fire_gathers(b):
    pltpu.async_copy(rbc_hbm.at[ribufs[b]], rbufs[b], sem_gr[b])
    pltpu.async_copy(cbc_hbm.at[cibufs[b]], cbufs[b], sem_gc[b])

  def wait_gathers(b):
    pltpu.make_async_copy(rbc_hbm.at[ribufs[b]], rbufs[b], sem_gr[b]).wait()
    pltpu.make_async_copy(cbc_hbm.at[cibufs[b]], cbufs[b], sem_gc[b]).wait()

  def wait_store(b, t):
    base = base_of(t)
    pltpu.make_async_copy(rbufs[b], g_hbm.at[pl.ds(base, GCHUNK)],
                          sem_o[b]).wait()

  for b in range(2):
    @pl.when(chunk_of(b) < GNCHUNKS)
    def _(b=b):
      fire_idx(b, b)

  @pl.when(chunk_of(0) < GNCHUNKS)
  def _():
    wait_idx(0, 0)
    fire_gathers(0)

  def body(t3, _):
    tbase = t3 * 3
    for b3 in range(3):
      t = tbase + b3
      sl_t = b3
      sl_n = (b3 + 1) % 3
      sl_p = (b3 + 2) % 3

      @pl.when(chunk_of(t + 1) < GNCHUNKS)
      def _(t=t, sl_n=sl_n):
        pltpu.make_async_copy(
            rows_hbm.at[pl.ds(base_of(t + 1), GCHUNK)], ribufs[sl_n],
            sem_ri[sl_n]).wait()
        pltpu.make_async_copy(
            cols_hbm.at[pl.ds(base_of(t + 1), GCHUNK)], cibufs[sl_n],
            sem_ci[sl_n]).wait()

        @pl.when((t >= 2) & (chunk_of(t - 2) < GNCHUNKS))
        def _():
          wait_store(sl_n, t - 2)
        fire_gathers(sl_n)

      @pl.when(chunk_of(t) < GNCHUNKS)
      def _(t=t, sl_t=sl_t):
        wait_gathers(sl_t)

        def add_row(i, carry):
          for q in range(DIM // 16):
            sl = pl.ds(q * 16, 16)
            rbufs[sl_t][i, sl] = rbufs[sl_t][i, sl] + cbufs[sl_t][i, sl]
          return carry
        lax.fori_loop(0, GCHUNK, add_row, None)
        pltpu.async_copy(rbufs[sl_t], g_hbm.at[pl.ds(base_of(t), GCHUNK)],
                         sem_o[sl_t])

      @pl.when(chunk_of(t + 2) < GNCHUNKS)
      def _(t=t, sl_p=sl_p):
        fire_idx(sl_p, t + 2)
    return _
  lax.fori_loop(0, (n_iters + 2) // 3, body, None)

  for db in range(4):
    t_tail = n_iters - 4 + db

    @pl.when((chunk_of(t_tail) < GNCHUNKS)
             & (chunk_of(t_tail + 3) >= GNCHUNKS))
    def _(t_tail=t_tail):
      wait_store(t_tail % 3, t_tail)


@jax.jit
def _gather(rows, cols, row_bc, col_bc):
  f = functools.partial(
      pl.kernel,
      out_type=jax.ShapeDtypeStruct((NNZ, DIM), _f32),
      mesh=_sc_mesh(),
      scratch_types=(
          [pltpu.VMEM((GCHUNK, DIM), _f32)] * 6
          + [pltpu.VMEM((GCHUNK,), _i32)] * 6
          + [pltpu.SemaphoreType.DMA] * 15
      ),
  )(_gather_body)
  return f(rows, cols, row_bc, col_bc)


_MM_BLOCK = 3200


def _matmul_add_body(v_ref, w_ref, g_ref, o_ref):
  o_ref[...] = (jnp.dot(v_ref[...], w_ref[...], preferred_element_type=_f32)
                + g_ref[...])


@jax.jit
def _matmul_add(values, w0, g):
  return pl.pallas_call(
      _matmul_add_body,
      grid=(NNZ // _MM_BLOCK,),
      in_specs=[
          pl.BlockSpec((_MM_BLOCK, DIM), lambda b: (b, 0)),
          pl.BlockSpec((DIM, DIM), lambda b: (0, 0)),
          pl.BlockSpec((_MM_BLOCK, DIM), lambda b: (b, 0)),
      ],
      out_specs=pl.BlockSpec((_MM_BLOCK, DIM), lambda b: (b, 0)),
      out_shape=jax.ShapeDtypeStruct((NNZ, DIM), _f32),
  )(values, w0, g)


def kernel(values, indices, weights):
  idx = indices.astype(_i32)
  rows = idx[0]
  cols = idx[1]
  row_sums, col_sums, row_cnt, col_cnt = _pools(values, rows, cols)
  row_bc, col_bc = _tables(row_sums, col_sums, row_cnt, col_cnt, weights)
  g = _gather(rows, cols, row_bc, col_bc)
  return _matmul_add(values, weights[0], g)

# --- scband reference (transcript-rebuilt; emitter-appended) ---
"""Pipeline reference for scband-sparse-matrix-equivariant-layer-block-77060303225144 (READ-ONLY COPY).

The authoritative reference and input builder live on the scoring server;
editing this copy changes nothing except your own understanding.
"""

import jax, jax.numpy as jnp
import numpy as np
import math

N_ROWS = 10000
N_COLS = 10000
NNZ = 320000
IN_DIM = 128
OUT_DIM = 128
N_PARAMS = 4  # equivariant ops for distinct row/col entities: identity(intersection), row-pool+row-bcast, col-pool+col-bcast,全pool+bcast


def setup_inputs(seed: int = 0) -> dict:
    key = jax.random.key(seed)
    k1, k2, k3, k4 = jax.random.split(key, 4)
    values = jax.random.normal(k1, (NNZ, IN_DIM), dtype=jnp.float32)
    rows = jax.random.randint(k2, (NNZ,), 0, N_ROWS, dtype=jnp.int64)
    cols = jax.random.randint(k3, (NNZ,), 0, N_COLS, dtype=jnp.int64)
    indices = jnp.stack([rows, cols], axis=0)
    stdv = 1.0 / math.sqrt(IN_DIM)
    weights = jax.random.uniform(k4, (N_PARAMS, IN_DIM, OUT_DIM), dtype=jnp.float32, minval=-stdv, maxval=stdv)
    return {"values": values, "indices": indices, "weights": weights}


def _mean_pool(vals, seg_ids, num_segments):
    sums = jax.ops.segment_sum(vals, seg_ids, num_segments=num_segments)
    cnts = jax.ops.segment_sum(jnp.ones((vals.shape[0], 1), dtype=vals.dtype), seg_ids, num_segments=num_segments)
    return sums / jnp.maximum(cnts, 1.0)


def reference(values, indices, weights):
    """Sparse second-order equivariant layer block, relation_in == relation_out over
    two distinct entities, X_out sparsity == X_in sparsity (indices_identity is full).
    Four equivariant linear ops, each with its own [in_dim, out_dim] weight:
      0: identity via intersection gather (i-op): gather_mask -> matmul -> broadcast_from_mask
      1: pool over each row (mean over nnz in row) -> matmul -> broadcast back along rows
      2: pool over each col (mean over nnz in col) -> matmul -> broadcast back along cols
      3: pool over all nnz -> matmul -> broadcast to all nnz
    Output Y has same sparsity as X_out; returned as its value matrix [nnz, out_dim].
    """
    row = indices[0]
    col = indices[1]
    # op 0: intersection identity (X_in and X_out share sparsity -> full gather)
    y = values @ weights[0]
    # op 1: pool rows, broadcast rows
    row_pool = _mean_pool(values, row, N_ROWS)
    y = y + jnp.take(row_pool @ weights[1], row, axis=0)
    # op 2: pool cols, broadcast cols
    col_pool = _mean_pool(values, col, N_COLS)
    y = y + jnp.take(col_pool @ weights[2], col, axis=0)
    # op 3: pool all, broadcast all
    all_pool = jnp.mean(values, axis=0, keepdims=True)
    y = y + (all_pool @ weights[3])
    return y

if __name__ == "__main__":
    import jax
    _d = setup_inputs()
    print(jax.jit(kernel)(*tuple(_d.values())))

</pallas_src>

<mosaic_0001>
#map = affine_map<(d0, d1) -> (0, 0)>
#map1 = affine_map<(d0, d1) -> (0)>
module attributes {stable_mosaic.version = 14 : i64} {
  func.func @_pools_body(%arg0: i32, %arg1: i32, %arg2: memref<320000x128xf32, #tpu.memory_space<hbm>>, %arg3: memref<320000xi32, #tpu.memory_space<hbm>>, %arg4: memref<320000xi32, #tpu.memory_space<hbm>>, %arg5: memref<10240x128xf32, #tpu.memory_space<hbm>>, %arg6: memref<10240x128xf32, #tpu.memory_space<hbm>>, %arg7: memref<10240x128xf32, #tpu.memory_space<hbm>>, %arg8: memref<10240x128xf32, #tpu.memory_space<hbm>>, %arg9: memref<10240x128xf32, #tpu.memory_space<vmem_shared>>, %arg10: memref<80x128xf32, #tpu.memory_space<vmem>>, %arg11: memref<80x128xf32, #tpu.memory_space<vmem>>, %arg12: memref<80x128xf32, #tpu.memory_space<vmem>>, %arg13: memref<80xi32, #tpu.memory_space<vmem>>, %arg14: memref<80xi32, #tpu.memory_space<vmem>>, %arg15: memref<80xi32, #tpu.memory_space<vmem>>, %arg16: memref<!tpu.dma_semaphore, #tpu.memory_space<semaphore_mem>>, %arg17: memref<!tpu.dma_semaphore, #tpu.memory_space<semaphore_mem>>, %arg18: memref<!tpu.dma_semaphore, #tpu.memory_space<semaphore_mem>>, %arg19: memref<!tpu.dma_semaphore, #tpu.memory_space<semaphore_mem>>, %arg20: memref<!tpu.dma_semaphore, #tpu.memory_space<semaphore_mem>>, %arg21: memref<!tpu.dma_semaphore, #tpu.memory_space<semaphore_mem>>, %arg22: memref<!tpu.dma_semaphore, #tpu.memory_space<semaphore_mem>>, %arg23: memref<!tpu.dma_semaphore, #tpu.memory_space<semaphore_mem>>, %arg24: memref<!tpu.dma_semaphore, #tpu.memory_space<semaphore_mem>>) attributes {dimension_semantics = [#tpu.dimension_semantics<core_parallel>, #tpu.dimension_semantics<subcore_parallel>], iteration_bounds = array<i64: 2, 16>, scalar_prefetch = 0 : i64, scratch_operands = 16 : i64, tpu.core_type = #tpu.core_type<sc_vector_subcore>, window_params = [{transform_indices = #map}, {transform_indices = #map1}, {transform_indices = #map1}, {transform_indices = #map}, {transform_indices = #map}, {transform_indices = #map}, {transform_indices = #map}]} {
    %scan3A = arith.constant 0 : i32
    %scan3A_0 = arith.constant 80 : i32
    %scan3A_1 = arith.addi %scan3A, %scan3A_0 : i32
    %scan3A_2 = arith.constant 1 : i32
    scf.for %scan3A_131 = %scan3A to %scan3A_1 step %scan3A_2  : i32 {
      %broadcast_in_dim3A = arith.constant 0.000000e+00 : f32
      %broadcast_in_dim3A_132 = vector.broadcast %broadcast_in_dim3A : f32 to vector<16xf32>
      %swap3A = arith.index_cast %scan3A_131 : i32 to index
      %swap3A_133 = arith.constant 0 : index
      %swap3A_134 = tpu.vector_load %arg10[%swap3A, %swap3A_133] {strides = array<i32>} : memref<80x128xf32, #tpu.memory_space<vmem>>, vector<1x16xf32>,
      %swap3A_135 = vector.shape_cast %swap3A_134 : vector<1x16xf32> to vector<16xf32>
      %swap3A_136 = vector.shape_cast %broadcast_in_dim3A_132 : vector<16xf32> to vector<1x16xf32>
      tpu.vector_store %arg10[%swap3A, %swap3A_133], %swap3A_136 {strides = array<i32>} : memref<80x128xf32, #tpu.memory_space<vmem>>, vector<1x16xf32>,
      %broadcast_in_dim3A_137 = arith.constant 0.000000e+00 : f32
      %broadcast_in_dim3A_138 = vector.broadcast %broadcast_in_dim3A_137 : f32 to vector<16xf32>
      %swap3A_139 = arith.index_cast %scan3A_131 : i32 to index
      %swap3A_140 = arith.constant 16 : index
      %swap3A_141 = tpu.vector_load %arg10[%swap3A_139, %swap3A_140] {strides = array<i32>} : memref<80x128xf32, #tpu.memory_space<vmem>>, vector<1x16xf32>,
      %swap3A_142 = vector.shape_cast %swap3A_141 : vector<1x16xf32> to vector<16xf32>
      %swap3A_143 = vector.shape_cast %broadcast_in_dim3A_138 : vector<16xf32> to vector<1x16xf32>
      tpu.vector_store %arg10[%swap3A_139, %swap3A_140], %swap3A_143 {strides = array<i32>} : memref<80x128xf32, #tpu.memory_space<vmem>>, vector<1x16xf32>,
      %broadcast_in_dim3A_144 = arith.constant 0.000000e+00 : f32
      %broadcast_in_dim3A_145 = vector.broadcast %broadcast_in_dim3A_144 : f32 to vector<16xf32>
      %swap3A_146 = arith.index_cast %scan3A_131 : i32 to index
      %swap3A_147 = arith.constant 32 : index
      %swap3A_148 = tpu.vector_load %arg10[%swap3A_146, %swap3A_147] {strides = array<i32>} : memref<80x128xf32, #tpu.memory_space<vmem>>, vector<1x16xf32>,
      %swap3A_149 = vector.shape_cast %swap3A_148 : vector<1x16xf32> to vector<16xf32>
      %swap3A_150 = vector.shape_cast %broadcast_in_dim3A_145 : vector<16xf32> to vector<1x16xf32>
      tpu.vector_store %arg10[%swap3A_146, %swap3A_147], %swap3A_150 {strides = array<i32>} : memref<80x128xf32, #tpu.memory_space<vmem>>, vector<1x16xf32>,
      %broadcast_in_dim3A_151 = arith.constant 0.000000e+00 : f32
      %broadcast_in_dim3A_152 = vector.broadcast %broadcast_in_dim3A_151 : f32 to vector<16xf32>
      %swap3A_153 = arith.index_cast %scan3A_131 : i32 to index
      %swap3A_154 = arith.constant 48 : index
      %swap3A_155 = tpu.vector_load %arg10[%swap3A_153, %swap3A_154] {strides = array<i32>} : memref<80x128xf32, #tpu.memory_space<vmem>>, vector<1x16xf32>,
      %swap3A_156 = vector.shape_cast %swap3A_155 : vector<1x16xf32> to vector<16xf32>
      %swap3A_157 = vector.shape_cast %broadcast_in_dim3A_152 : vector<16xf32> to vector<1x16xf32>
      tpu.vector_store %arg10[%swap3A_153, %swap3A_154], %swap3A_157 {strides = array<i32>} : memref<80x128xf32, #tpu.memory_space<vmem>>, vector<1x16xf32>,
      %broadcast_in_dim3A_158 = arith.constant 0.000000e+00 : f32
      %broadcast_in_dim3A_159 = vector.broadcast %broadcast_in_dim3A_158 : f32 to vector<16xf32>
      %swap3A_160 = arith.index_cast %scan3A_131 : i32 to index
      %swap3A_161 = arith.constant 64 : index
      %swap3A_162 = tpu.vector_load %arg10[%swap3A_160, %swap3A_161] {strides = array<i32>} : memref<80x128xf32, #tpu.memory_space<vmem>>, vector<1x16xf32>,
      %swap3A_163 = vector.shape_cast %swap3A_162 : vector<1x16xf32> to vector<16xf32>
      %swap3A_164 = vector.shape_cast %broadcast_in_dim3A_159 : vector<16xf32> to vector<1x16xf32>
      tpu.vector_store %arg10[%swap3A_160, %swap3A_161], %swap3A_164 {strides = array<i32>} : memref<80x128xf32, #tpu.memory_space<vmem>>, vector<1x16xf32>,
      %broadcast_in_dim3A_165 = arith.constant 0.000000e+00 : f32
      %broadcast_in_dim3A_166 = vector.broadcast %broadcast_in_dim3A_165 : f32 to vector<16xf32>
      %swap3A_167 = arith.index_cast %scan3A_131 : i32 to index
      %swap3A_168 = arith.constant 80 : index
      %swap3A_169 = tpu.vector_load %arg10[%swap3A_167, %swap3A_168] {strides = array<i32>} : memref<80x128xf32, #tpu.memory_space<vmem>>, vector<1x16xf32>,
      %swap3A_170 = vector.shape_cast %swap3A_169 : vector<1x16xf32> to vector<16xf32>
      %swap3A_171 = vector.shape_cast %broadcast_in_dim3A_166 : vector<16xf32> to vector<1x16xf32>
      tpu.vector_store %arg10[%swap3A_167, %swap3A_168], %swap3A_171 {strides = array<i32>} : memref<80x128xf32, #tpu.memory_space<vmem>>, vector<1x16xf32>,
      %broadcast_in_dim3A_172 = arith.constant 0.000000e+00 : f32
      %broadcast_in_dim3A_173 = vector.broadcast %broadcast_in_dim3A_172 : f32 to vector<16xf32>
      %swap3A_174 = arith.index_cast %scan3A_131 : i32 to index
      %swap3A_175 = arith.constant 96 : index
      %swap3A_176 = tpu.vector_load %arg10[%swap3A_174, %swap3A_175] {strides = array<i32>} : memref<80x128xf32, #tpu.memory_space<vmem>>, vector<1x16xf32>,
      %swap3A_177 = vector.shape_cast %swap3A_176 : vector<1x16xf32> to vector<16xf32>
      %swap3A_178 = vector.shape_cast %broadcast_in_dim3A_173 : vector<16xf32> to vector<1x16xf32>
      tpu.vector_store %arg10[%swap3A_174, %swap3A_175], %swap3A_178 {strides = array<i32>} : memref<80x128xf32, #tpu.memory_space<vmem>>, vector<1x16xf32>,
      %broadcast_in_dim3A_179 = arith.constant 0.000000e+00 : f32
      %broadcast_in_dim3A_180 = vector.broadcast %broadcast_in_dim3A_179 : f32 to vector<16xf32>
      %swap3A_181 = arith.index_cast %scan3A_131 : i32 to index
      %swap3A_182 = arith.constant 112 : index
      %swap3A_183 = tpu.vector_load %arg10[%swap3A_181, %swap3A_182] {strides = array<i32>} : memref<80x128xf32, #tpu.memory_space<vmem>>, vector<1x16xf32>,
      %swap3A_184 = vector.shape_cast %swap3A_183 : vector<1x16xf32> to vector<16xf32>
      %swap3A_185 = vector.shape_cast %broadcast_in_dim3A_180 : vector<16xf32> to vector<1x16xf32>
      tpu.vector_store %arg10[%swap3A_181, %swap3A_182], %swap3A_185 {strides = array<i32>} : memref<80x128xf32, #tpu.memory_space<vmem>>, vector<1x16xf32>,
    }
    %scan3A_3 = arith.constant 80 : i32
    %mul3A = arith.constant 640 : i32
    %mul3A_4 = arith.muli %arg1, %mul3A : i32
    %add3A = arith.constant 0 : i32
    %add3A_5 = arith.addi %mul3A_4, %add3A : i32
    %multiple_of3A = tpu.assume_multiple %add3A_5, 80 : i32
    "tpu.region"() ({
      %run_scoped3A = tpu.sem_alloc : memref<!tpu.dma_semaphore, #tpu.memory_space<semaphore_mem>>
      %dma_start3A = arith.constant 0 : i32
      %dma_start3A_131 = tpu.memref_slice %arg9[%multiple_of3A, %dma_start3A] : memref<10240x128xf32, #tpu.memory_space<vmem_shared>> -> memref<80x128xf32, #tpu.memory_space<vmem_shared>>
      %dma_start3A_132 = arith.constant 0 : i32
      %dma_start3A_133 = tpu.memref_slice %arg9[%multiple_of3A, %dma_start3A_132] : memref<10240x128xf32, #tpu.memory_space<vmem_shared>> -> memref<80x128xf32, #tpu.memory_space<vmem_shared>>
      tpu.enqueue_dma source(%arg10 : memref<80x128xf32, #tpu.memory_space<vmem>>) target(%dma_start3A_133 : memref<80x128xf32, #tpu.memory_space<vmem_shared>>) target_semaphore(%run_scoped3A : memref<!tpu.dma_semaphore, #tpu.memory_space<semaphore_mem>>)
      %dma_wait3A = arith.constant 0 : i32
      %dma_wait3A_134 = tpu.memref_slice %arg9[%multiple_of3A, %dma_wait3A] : memref<10240x128xf32, #tpu.memory_space<vmem_shared>> -> memref<80x128xf32, #tpu.memory_space<vmem_shared>>
      %dma_wait3A_135 = arith.constant 0 : i32
      %dma_wait3A_136 = tpu.memref_slice %arg9[%multiple_of3A, %dma_wait3A_135] : memref<10240x128xf32, #tpu.memory_space<vmem_shared>> -> memref<80x128xf32, #tpu.memory_space<vmem_shared>>
      tpu.wait_dma2 semaphore(%run_scoped3A : memref<!tpu.dma_semaphore, #tpu.memory_space<semaphore_mem>>) src(%arg10 : memref<80x128xf32, #tpu.memory_space<vmem>>) dst(%dma_wait3A_136 : memref<80x128xf32, #tpu.memory_space<vmem_shared>>)
      tpu.yield
    }) : () -> ()
    %mul3A_6 = arith.constant 640 : i32
    %mul3A_7 = arith.muli %arg1, %mul3A_6 : i32
    %add3A_8 = arith.constant 80 : i32
    %add3A_9 = arith.addi %mul3A_7, %add3A_8 : i32
    %multiple_of3A_10 = tpu.assume_multiple %add3A_9, 80 : i32
    "tpu.region"() ({
      %run_scoped3A = tpu.sem_alloc : memref<!tpu.dma_semaphore, #tpu.memory_space<semaphore_mem>>
      %dma_start3A = arith.constant 0 : i32
      %dma_start3A_131 = tpu.memref_slice %arg9[%multiple_of3A_10, %dma_start3A] : memref<10240x128xf32, #tpu.memory_space<vmem_shared>> -> memref<80x128xf32, #tpu.memory_space<vmem_shared>>
      %dma_start3A_132 = arith.constant 0 : i32
      %dma_start3A_133 = tpu.memref_slice %arg9[%multiple_of3A_10, %dma_start3A_132] : memref<10240x128xf32, #tpu.memory_space<vmem_shared>> -> memref<80x128xf32, #tpu.memory_space<vmem_shared>>
      tpu.enqueue_dma source(%arg10 : memref<80x128xf32, #tpu.memory_space<vmem>>) target(%dma_start3A_133 : memref<80x128xf32, #tpu.memory_space<vmem_shared>>) target_semaphore(%run_scoped3A : memref<!tpu.dma_semaphore, #tpu.memory_space<semaphore_mem>>)
      %dma_wait3A = arith.constant 0 : i32
      %dma_wait3A_134 = tpu.memref_slice %arg9[%multiple_of3A_10, %dma_wait3A] : memref<10240x128xf32, #tpu.memory_space<vmem_shared>> -> memref<80x128xf32, #tpu.memory_space<vmem_shared>>
      %dma_wait3A_135 = arith.constant 0 : i32
      %dma_wait3A_136 = tpu.memref_slice %arg9[%multiple_of3A_10, %dma_wait3A_135] : memref<10240x128xf32, #tpu.memory_space<vmem_shared>> -> memref<80x128xf32, #tpu.memory_space<vmem_shared>>
      tpu.wait_dma2 semaphore(%run_scoped3A : memref<!tpu.dma_semaphore, #tpu.memory_space<semaphore_mem>>) src(%arg10 : memref<80x128xf32, #tpu.memory_space<vmem>>) dst(%dma_wait3A_136 : memref<80x128xf32, #tpu.memory_space<vmem_shared>>)
      tpu.yield
    }) : () -> ()
    %mul3A_11 = arith.constant 640 : i32
    %mul3A_12 = arith.muli %arg1, %mul3A_11 : i32
    %add3A_13 = arith.constant 160 : i32
    %add3A_14 = arith.addi %mul3A_12, %add3A_13 : i32
    %multiple_of3A_15 = tpu.assume_multiple %add3A_14, 80 : i32
    "tpu.region"() ({
      %run_scoped3A = tpu.sem_alloc : memref<!tpu.dma_semaphore, #tpu.memory_space<semaphore_mem>>
      %dma_start3A = arith.constant 0 : i32
      %dma_start3A_131 = tpu.memref_slice %arg9[%multiple_of3A_15, %dma_start3A] : memref<10240x128xf32, #tpu.memory_space<vmem_shared>> -> memref<80x128xf32, #tpu.memory_space<vmem_shared>>
      %dma_start3A_132 = arith.constant 0 : i32
      %dma_start3A_133 = tpu.memref_slice %arg9[%multiple_of3A_15, %dma_start3A_132] : memref<10240x128xf32, #tpu.memory_space<vmem_shared>> -> memref<80x128xf32, #tpu.memory_space<vmem_shared>>
      tpu.enqueue_dma source(%arg10 : memref<80x128xf32, #tpu.memory_space<vmem>>) target(%dma_start3A_133 : memref<80x128xf32, #tpu.memory_space<vmem_shared>>) target_semaphore(%run_scoped3A : memref<!tpu.dma_semaphore, #tpu.memory_space<semaphore_mem>>)
      %dma_wait3A = arith.constant 0 : i32
      %dma_wait3A_134 = tpu.memref_slice %arg9[%multiple_of3A_15, %dma_wait3A] : memref<10240x128xf32, #tpu.memory_space<vmem_shared>> -> memref<80x128xf32, #tpu.memory_space<vmem_shared>>
      %dma_wait3A_135 = arith.constant 0 : i32
      %dma_wait3A_136 = tpu.memref_slice %arg9[%multiple_of3A_15, %dma_wait3A_135] : memref<10240x128xf32, #tpu.memory_space<vmem_shared>> -> memref<80x128xf32, #tpu.memory_space<vmem_shared>>
      tpu.wait_dma2 semaphore(%run_scoped3A : memref<!tpu.dma_semaphore, #tpu.memory_space<semaphore_mem>>) src(%arg10 : memref<80x128xf32, #tpu.memory_space<vmem>>) dst(%dma_wait3A_136 : memref<80x128xf32, #tpu.memory_space<vmem_shared>>)
      tpu.yield
    }) : () -> ()
    %mul3A_16 = arith.constant 640 : i32
    %mul3A_17 = arith.muli %arg1, %mul3A_16 : i32
    %add3A_18 = arith.constant 240 : i32
    %add3A_19 = arith.addi %mul3A_17, %add3A_18 : i32
    %multiple_of3A_20 = tpu.assume_multiple %add3A_19, 80 : i32
    "tpu.region"() ({
      %run_scoped3A = tpu.sem_alloc : memref<!tpu.dma_semaphore, #tpu.memory_space<semaphore_mem>>
      %dma_start3A = arith.constant 0 : i32
      %dma_start3A_131 = tpu.memref_slice %arg9[%multiple_of3A_20, %dma_start3A] : memref<10240x128xf32, #tpu.memory_space<vmem_shared>> -> memref<80x128xf32, #tpu.memory_space<vmem_shared>>
      %dma_start3A_132 = arith.constant 0 : i32
      %dma_start3A_133 = tpu.memref_slice %arg9[%multiple_of3A_20, %dma_start3A_132] : memref<10240x128xf32, #tpu.memory_space<vmem_shared>> -> memref<80x128xf32, #tpu.memory_space<vmem_shared>>
      tpu.enqueue_dma source(%arg10 : memref<80x128xf32, #tpu.memory_space<vmem>>) target(%dma_start3A_133 : memref<80x128xf32, #tpu.memory_space<vmem_shared>>) target_semaphore(%run_scoped3A : memref<!tpu.dma_semaphore, #tpu.memory_space<semaphore_mem>>)
      %dma_wait3A = arith.constant 0 : i32
      %dma_wait3A_134 = tpu.memref_slice %arg9[%multiple_of3A_20, %dma_wait3A] : memref<10240x128xf32, #tpu.memory_space<vmem_shared>> -> memref<80x128xf32, #tpu.memory_space<vmem_shared>>
      %dma_wait3A_135 = arith.constant 0 : i32
      %dma_wait3A_136 = tpu.memref_slice %arg9[%multiple_of3A_20, %dma_wait3A_135] : memref<10240x128xf32, #tpu.memory_space<vmem_shared>> -> memref<80x128xf32, #tpu.memory_space<vmem_shared>>
      tpu.wait_dma2 semaphore(%run_scoped3A : memref<!tpu.dma_semaphore, #tpu.memory_space<semaphore_mem>>) src(%arg10 : memref<80x128xf32, #tpu.memory_space<vmem>>) dst(%dma_wait3A_136 : memref<80x128xf32, #tpu.memory_space<vmem_shared>>)
      tpu.yield
    }) : () -> ()
    %mul3A_21 = arith.constant 640 : i32
    %mul3A_22 = arith.muli %arg1, %mul3A_21 : i32
    %add3A_23 = arith.constant 320 : i32
    %add3A_24 = arith.addi %mul3A_22, %add3A_23 : i32
    %multiple_of3A_25 = tpu.assume_multiple %add3A_24, 80 : i32
    "tpu.region"() ({
      %run_scoped3A = tpu.sem_alloc : memref<!tpu.dma_semaphore, #tpu.memory_space<semaphore_mem>>
      %dma_start3A = arith.constant 0 : i32
      %dma_start3A_131 = tpu.memref_slice %arg9[%multiple_of3A_25, %dma_start3A] : memref<10240x128xf32, #tpu.memory_space<vmem_shared>> -> memref<80x128xf32, #tpu.memory_space<vmem_shared>>
      %dma_start3A_132 = arith.constant 0 : i32
      %dma_start3A_133 = tpu.memref_slice %arg9[%multiple_of3A_25, %dma_start3A_132] : memref<10240x128xf32, #tpu.memory_space<vmem_shared>> -> memref<80x128xf32, #tpu.memory_space<vmem_shared>>
      tpu.enqueue_dma source(%arg10 : memref<80x128xf32, #tpu.memory_space<vmem>>) target(%dma_start3A_133 : memref<80x128xf32, #tpu.memory_space<vmem_shared>>) target_semaphore(%run_scoped3A : memref<!tpu.dma_semaphore, #tpu.memory_space<semaphore_mem>>)
      %dma_wait3A = arith.constant 0 : i32
      %dma_wait3A_134 = tpu.memref_slice %arg9[%multiple_of3A_25, %dma_wait3A] : memref<10240x128xf32, #tpu.memory_space<vmem_shared>> -> memref<80x128xf32, #tpu.memory_space<vmem_shared>>
      %dma_wait3A_135 = arith.constant 0 : i32
      %dma_wait3A_136 = tpu.memref_slice %arg9[%multiple_of3A_25, %dma_wait3A_135] : memref<10240x128xf32, #tpu.memory_space<vmem_shared>> -> memref<80x128xf32, #tpu.memory_space<vmem_shared>>
      tpu.wait_dma2 semaphore(%run_scoped3A : memref<!tpu.dma_semaphore, #tpu.memory_space<semaphore_mem>>) src(%arg10 : memref<80x128xf32, #tpu.memory_space<vmem>>) dst(%dma_wait3A_136 : memref<80x128xf32, #tpu.memory_space<vmem_shared>>)
      tpu.yield
    }) : () -> ()
    %mul3A_26 = arith.constant 640 : i32
    %mul3A_27 = arith.muli %arg1, %mul3A_26 : i32
    %add3A_28 = arith.constant 400 : i32
    %add3A_29 = arith.addi %mul3A_27, %add3A_28 : i32
    %multiple_of3A_30 = tpu.assume_multiple %add3A_29, 80 : i32
    "tpu.region"() ({
      %run_scoped3A = tpu.sem_alloc : memref<!tpu.dma_semaphore, #tpu.memory_space<semaphore_mem>>
      %dma_start3A = arith.constant 0 : i32
      %dma_start3A_131 = tpu.memref_slice %arg9[%multiple_of3A_30, %dma_start3A] : memref<10240x128xf32, #tpu.memory_space<vmem_shared>> -> memref<80x128xf32, #tpu.memory_space<vmem_shared>>
      %dma_start3A_132 = arith.constant 0 : i32
      %dma_start3A_133 = tpu.memref_slice %arg9[%multiple_of3A_30, %dma_start3A_132] : memref<10240x128xf32, #tpu.memory_space<vmem_shared>> -> memref<80x128xf32, #tpu.memory_space<vmem_shared>>
      tpu.enqueue_dma source(%arg10 : memref<80x128xf32, #tpu.memory_space<vmem>>) target(%dma_start3A_133 : memref<80x128xf32, #tpu.memory_space<vmem_shared>>) target_semaphore(%run_scoped3A : memref<!tpu.dma_semaphore, #tpu.memory_space<semaphore_mem>>)
      %dma_wait3A = arith.constant 0 : i32
      %dma_wait3A_134 = tpu.memref_slice %arg9[%multiple_of3A_30, %dma_wait3A] : memref<10240x128xf32, #tpu.memory_space<vmem_shared>> -> memref<80x128xf32, #tpu.memory_space<vmem_shared>>
      %dma_wait3A_135 = arith.constant 0 : i32
      %dma_wait3A_136 = tpu.memref_slice %arg9[%multiple_of3A_30, %dma_wait3A_135] : memref<10240x128xf32, #tpu.memory_space<vmem_shared>> -> memref<80x128xf32, #tpu.memory_space<vmem_shared>>
      tpu.wait_dma2 semaphore(%run_scoped3A : memref<!tpu.dma_semaphore, #tpu.memory_space<semaphore_mem>>) src(%arg10 : memref<80x128xf32, #tpu.memory_space<vmem>>) dst(%dma_wait3A_136 : memref<80x128xf32, #tpu.memory_space<vmem_shared>>)
      tpu.yield
    }) : () -> ()
    %mul3A_31 = arith.constant 640 : i32
    %mul3A_32 = arith.muli %arg1, %mul3A_31 : i32
    %add3A_33 = arith.constant 480 : i32
    %add3A_34 = arith.addi %mul3A_32, %add3A_33 : i32
    %multiple_of3A_35 = tpu.assume_multiple %add3A_34, 80 : i32
    "tpu.region"() ({
      %run_scoped3A = tpu.sem_alloc : memref<!tpu.dma_semaphore, #tpu.memory_space<semaphore_mem>>
      %dma_start3A = arith.constant 0 : i32
      %dma_start3A_131 = tpu.memref_slice %arg9[%multiple_of3A_35, %dma_start3A] : memref<10240x128xf32, #tpu.memory_space<vmem_shared>> -> memref<80x128xf32, #tpu.memory_space<vmem_shared>>
      %dma_start3A_132 = arith.constant 0 : i32
      %dma_start3A_133 = tpu.memref_slice %arg9[%multiple_of3A_35, %dma_start3A_132] : memref<10240x128xf32, #tpu.memory_space<vmem_shared>> -> memref<80x128xf32, #tpu.memory_space<vmem_shared>>
      tpu.enqueue_dma source(%arg10 : memref<80x128xf32, #tpu.memory_space<vmem>>) target(%dma_start3A_133 : memref<80x128xf32, #tpu.memory_space<vmem_shared>>) target_semaphore(%run_scoped3A : memref<!tpu.dma_semaphore, #tpu.memory_space<semaphore_mem>>)
      %dma_wait3A = arith.constant 0 : i32
      %dma_wait3A_134 = tpu.memref_slice %arg9[%multiple_of3A_35, %dma_wait3A] : memref<10240x128xf32, #tpu.memory_space<vmem_shared>> -> memref<80x128xf32, #tpu.memory_space<vmem_shared>>
      %dma_wait3A_135 = arith.constant 0 : i32
      %dma_wait3A_136 = tpu.memref_slice %arg9[%multiple_of3A_35, %dma_wait3A_135] : memref<10240x128xf32, #tpu.memory_space<vmem_shared>> -> memref<80x128xf32, #tpu.memory_space<vmem_shared>>
      tpu.wait_dma2 semaphore(%run_scoped3A : memref<!tpu.dma_semaphore, #tpu.memory_space<semaphore_mem>>) src(%arg10 : memref<80x128xf32, #tpu.memory_space<vmem>>) dst(%dma_wait3A_136 : memref<80x128xf32, #tpu.memory_space<vmem_shared>>)
      tpu.yield
    }) : () -> ()
    %mul3A_36 = arith.constant 640 : i32
    %mul3A_37 = arith.muli %arg1, %mul3A_36 : i32
    %add3A_38 = arith.constant 560 : i32
    %add3A_39 = arith.addi %mul3A_37, %add3A_38 : i32
    %multiple_of3A_40 = tpu.assume_multiple %add3A_39, 80 : i32
    "tpu.region"() ({
      %run_scoped3A = tpu.sem_alloc : memref<!tpu.dma_semaphore, #tpu.memory_space<semaphore_mem>>
      %dma_start3A = arith.constant 0 : i32
      %dma_start3A_131 = tpu.memref_slice %arg9[%multiple_of3A_40, %dma_start3A] : memref<10240x128xf32, #tpu.memory_space<vmem_shared>> -> memref<80x128xf32, #tpu.memory_space<vmem_shared>>
      %dma_start3A_132 = arith.constant 0 : i32
      %dma_start3A_133 = tpu.memref_slice %arg9[%multiple_of3A_40, %dma_start3A_132] : memref<10240x128xf32, #tpu.memory_space<vmem_shared>> -> memref<80x128xf32, #tpu.memory_space<vmem_shared>>
      tpu.enqueue_dma source(%arg10 : memref<80x128xf32, #tpu.memory_space<vmem>>) target(%dma_start3A_133 : memref<80x128xf32, #tpu.memory_space<vmem_shared>>) target_semaphore(%run_scoped3A : memref<!tpu.dma_semaphore, #tpu.memory_space<semaphore_mem>>)
      %dma_wait3A = arith.constant 0 : i32
      %dma_wait3A_134 = tpu.memref_slice %arg9[%multiple_of3A_40, %dma_wait3A] : memref<10240x128xf32, #tpu.memory_space<vmem_shared>> -> memref<80x128xf32, #tpu.memory_space<vmem_shared>>
      %dma_wait3A_135 = arith.constant 0 : i32
      %dma_wait3A_136 = tpu.memref_slice %arg9[%multiple_of3A_40, %dma_wait3A_135] : memref<10240x128xf32, #tpu.memory_space<vmem_shared>> -> memref<80x128xf32, #tpu.memory_space<vmem_shared>>
      tpu.wait_dma2 semaphore(%run_scoped3A : memref<!tpu.dma_semaphore, #tpu.memory_space<semaphore_mem>>) src(%arg10 : memref<80x128xf32, #tpu.memory_space<vmem>>) dst(%dma_wait3A_136 : memref<80x128xf32, #tpu.memory_space<vmem_shared>>)
      tpu.yield
    }) : () -> ()
    %barrier3A = arith.constant 0 : index
    tpu.barrier barrier_id(%barrier3A)
    %eq3A = arith.constant 0 : i32
    %eq3A_41 = arith.cmpi eq, %arg0, %eq3A : i32
    %convert_element_type3A = arith.extui %eq3A_41 : i1 to i32
    %cond3A = arith.constant 0 : i32
    %cond3A_42 = arith.cmpi ne, %convert_element_type3A, %cond3A : i32
    scf.if %cond3A_42 {
      %add3A_131 = arith.constant 0 : i32
      %add3A_132 = arith.addi %arg1, %add3A_131 : i32
      %lt3A = arith.constant 4000 : i32
      %lt3A_133 = arith.cmpi slt, %add3A_132, %lt3A : i32
      %convert_element_type3A_134 = arith.extui %lt3A_133 : i1 to i32
      %cond3A_135 = arith.constant 0 : i32
      %cond3A_136 = arith.cmpi ne, %convert_element_type3A_134, %cond3A_135 : i32
      scf.if %cond3A_136 {
        %add3A_195 = arith.constant 0 : i32
        %add3A_196 = arith.addi %arg1, %add3A_195 : i32
        %mul3A_197 = arith.constant 80 : i32
        %mul3A_198 = arith.muli %add3A_196, %mul3A_197 : i32
        %multiple_of3A_199 = tpu.assume_multiple %mul3A_198, 80 : i32
        %dma_start3A = tpu.memref_slice %arg3[%multiple_of3A_199] : memref<320000xi32, #tpu.memory_space<hbm>> -> memref<80xi32, #tpu.memory_space<hbm>>
        %dma_start3A_200 = tpu.memref_slice %arg3[%multiple_of3A_199] : memref<320000xi32, #tpu.memory_space<hbm>> -> memref<80xi32, #tpu.memory_space<hbm>>
        tpu.enqueue_dma source(%dma_start3A_200 : memref<80xi32, #tpu.memory_space<hbm>>) target(%arg13 : memref<80xi32, #tpu.memory_space<vmem>>) target_semaphore(%arg16 : memref<!tpu.dma_semaphore, #tpu.memory_space<semaphore_mem>>)
        %dma_start3A_201 = arith.constant 0 : i32
        %dma_start3A_202 = tpu.memref_slice %arg2[%multiple_of3A_199, %dma_start3A_201] : memref<320000x128xf32, #tpu.memory_space<hbm>> -> memref<80x128xf32, #tpu.memory_space<hbm>>
        %dma_start3A_203 = arith.constant 0 : i32
        %dma_start3A_204 = tpu.memref_slice %arg2[%multiple_of3A_199, %dma_start3A_203] : memref<320000x128xf32, #tpu.memory_space<hbm>> -> memref<80x128xf32, #tpu.memory_space<hbm>>
        tpu.enqueue_dma source(%dma_start3A_204 : memref<80x128xf32, #tpu.memory_space<hbm>>) target(%arg10 : memref<80x128xf32, #tpu.memory_space<vmem>>) target_semaphore(%arg19 : memref<!tpu.dma_semaphore, #tpu.memory_space<semaphore_mem>>)
      } else {
      }
      %add3A_137 = arith.constant 16 : i32
      %add3A_138 = arith.addi %arg1, %add3A_137 : i32
      %lt3A_139 = arith.constant 4000 : i32
      %lt3A_140 = arith.cmpi slt, %add3A_138, %lt3A_139 : i32
      %convert_element_type3A_141 = arith.extui %lt3A_140 : i1 to i32
      %cond3A_142 = arith.constant 0 : i32
      %cond3A_143 = arith.cmpi ne, %convert_element_type3A_141, %cond3A_142 : i32
      scf.if %cond3A_143 {
        %add3A_195 = arith.constant 16 : i32
        %add3A_196 = arith.addi %arg1, %add3A_195 : i32
        %mul3A_197 = arith.constant 80 : i32
        %mul3A_198 = arith.muli %add3A_196, %mul3A_197 : i32
        %multiple_of3A_199 = tpu.assume_multiple %mul3A_198, 80 : i32
        %dma_start3A = tpu.memref_slice %arg3[%multiple_of3A_199] : memref<320000xi32, #tpu.memory_space<hbm>> -> memref<80xi32, #tpu.memory_space<hbm>>
        %dma_start3A_200 = tpu.memref_slice %arg3[%multiple_of3A_199] : memref<320000xi32, #tpu.memory_space<hbm>> -> memref<80xi32, #tpu.memory_space<hbm>>
        tpu.enqueue_dma source(%dma_start3A_200 : memref<80xi32, #tpu.memory_space<hbm>>) target(%arg14 : memref<80xi32, #tpu.memory_space<vmem>>) target_semaphore(%arg17 : memref<!tpu.dma_semaphore, #tpu.memory_space<semaphore_mem>>)
        %dma_start3A_201 = arith.constant 0 : i32
        %dma_start3A_202 = tpu.memref_slice %arg2[%multiple_of3A_199, %dma_start3A_201] : memref<320000x128xf32, #tpu.memory_space<hbm>> -> memref<80x128xf32, #tpu.memory_space<hbm>>
        %dma_start3A_203 = arith.constant 0 : i32
        %dma_start3A_204 = tpu.memref_slice %arg2[%multiple_of3A_199, %dma_start3A_203] : memref<320000x128xf32, #tpu.memory_space<hbm>> -> memref<80x128xf32, #tpu.memory_space<hbm>>
        tpu.enqueue_dma source(%dma_start3A_204 : memref<80x128xf32, #tpu.memory_space<hbm>>) target(%arg11 : memref<80x128xf32, #tpu.memory_space<vmem>>) target_semaphore(%arg20 : memref<!tpu.dma_semaphore, #tpu.memory_space<semaphore_mem>>)
      } else {
      }
      %scan3A_144 = arith.constant 0 : i32
      %scan3A_145 = arith.constant 84 : i32
      %scan3A_146 = arith.addi %scan3A_144, %scan3A_145 : i32
      %scan3A_147 = arith.constant 1 : i32
      scf.for %scan3A_195 = %scan3A_144 to %scan3A_146 step %scan3A_147  : i32 {
        %mul3A_196 = arith.constant 3 : i32
        %mul3A_197 = arith.muli %scan3A_195, %mul3A_196 : i32
        %add3A_198 = arith.constant 0 : i32
        %add3A_199 = arith.addi %mul3A_197, %add3A_198 : i32
        %mul3A_200 = arith.constant 16 : i32
        %mul3A_201 = arith.muli %add3A_199, %mul3A_200 : i32
        %add3A_202 = arith.addi %arg1, %mul3A_201 : i32
        %lt3A_203 = arith.constant 4000 : i32
        %lt3A_204 = arith.cmpi slt, %add3A_202, %lt3A_203 : i32
        %convert_element_type3A_205 = arith.extui %lt3A_204 : i1 to i32
        %cond3A_206 = arith.constant 0 : i32
        %cond3A_207 = arith.cmpi ne, %convert_element_type3A_205, %cond3A_206 : i32
        scf.if %cond3A_207 {
          %mul3A_258 = arith.constant 16 : i32
          %mul3A_259 = arith.muli %add3A_199, %mul3A_258 : i32
          %add3A_260 = arith.addi %arg1, %mul3A_259 : i32
          %mul3A_261 = arith.constant 80 : i32
          %mul3A_262 = arith.muli %add3A_260, %mul3A_261 : i32
          %multiple_of3A_263 = tpu.assume_multiple %mul3A_262, 80 : i32
          %dma_wait3A = tpu.memref_slice %arg3[%multiple_of3A_263] : memref<320000xi32, #tpu.memory_space<hbm>> -> memref<80xi32, #tpu.memory_space<hbm>>
          %dma_wait3A_264 = tpu.memref_slice %arg3[%multiple_of3A_263] : memref<320000xi32, #tpu.memory_space<hbm>> -> memref<80xi32, #tpu.memory_space<hbm>>
          tpu.wait_dma2 semaphore(%arg16 : memref<!tpu.dma_semaphore, #tpu.memory_space<semaphore_mem>>) src(%dma_wait3A_264 : memref<80xi32, #tpu.memory_space<hbm>>) dst(%arg13 : memref<80xi32, #tpu.memory_space<vmem>>)
          %dma_wait3A_265 = arith.constant 0 : i32
          %dma_wait3A_266 = tpu.memref_slice %arg2[%multiple_of3A_263, %dma_wait3A_265] : memref<320000x128xf32, #tpu.memory_space<hbm>> -> memref<80x128xf32, #tpu.memory_space<hbm>>
          %dma_wait3A_267 = arith.constant 0 : i32
          %dma_wait3A_268 = tpu.memref_slice %arg2[%multiple_of3A_263, %dma_wait3A_267] : memref<320000x128xf32, #tpu.memory_space<hbm>> -> memref<80x128xf32, #tpu.memory_space<hbm>>
          tpu.wait_dma2 semaphore(%arg19 : memref<!tpu.dma_semaphore, #tpu.memory_space<semaphore_mem>>) src(%dma_wait3A_268 : memref<80x128xf32, #tpu.memory_space<hbm>>) dst(%arg10 : memref<80x128xf32, #tpu.memory_space<vmem>>)
          %dma_start3A = arith.constant 0 : i32
          %dma_start3A_269 = arith.constant 0 : i32
          %dma_start3A_270 = tpu.memref_slice %arg9[%dma_start3A, %dma_start3A_269] : memref<10240x128xf32, #tpu.memory_space<vmem_shared>> -> memref<10240x128xf32, #tpu.memory_space<vmem_shared>>
          tpu.enqueue_indirect_dma source(%arg10 : memref<80x128xf32, #tpu.memory_space<vmem>>) target(%dma_start3A_270 : memref<10240x128xf32, #tpu.memory_space<vmem_shared>>) offsets(%arg13 : memref<80xi32, #tpu.memory_space<vmem>>) semaphore(%arg22 : memref<!tpu.dma_semaphore, #tpu.memory_space<semaphore_mem>>) {add = true}
        } else {
        }
        %add3A_208 = arith.constant 2 : i32
        %add3A_209 = arith.addi %add3A_199, %add3A_208 : i32
        %mul3A_210 = arith.constant 16 : i32
        %mul3A_211 = arith.muli %add3A_209, %mul3A_210 : i32
        %add3A_212 = arith.addi %arg1, %mul3A_211 : i32
        %lt3A_213 = arith.constant 4000 : i32
        %lt3A_214 = arith.cmpi slt, %add3A_212, %lt3A_213 : i32
        %convert_element_type3A_215 = arith.extui %lt3A_214 : i1 to i32
        %cond3A_216 = arith.constant 0 : i32
        %cond3A_217 = arith.cmpi ne, %convert_element_type3A_215, %cond3A_216 : i32
        scf.if %cond3A_217 {
          %ge3A_258 = arith.constant 1 : i32
          %ge3A_259 = arith.cmpi sge, %add3A_199, %ge3A_258 : i32
          %sub3A = arith.constant 1 : i32
          %sub3A_260 = arith.subi %add3A_199, %sub3A : i32
          %mul3A_261 = arith.constant 16 : i32
          %mul3A_262 = arith.muli %sub3A_260, %mul3A_261 : i32
          %add3A_263 = arith.addi %arg1, %mul3A_262 : i32
          %lt3A_264 = arith.constant 4000 : i32
          %lt3A_265 = arith.cmpi slt, %add3A_263, %lt3A_264 : i32
          %and3A_266 = arith.andi %ge3A_259, %lt3A_265 : i1
          %convert_element_type3A_267 = arith.extui %and3A_266 : i1 to i32
          %cond3A_268 = arith.constant 0 : i32
          %cond3A_269 = arith.cmpi ne, %convert_element_type3A_267, %cond3A_268 : i32
          scf.if %cond3A_269 {
            %dma_wait3A = arith.constant 0 : i32
            %dma_wait3A_283 = arith.constant 0 : i32
            %dma_wait3A_284 = tpu.memref_slice %arg9[%dma_wait3A, %dma_wait3A_283] : memref<10240x128xf32, #tpu.memory_space<vmem_shared>> -> memref<10240x128xf32, #tpu.memory_space<vmem_shared>>
            tpu.wait_indirect_dma semaphore(%arg24 : memref<!tpu.dma_semaphore, #tpu.memory_space<semaphore_mem>>) src(%arg12 : memref<80x128xf32, #tpu.memory_space<vmem>>) dst(%dma_wait3A_284 : memref<10240x128xf32, #tpu.memory_space<vmem_shared>>)
          } else {
          }
          %add3A_270 = arith.constant 2 : i32
          %add3A_271 = arith.addi %add3A_199, %add3A_270 : i32
          %mul3A_272 = arith.constant 16 : i32
          %mul3A_273 = arith.muli %add3A_271, %mul3A_272 : i32
          %add3A_274 = arith.addi %arg1, %mul3A_273 : i32
          %mul3A_275 = arith.constant 80 : i32
          %mul3A_276 = arith.muli %add3A_274, %mul3A_275 : i32
          %multiple_of3A_277 = tpu.assume_multiple %mul3A_276, 80 : i32
          %dma_start3A = tpu.memref_slice %arg3[%multiple_of3A_277] : memref<320000xi32, #tpu.memory_space<hbm>> -> memref<80xi32, #tpu.memory_space<hbm>>
          %dma_start3A_278 = tpu.memref_slice %arg3[%multiple_of3A_277] : memref<320000xi32, #tpu.memory_space<hbm>> -> memref<80xi32, #tpu.memory_space<hbm>>
          tpu.enqueue_dma source(%dma_start3A_278 : memref<80xi32, #tpu.memory_space<hbm>>) target(%arg15 : memref<80xi32, #tpu.memory_space<vmem>>) target_semaphore(%arg18 : memref<!tpu.dma_semaphore, #tpu.memory_space<semaphore_mem>>)
          %dma_start3A_279 = arith.constant 0 : i32
          %dma_start3A_280 = tpu.memref_slice %arg2[%multiple_of3A_277, %dma_start3A_279] : memref<320000x128xf32, #tpu.memory_space<hbm>> -> memref<80x128xf32, #tpu.memory_space<hbm>>
          %dma_start3A_281 = arith.constant 0 : i32
          %dma_start3A_282 = tpu.memref_slice %arg2[%multiple_of3A_277, %dma_start3A_281] : memref<320000x128xf32, #tpu.memory_space<hbm>> -> memref<80x128xf32, #tpu.memory_space<hbm>>
          tpu.enqueue_dma source(%dma_start3A_282 : memref<80x128xf32, #tpu.memory_space<hbm>>) target(%arg12 : memref<80x128xf32, #tpu.memory_space<vmem>>) target_semaphore(%arg21 : memref<!tpu.dma_semaphore, #tpu.memory_space<semaphore_mem>>)
        } else {
        }
        %add3A_218 = arith.constant 1 : i32
        %add3A_219 = arith.addi %mul3A_197, %add3A_218 : i32
        %mul3A_220 = arith.constant 16 : i32
        %mul3A_221 = arith.muli %add3A_219, %mul3A_220 : i32
        %add3A_222 = arith.addi %arg1, %mul3A_221 : i32
        %lt3A_223 = arith.constant 4000 : i32
        %lt3A_224 = arith.cmpi slt, %add3A_222, %lt3A_223 : i32
        %convert_element_type3A_225 = arith.extui %lt3A_224 : i1 to i32
        %cond3A_226 = arith.constant 0 : i32
        %cond3A_227 = arith.cmpi ne, %convert_element_type3A_225, %cond3A_226 : i32
        scf.if %cond3A_227 {
          %mul3A_258 = arith.constant 16 : i32
          %mul3A_259 = arith.muli %add3A_219, %mul3A_258 : i32
          %add3A_260 = arith.addi %arg1, %mul3A_259 : i32
          %mul3A_261 = arith.constant 80 : i32
          %mul3A_262 = arith.muli %add3A_260, %mul3A_261 : i32
          %multiple_of3A_263 = tpu.assume_multiple %mul3A_262, 80 : i32
          %dma_wait3A = tpu.memref_slice %arg3[%multiple_of3A_263] : memref<320000xi32, #tpu.memory_space<hbm>> -> memref<80xi32, #tpu.memory_space<hbm>>
          %dma_wait3A_264 = tpu.memref_slice %arg3[%multiple_of3A_263] : memref<320000xi32, #tpu.memory_space<hbm>> -> memref<80xi32, #tpu.memory_space<hbm>>
          tpu.wait_dma2 semaphore(%arg17 : memref<!tpu.dma_semaphore, #tpu.memory_space<semaphore_mem>>) src(%dma_wait3A_264 : memref<80xi32, #tpu.memory_space<hbm>>) dst(%arg14 : memref<80xi32, #tpu.memory_space<vmem>>)
          %dma_wait3A_265 = arith.constant 0 : i32
          %dma_wait3A_266 = tpu.memref_slice %arg2[%multiple_of3A_263, %dma_wait3A_265] : memref<320000x128xf32, #tpu.memory_space<hbm>> -> memref<80x128xf32, #tpu.memory_space<hbm>>
          %dma_wait3A_267 = arith.constant 0 : i32
          %dma_wait3A_268 = tpu.memref_slice %arg2[%multiple_of3A_263, %dma_wait3A_267] : memref<320000x128xf32, #tpu.memory_space<hbm>> -> memref<80x128xf32, #tpu.memory_space<hbm>>
          tpu.wait_dma2 semaphore(%arg20 : memref<!tpu.dma_semaphore, #tpu.memory_space<semaphore_mem>>) src(%dma_wait3A_268 : memref<80x128xf32, #tpu.memory_space<hbm>>) dst(%arg11 : memref<80x128xf32, #tpu.memory_space<vmem>>)
          %dma_start3A = arith.constant 0 : i32
          %dma_start3A_269 = arith.constant 0 : i32
          %dma_start3A_270 = tpu.memref_slice %arg9[%dma_start3A, %dma_start3A_269] : memref<10240x128xf32, #tpu.memory_space<vmem_shared>> -> memref<10240x128xf32, #tpu.memory_space<vmem_shared>>
          tpu.enqueue_indirect_dma source(%arg11 : memref<80x128xf32, #tpu.memory_space<vmem>>) target(%dma_start3A_270 : memref<10240x128xf32, #tpu.memory_space<vmem_shared>>) offsets(%arg14 : memref<80xi32, #tpu.memory_space<vmem>>) semaphore(%arg23 : memref<!tpu.dma_semaphore, #tpu.memory_space<semaphore_mem>>) {add = true}
        } else {
        }
        %add3A_228 = arith.constant 2 : i32
        %add3A_229 = arith.addi %add3A_219, %add3A_228 : i32
        %mul3A_230 = arith.constant 16 : i32
        %mul3A_231 = arith.muli %add3A_229, %mul3A_230 : i32
        %add3A_232 = arith.addi %arg1, %mul3A_231 : i32
        %lt3A_233 = arith.constant 4000 : i32
        %lt3A_234 = arith.cmpi slt, %add3A_232, %lt3A_233 : i32
        %convert_element_type3A_235 = arith.extui %lt3A_234 : i1 to i32
        %cond3A_236 = arith.constant 0 : i32
        %cond3A_237 = arith.cmpi ne, %convert_element_type3A_235, %cond3A_236 : i32
        scf.if %cond3A_237 {
          %ge3A_258 = arith.constant 1 : i32
          %ge3A_259 = arith.cmpi sge, %add3A_219, %ge3A_258 : i32
          %sub3A = arith.constant 1 : i32
          %sub3A_260 = arith.subi %add3A_219, %sub3A : i32
          %mul3A_261 = arith.constant 16 : i32
          %mul3A_262 = arith.muli %sub3A_260, %mul3A_261 : i32
          %add3A_263 = arith.addi %arg1, %mul3A_262 : i32
          %lt3A_264 = arith.constant 4000 : i32
          %lt3A_265 = arith.cmpi slt, %add3A_263, %lt3A_264 : i32
          %and3A_266 = arith.andi %ge3A_259, %lt3A_265 : i1
          %convert_element_type3A_267 = arith.extui %and3A_266 : i1 to i32
          %cond3A_268 = arith.constant 0 : i32
          %cond3A_269 = arith.cmpi ne, %convert_element_type3A_267, %cond3A_268 : i32
          scf.if %cond3A_269 {
            %dma_wait3A = arith.constant 0 : i32
            %dma_wait3A_283 = arith.constant 0 : i32
            %dma_wait3A_284 = tpu.memref_slice %arg9[%dma_wait3A, %dma_wait3A_283] : memref<10240x128xf32, #tpu.memory_space<vmem_shared>> -> memref<10240x128xf32, #tpu.memory_space<vmem_shared>>
            tpu.wait_indirect_dma semaphore(%arg22 : memref<!tpu.dma_semaphore, #tpu.memory_space<semaphore_mem>>) src(%arg10 : memref<80x128xf32, #tpu.memory_space<vmem>>) dst(%dma_wait3A_284 : memref<10240x128xf32, #tpu.memory_space<vmem_shared>>)
          } else {
          }
          %add3A_270 = arith.constant 2 : i32
          %add3A_271 = arith.addi %add3A_219, %add3A_270 : i32
          %mul3A_272 = arith.constant 16 : i32
          %mul3A_273 = arith.muli %add3A_271, %mul3A_272 : i32
          %add3A_274 = arith.addi %arg1, %mul3A_273 : i32
          %mul3A_275 = arith.constant 80 : i32
          %mul3A_276 = arith.muli %add3A_274, %mul3A_275 : i32
          %multiple_of3A_277 = tpu.assume_multiple %mul3A_276, 80 : i32
          %dma_start3A = tpu.memref_slice %arg3[%multiple_of3A_277] : memref<320000xi32, #tpu.memory_space<hbm>> -> memref<80xi32, #tpu.memory_space<hbm>>
          %dma_start3A_278 = tpu.memref_slice %arg3[%multiple_of3A_277] : memref<320000xi32, #tpu.memory_space<hbm>> -> memref<80xi32, #tpu.memory_space<hbm>>
          tpu.enqueue_dma source(%dma_start3A_278 : memref<80xi32, #tpu.memory_space<hbm>>) target(%arg13 : memref<80xi32, #tpu.memory_space<vmem>>) target_semaphore(%arg16 : memref<!tpu.dma_semaphore, #tpu.memory_space<semaphore_mem>>)
          %dma_start3A_279 = arith.constant 0 : i32
          %dma_start3A_280 = tpu.memref_slice %arg2[%multiple_of3A_277, %dma_start3A_279] : memref<320000x128xf32, #tpu.memory_space<hbm>> -> memref<80x128xf32, #tpu.memory_space<hbm>>
          %dma_start3A_281 = arith.constant 0 : i32
          %dma_start3A_282 = tpu.memref_slice %arg2[%multiple_of3A_277, %dma_start3A_281] : memref<320000x128xf32, #tpu.memory_space<hbm>> -> memref<80x128xf32, #tpu.memory_space<hbm>>
          tpu.enqueue_dma source(%dma_start3A_282 : memref<80x128xf32, #tpu.memory_space<hbm>>) target(%arg10 : memref<80x128xf32, #tpu.memory_space<vmem>>) target_semaphore(%arg19 : memref<!tpu.dma_semaphore, #tpu.memory_space<semaphore_mem>>)
        } else {
        }
        %add3A_238 = arith.constant 2 : i32
        %add3A_239 = arith.addi %mul3A_197, %add3A_238 : i32
        %mul3A_240 = arith.constant 16 : i32
        %mul3A_241 = arith.muli %add3A_239, %mul3A_240 : i32
        %add3A_242 = arith.addi %arg1, %mul3A_241 : i32
        %lt3A_243 = arith.constant 4000 : i32
        %lt3A_244 = arith.cmpi slt, %add3A_242, %lt3A_243 : i32
        %convert_element_type3A_245 = arith.extui %lt3A_244 : i1 to i32
        %cond3A_246 = arith.constant 0 : i32
        %cond3A_247 = arith.cmpi ne, %convert_element_type3A_245, %cond3A_246 : i32
        scf.if %cond3A_247 {
          %mul3A_258 = arith.constant 16 : i32
          %mul3A_259 = arith.muli %add3A_239, %mul3A_258 : i32
          %add3A_260 = arith.addi %arg1, %mul3A_259 : i32
          %mul3A_261 = arith.constant 80 : i32
          %mul3A_262 = arith.muli %add3A_260, %mul3A_261 : i32
          %multiple_of3A_263 = tpu.assume_multiple %mul3A_262, 80 : i32
          %dma_wait3A = tpu.memref_slice %arg3[%multiple_of3A_263] : memref<320000xi32, #tpu.memory_space<hbm>> -> memref<80xi32, #tpu.memory_space<hbm>>
          %dma_wait3A_264 = tpu.memref_slice %arg3[%multiple_of3A_263] : memref<320000xi32, #tpu.memory_space<hbm>> -> memref<80xi32, #tpu.memory_space<hbm>>
          tpu.wait_dma2 semaphore(%arg18 : memref<!tpu.dma_semaphore, #tpu.memory_space<semaphore_mem>>) src(%dma_wait3A_264 : memref<80xi32, #tpu.memory_space<hbm>>) dst(%arg15 : memref<80xi32, #tpu.memory_space<vmem>>)
          %dma_wait3A_265 = arith.constant 0 : i32
          %dma_wait3A_266 = tpu.memref_slice %arg2[%multiple_of3A_263, %dma_wait3A_265] : memref<320000x128xf32, #tpu.memory_space<hbm>> -> memref<80x128xf32, #tpu.memory_space<hbm>>
          %dma_wait3A_267 = arith.constant 0 : i32
          %dma_wait3A_268 = tpu.memref_slice %arg2[%multiple_of3A_263, %dma_wait3A_267] : memref<320000x128xf32, #tpu.memory_space<hbm>> -> memref<80x128xf32, #tpu.memory_space<hbm>>
          tpu.wait_dma2 semaphore(%arg21 : memref<!tpu.dma_semaphore, #tpu.memory_space<semaphore_mem>>) src(%dma_wait3A_268 : memref<80x128xf32, #tpu.memory_space<hbm>>) dst(%arg12 : memref<80x128xf32, #tpu.memory_space<vmem>>)
          %dma_start3A = arith.constant 0 : i32
          %dma_start3A_269 = arith.constant 0 : i32
          %dma_start3A_270 = tpu.memref_slice %arg9[%dma_start3A, %dma_start3A_269] : memref<10240x128xf32, #tpu.memory_space<vmem_shared>> -> memref<10240x128xf32, #tpu.memory_space<vmem_shared>>
          tpu.enqueue_indirect_dma source(%arg12 : memref<80x128xf32, #tpu.memory_space<vmem>>) target(%dma_start3A_270 : memref<10240x128xf32, #tpu.memory_space<vmem_shared>>) offsets(%arg15 : memref<80xi32, #tpu.memory_space<vmem>>) semaphore(%arg24 : memref<!tpu.dma_semaphore, #tpu.memory_space<semaphore_mem>>) {add = true}
        } else {
        }
        %add3A_248 = arith.constant 2 : i32
        %add3A_249 = arith.addi %add3A_239, %add3A_248 : i32
        %mul3A_250 = arith.constant 16 : i32
        %mul3A_251 = arith.muli %add3A_249, %mul3A_250 : i32
        %add3A_252 = arith.addi %arg1, %mul3A_251 : i32
        %lt3A_253 = arith.constant 4000 : i32
        %lt3A_254 = arith.cmpi slt, %add3A_252, %lt3A_253 : i32
        %convert_element_type3A_255 = arith.extui %lt3A_254 : i1 to i32
        %cond3A_256 = arith.constant 0 : i32
        %cond3A_257 = arith.cmpi ne, %convert_element_type3A_255, %cond3A_256 : i32
        scf.if %cond3A_257 {
          %ge3A_258 = arith.constant 1 : i32
          %ge3A_259 = arith.cmpi sge, %add3A_239, %ge3A_258 : i32
          %sub3A = arith.constant 1 : i32
          %sub3A_260 = arith.subi %add3A_239, %sub3A : i32
          %mul3A_261 = arith.constant 16 : i32
          %mul3A_262 = arith.muli %sub3A_260, %mul3A_261 : i32
          %add3A_263 = arith.addi %arg1, %mul3A_262 : i32
          %lt3A_264 = arith.constant 4000 : i32
          %lt3A_265 = arith.cmpi slt, %add3A_263, %lt3A_264 : i32
          %and3A_266 = arith.andi %ge3A_259, %lt3A_265 : i1
          %convert_element_type3A_267 = arith.extui %and3A_266 : i1 to i32
          %cond3A_268 = arith.constant 0 : i32
          %cond3A_269 = arith.cmpi ne, %convert_element_type3A_267, %cond3A_268 : i32
          scf.if %cond3A_269 {
            %dma_wait3A = arith.constant 0 : i32
            %dma_wait3A_283 = arith.constant 0 : i32
            %dma_wait3A_284 = tpu.memref_slice %arg9[%dma_wait3A, %dma_wait3A_283] : memref<10240x128xf32, #tpu.memory_space<vmem_shared>> -> memref<10240x128xf32, #tpu.memory_space<vmem_shared>>
            tpu.wait_indirect_dma semaphore(%arg23 : memref<!tpu.dma_semaphore, #tpu.memory_space<semaphore_mem>>) src(%arg11 : memref<80x128xf32, #tpu.memory_space<vmem>>) dst(%dma_wait3A_284 : memref<10240x128xf32, #tpu.memory_space<vmem_shared>>)
          } else {
          }
          %add3A_270 = arith.constant 2 : i32
          %add3A_271 = arith.addi %add3A_239, %add3A_270 : i32
          %mul3A_272 = arith.constant 16 : i32
          %mul3A_273 = arith.muli %add3A_271, %mul3A_272 : i32
          %add3A_274 = arith.addi %arg1, %mul3A_273 : i32
          %mul3A_275 = arith.constant 80 : i32
          %mul3A_276 = arith.muli %add3A_274, %mul3A_275 : i32
          %multiple_of3A_277 = tpu.assume_multiple %mul3A_276, 80 : i32
          %dma_start3A = tpu.memref_slice %arg3[%multiple_of3A_277] : memref<320000xi32, #tpu.memory_space<hbm>> -> memref<80xi32, #tpu.memory_space<hbm>>
          %dma_start3A_278 = tpu.memref_slice %arg3[%multiple_of3A_277] : memref<320000xi32, #tpu.memory_space<hbm>> -> memref<80xi32, #tpu.memory_space<hbm>>
          tpu.enqueue_dma source(%dma_start3A_278 : memref<80xi32, #tpu.memory_space<hbm>>) target(%arg14 : memref<80xi32, #tpu.memory_space<vmem>>) target_semaphore(%arg17 : memref<!tpu.dma_semaphore, #tpu.memory_space<semaphore_mem>>)
          %dma_start3A_279 = arith.constant 0 : i32
          %dma_start3A_280 = tpu.memref_slice %arg2[%multiple_of3A_277, %dma_start3A_279] : memref<320000x128xf32, #tpu.memory_space<hbm>> -> memref<80x128xf32, #tpu.memory_space<hbm>>
          %dma_start3A_281 = arith.constant 0 : i32
          %dma_start3A_282 = tpu.memref_slice %arg2[%multiple_of3A_277, %dma_start3A_281] : memref<320000x128xf32, #tpu.memory_space<hbm>> -> memref<80x128xf32, #tpu.memory_space<hbm>>
          tpu.enqueue_dma source(%dma_start3A_282 : memref<80x128xf32, #tpu.memory_space<hbm>>) target(%arg11 : memref<80x128xf32, #tpu.memory_space<vmem>>) target_semaphore(%arg20 : memref<!tpu.dma_semaphore, #tpu.memory_space<semaphore_mem>>)
        } else {
        }
      }
      %scan3A_148 = arith.constant 84 : i32
      %add3A_149 = arith.constant 3936 : i32
      %add3A_150 = arith.addi %arg1, %add3A_149 : i32
      %lt3A_151 = arith.constant 4000 : i32
      %lt3A_152 = arith.cmpi slt, %add3A_150, %lt3A_151 : i32
      %add3A_153 = arith.constant 3984 : i32
      %add3A_154 = arith.addi %arg1, %add3A_153 : i32
      %ge3A = arith.constant 4000 : i32
      %ge3A_155 = arith.cmpi sge, %add3A_154, %ge3A : i32
      %and3A = arith.andi %lt3A_152, %ge3A_155 : i1
      %convert_element_type3A_156 = arith.extui %and3A : i1 to i32
      %cond3A_157 = arith.constant 0 : i32
      %cond3A_158 = arith.cmpi ne, %convert_element_type3A_156, %cond3A_157 : i32
      scf.if %cond3A_158 {
        %dma_wait3A = arith.constant 0 : i32
        %dma_wait3A_195 = arith.constant 0 : i32
        %dma_wait3A_196 = tpu.memref_slice %arg9[%dma_wait3A, %dma_wait3A_195] : memref<10240x128xf32, #tpu.memory_space<vmem_shared>> -> memref<10240x128xf32, #tpu.memory_space<vmem_shared>>
        tpu.wait_indirect_dma semaphore(%arg22 : memref<!tpu.dma_semaphore, #tpu.memory_space<semaphore_mem>>) src(%arg10 : memref<80x128xf32, #tpu.memory_space<vmem>>) dst(%dma_wait3A_196 : memref<10240x128xf32, #tpu.memory_space<vmem_shared>>)
      } else {
      }
      %add3A_159 = arith.constant 3952 : i32
      %add3A_160 = arith.addi %arg1, %add3A_159 : i32
      %lt3A_161 = arith.constant 4000 : i32
      %lt3A_162 = arith.cmpi slt, %add3A_160, %lt3A_161 : i32
      %add3A_163 = arith.constant 4000 : i32
      %add3A_164 = arith.addi %arg1, %add3A_163 : i32
      %ge3A_165 = arith.constant 4000 : i32
      %ge3A_166 = arith.cmpi sge, %add3A_164, %ge3A_165 : i32
      %and3A_167 = arith.andi %lt3A_162, %ge3A_166 : i1
      %convert_element_type3A_168 = arith.extui %and3A_167 : i1 to i32
      %cond3A_169 = arith.constant 0 : i32
      %cond3A_170 = arith.cmpi ne, %convert_element_type3A_168, %cond3A_169 : i32
      scf.if %cond3A_170 {
        %dma_wait3A = arith.constant 0 : i32
        %dma_wait3A_195 = arith.constant 0 : i32
        %dma_wait3A_196 = tpu.memref_slice %arg9[%dma_wait3A, %dma_wait3A_195] : memref<10240x128xf32, #tpu.memory_space<vmem_shared>> -> memref<10240x128xf32, #tpu.memory_space<vmem_shared>>
        tpu.wait_indirect_dma semaphore(%arg23 : memref<!tpu.dma_semaphore, #tpu.memory_space<semaphore_mem>>) src(%arg11 : memref<80x128xf32, #tpu.memory_space<vmem>>) dst(%dma_wait3A_196 : memref<10240x128xf32, #tpu.memory_space<vmem_shared>>)
      } else {
      }
      %add3A_171 = arith.constant 3968 : i32
      %add3A_172 = arith.addi %arg1, %add3A_171 : i32
      %lt3A_173 = arith.constant 4000 : i32
      %lt3A_174 = arith.cmpi slt, %add3A_172, %lt3A_173 : i32
      %add3A_175 = arith.constant 4016 : i32
      %add3A_176 = arith.addi %arg1, %add3A_175 : i32
      %ge3A_177 = arith.constant 4000 : i32
      %ge3A_178 = arith.cmpi sge, %add3A_176, %ge3A_177 : i32
      %and3A_179 = arith.andi %lt3A_174, %ge3A_178 : i1
      %convert_element_type3A_180 = arith.extui %and3A_179 : i1 to i32
      %cond3A_181 = arith.constant 0 : i32
      %cond3A_182 = arith.cmpi ne, %convert_element_type3A_180, %cond3A_181 : i32
      scf.if %cond3A_182 {
        %dma_wait3A = arith.constant 0 : i32
        %dma_wait3A_195 = arith.constant 0 : i32
        %dma_wait3A_196 = tpu.memref_slice %arg9[%dma_wait3A, %dma_wait3A_195] : memref<10240x128xf32, #tpu.memory_space<vmem_shared>> -> memref<10240x128xf32, #tpu.memory_space<vmem_shared>>
        tpu.wait_indirect_dma semaphore(%arg24 : memref<!tpu.dma_semaphore, #tpu.memory_space<semaphore_mem>>) src(%arg12 : memref<80x128xf32, #tpu.memory_space<vmem>>) dst(%dma_wait3A_196 : memref<10240x128xf32, #tpu.memory_space<vmem_shared>>)
      } else {
      }
      %add3A_183 = arith.constant 3984 : i32
      %add3A_184 = arith.addi %arg1, %add3A_183 : i32
      %lt3A_185 = arith.constant 4000 : i32
      %lt3A_186 = arith.cmpi slt, %add3A_184, %lt3A_185 : i32
      %add3A_187 = arith.constant 4032 : i32
      %add3A_188 = arith.addi %arg1, %add3A_187 : i32
      %ge3A_189 = arith.constant 4000 : i32
      %ge3A_190 = arith.cmpi sge, %add3A_188, %ge3A_189 : i32
      %and3A_191 = arith.andi %lt3A_186, %ge3A_190 : i1
      %convert_element_type3A_192 = arith.extui %and3A_191 : i1 to i32
      %cond3A_193 = arith.constant 0 : i32
      %cond3A_194 = arith.cmpi ne, %convert_element_type3A_192, %cond3A_193 : i32
      scf.if %cond3A_194 {
        %dma_wait3A = arith.constant 0 : i32
        %dma_wait3A_195 = arith.constant 0 : i32
        %dma_wait3A_196 = tpu.memref_slice %arg9[%dma_wait3A, %dma_wait3A_195] : memref<10240x128xf32, #tpu.memory_space<vmem_shared>> -> memref<10240x128xf32, #tpu.memory_space<vmem_shared>>
        tpu.wait_indirect_dma semaphore(%arg22 : memref<!tpu.dma_semaphore, #tpu.memory_space<semaphore_mem>>) src(%arg10 : memref<80x128xf32, #tpu.memory_space<vmem>>) dst(%dma_wait3A_196 : memref<10240x128xf32, #tpu.memory_space<vmem_shared>>)
      } else {
      }
    } else {
    }
    %eq3A_43 = arith.constant 1 : i32
    %eq3A_44 = arith.cmpi eq, %arg0, %eq3A_43 : i32
    %convert_element_type3A_45 = arith.extui %eq3A_44 : i1 to i32
    %cond3A_46 = arith.constant 0 : i32
    %cond3A_47 = arith.cmpi ne, %convert_element_type3A_45, %cond3A_46 : i32
    scf.if %cond3A_47 {
      %add3A_131 = arith.constant 0 : i32
      %add3A_132 = arith.addi %arg1, %add3A_131 : i32
      %lt3A = arith.constant 4000 : i32
      %lt3A_133 = arith.cmpi slt, %add3A_132, %lt3A : i32
      %convert_element_type3A_134 = arith.extui %lt3A_133 : i1 to i32
      %cond3A_135 = arith.constant 0 : i32
      %cond3A_136 = arith.cmpi ne, %convert_element_type3A_134, %cond3A_135 : i32
      scf.if %cond3A_136 {
        %add3A_195 = arith.constant 0 : i32
        %add3A_196 = arith.addi %arg1, %add3A_195 : i32
        %mul3A_197 = arith.constant 80 : i32
        %mul3A_198 = arith.muli %add3A_196, %mul3A_197 : i32
        %multiple_of3A_199 = tpu.assume_multiple %mul3A_198, 80 : i32
        %dma_start3A = tpu.memref_slice %arg4[%multiple_of3A_199] : memref<320000xi32, #tpu.memory_space<hbm>> -> memref<80xi32, #tpu.memory_space<hbm>>
        %dma_start3A_200 = tpu.memref_slice %arg4[%multiple_of3A_199] : memref<320000xi32, #tpu.memory_space<hbm>> -> memref<80xi32, #tpu.memory_space<hbm>>
        tpu.enqueue_dma source(%dma_start3A_200 : memref<80xi32, #tpu.memory_space<hbm>>) target(%arg13 : memref<80xi32, #tpu.memory_space<vmem>>) target_semaphore(%arg16 : memref<!tpu.dma_semaphore, #tpu.memory_space<semaphore_mem>>)
        %dma_start3A_201 = arith.constant 0 : i32
        %dma_start3A_202 = tpu.memref_slice %arg2[%multiple_of3A_199, %dma_start3A_201] : memref<320000x128xf32, #tpu.memory_space<hbm>> -> memref<80x128xf32, #tpu.memory_space<hbm>>
        %dma_start3A_203 = arith.constant 0 : i32
        %dma_start3A_204 = tpu.memref_slice %arg2[%multiple_of3A_199, %dma_start3A_203] : memref<320000x128xf32, #tpu.memory_space<hbm>> -> memref<80x128xf32, #tpu.memory_space<hbm>>
        tpu.enqueue_dma source(%dma_start3A_204 : memref<80x128xf32, #tpu.memory_space<hbm>>) target(%arg10 : memref<80x128xf32, #tpu.memory_space<vmem>>) target_semaphore(%arg19 : memref<!tpu.dma_semaphore, #tpu.memory_space<semaphore_mem>>)
      } else {
      }
      %add3A_137 = arith.constant 16 : i32
      %add3A_138 = arith.addi %arg1, %add3A_137 : i32
      %lt3A_139 = arith.constant 4000 : i32
      %lt3A_140 = arith.cmpi slt, %add3A_138, %lt3A_139 : i32
      %convert_element_type3A_141 = arith.extui %lt3A_140 : i1 to i32
      %cond3A_142 = arith.constant 0 : i32
      %cond3A_143 = arith.cmpi ne, %convert_element_type3A_141, %cond3A_142 : i32
      scf.if %cond3A_143 {
        %add3A_195 = arith.constant 16 : i32
        %add3A_196 = arith.addi %arg1, %add3A_195 : i32
        %mul3A_197 = arith.constant 80 : i32
        %mul3A_198 = arith.muli %add3A_196, %mul3A_197 : i32
        %multiple_of3A_199 = tpu.assume_multiple %mul3A_198, 80 : i32
        %dma_start3A = tpu.memref_slice %arg4[%multiple_of3A_199] : memref<320000xi32, #tpu.memory_space<hbm>> -> memref<80xi32, #tpu.memory_space<hbm>>
        %dma_start3A_200 = tpu.memref_slice %arg4[%multiple_of3A_199] : memref<320000xi32, #tpu.memory_space<hbm>> -> memref<80xi32, #tpu.memory_space<hbm>>
        tpu.enqueue_dma source(%dma_start3A_200 : memref<80xi32, #tpu.memory_space<hbm>>) target(%arg14 : memref<80xi32, #tpu.memory_space<vmem>>) target_semaphore(%arg17 : memref<!tpu.dma_semaphore, #tpu.memory_space<semaphore_mem>>)
        %dma_start3A_201 = arith.constant 0 : i32
        %dma_start3A_202 = tpu.memref_slice %arg2[%multiple_of3A_199, %dma_start3A_201] : memref<320000x128xf32, #tpu.memory_space<hbm>> -> memref<80x128xf32, #tpu.memory_space<hbm>>
        %dma_start3A_203 = arith.constant 0 : i32
        %dma_start3A_204 = tpu.memref_slice %arg2[%multiple_of3A_199, %dma_start3A_203] : memref<320000x128xf32, #tpu.memory_space<hbm>> -> memref<80x128xf32, #tpu.memory_space<hbm>>
        tpu.enqueue_dma source(%dma_start3A_204 : memref<80x128xf32, #tpu.memory_space<hbm>>) target(%arg11 : memref<80x128xf32, #tpu.memory_space<vmem>>) target_semaphore(%arg20 : memref<!tpu.dma_semaphore, #tpu.memory_space<semaphore_mem>>)
      } else {
      }
      %scan3A_144 = arith.constant 0 : i32
      %scan3A_145 = arith.constant 84 : i32
      %scan3A_146 = arith.addi %scan3A_144, %scan3A_145 : i32
      %scan3A_147 = arith.constant 1 : i32
      scf.for %scan3A_195 = %scan3A_144 to %scan3A_146 step %scan3A_147  : i32 {
        %mul3A_196 = arith.constant 3 : i32
        %mul3A_197 = arith.muli %scan3A_195, %mul3A_196 : i32
        %add3A_198 = arith.constant 0 : i32
        %add3A_199 = arith.addi %mul3A_197, %add3A_198 : i32
        %mul3A_200 = arith.constant 16 : i32
        %mul3A_201 = arith.muli %add3A_199, %mul3A_200 : i32
        %add3A_202 = arith.addi %arg1, %mul3A_201 : i32
        %lt3A_203 = arith.constant 4000 : i32
        %lt3A_204 = arith.cmpi slt, %add3A_202, %lt3A_203 : i32
        %convert_element_type3A_205 = arith.extui %lt3A_204 : i1 to i32
        %cond3A_206 = arith.constant 0 : i32
        %cond3A_207 = arith.cmpi ne, %convert_element_type3A_205, %cond3A_206 : i32
        scf.if %cond3A_207 {
          %mul3A_258 = arith.constant 16 : i32
          %mul3A_259 = arith.muli %add3A_199, %mul3A_258 : i32
          %add3A_260 = arith.addi %arg1, %mul3A_259 : i32
          %mul3A_261 = arith.constant 80 : i32
          %mul3A_262 = arith.muli %add3A_260, %mul3A_261 : i32
          %multiple_of3A_263 = tpu.assume_multiple %mul3A_262, 80 : i32
          %dma_wait3A = tpu.memref_slice %arg4[%multiple_of3A_263] : memref<320000xi32, #tpu.memory_space<hbm>> -> memref<80xi32, #tpu.memory_space<hbm>>
          %dma_wait3A_264 = tpu.memref_slice %arg4[%multiple_of3A_263] : memref<320000xi32, #tpu.memory_space<hbm>> -> memref<80xi32, #tpu.memory_space<hbm>>
          tpu.wait_dma2 semaphore(%arg16 : memref<!tpu.dma_semaphore, #tpu.memory_space<semaphore_mem>>) src(%dma_wait3A_264 : memref<80xi32, #tpu.memory_space<hbm>>) dst(%arg13 : memref<80xi32, #tpu.memory_space<vmem>>)
          %dma_wait3A_265 = arith.constant 0 : i32
          %dma_wait3A_266 = tpu.memref_slice %arg2[%multiple_of3A_263, %dma_wait3A_265] : memref<320000x128xf32, #tpu.memory_space<hbm>> -> memref<80x128xf32, #tpu.memory_space<hbm>>
          %dma_wait3A_267 = arith.constant 0 : i32
          %dma_wait3A_268 = tpu.memref_slice %arg2[%multiple_of3A_263, %dma_wait3A_267] : memref<320000x128xf32, #tpu.memory_space<hbm>> -> memref<80x128xf32, #tpu.memory_space<hbm>>
          tpu.wait_dma2 semaphore(%arg19 : memref<!tpu.dma_semaphore, #tpu.memory_space<semaphore_mem>>) src(%dma_wait3A_268 : memref<80x128xf32, #tpu.memory_space<hbm>>) dst(%arg10 : memref<80x128xf32, #tpu.memory_space<vmem>>)
          %dma_start3A = arith.constant 0 : i32
          %dma_start3A_269 = arith.constant 0 : i32
          %dma_start3A_270 = tpu.memref_slice %arg9[%dma_start3A, %dma_start3A_269] : memref<10240x128xf32, #tpu.memory_space<vmem_shared>> -> memref<10240x128xf32, #tpu.memory_space<vmem_shared>>
          tpu.enqueue_indirect_dma source(%arg10 : memref<80x128xf32, #tpu.memory_space<vmem>>) target(%dma_start3A_270 : memref<10240x128xf32, #tpu.memory_space<vmem_shared>>) offsets(%arg13 : memref<80xi32, #tpu.memory_space<vmem>>) semaphore(%arg22 : memref<!tpu.dma_semaphore, #tpu.memory_space<semaphore_mem>>) {add = true}
        } else {
        }
        %add3A_208 = arith.constant 2 : i32
        %add3A_209 = arith.addi %add3A_199, %add3A_208 : i32
        %mul3A_210 = arith.constant 16 : i32
        %mul3A_211 = arith.muli %add3A_209, %mul3A_210 : i32
        %add3A_212 = arith.addi %arg1, %mul3A_211 : i32
        %lt3A_213 = arith.constant 4000 : i32
        %lt3A_214 = arith.cmpi slt, %add3A_212, %lt3A_213 : i32
        %convert_element_type3A_215 = arith.extui %lt3A_214 : i1 to i32
        %cond3A_216 = arith.constant 0 : i32
        %cond3A_217 = arith.cmpi ne, %convert_element_type3A_215, %cond3A_216 : i32
        scf.if %cond3A_217 {
          %ge3A_258 = arith.constant 1 : i32
          %ge3A_259 = arith.cmpi sge, %add3A_199, %ge3A_258 : i32
          %sub3A = arith.constant 1 : i32
          %sub3A_260 = arith.subi %add3A_199, %sub3A : i32
          %mul3A_261 = arith.constant 16 : i32
          %mul3A_262 = arith.muli %sub3A_260, %mul3A_261 : i32
          %add3A_263 = arith.addi %arg1, %mul3A_262 : i32
          %lt3A_264 = arith.constant 4000 : i32
          %lt3A_265 = arith.cmpi slt, %add3A_263, %lt3A_264 : i32
          %and3A_266 = arith.andi %ge3A_259, %lt3A_265 : i1
          %convert_element_type3A_267 = arith.extui %and3A_266 : i1 to i32
          %cond3A_268 = arith.constant 0 : i32
          %cond3A_269 = arith.cmpi ne, %convert_element_type3A_267, %cond3A_268 : i32
          scf.if %cond3A_269 {
            %dma_wait3A = arith.constant 0 : i32
            %dma_wait3A_283 = arith.constant 0 : i32
            %dma_wait3A_284 = tpu.memref_slice %arg9[%dma_wait3A, %dma_wait3A_283] : memref<10240x128xf32, #tpu.memory_space<vmem_shared>> -> memref<10240x128xf32, #tpu.memory_space<vmem_shared>>
            tpu.wait_indirect_dma semaphore(%arg24 : memref<!tpu.dma_semaphore, #tpu.memory_space<semaphore_mem>>) src(%arg12 : memref<80x128xf32, #tpu.memory_space<vmem>>) dst(%dma_wait3A_284 : memref<10240x128xf32, #tpu.memory_space<vmem_shared>>)
          } else {
          }
          %add3A_270 = arith.constant 2 : i32
          %add3A_271 = arith.addi %add3A_199, %add3A_270 : i32
          %mul3A_272 = arith.constant 16 : i32
          %mul3A_273 = arith.muli %add3A_271, %mul3A_272 : i32
          %add3A_274 = arith.addi %arg1, %mul3A_273 : i32
          %mul3A_275 = arith.constant 80 : i32
          %mul3A_276 = arith.muli %add3A_274, %mul3A_275 : i32
          %multiple_of3A_277 = tpu.assume_multiple %mul3A_276, 80 : i32
          %dma_start3A = tpu.memref_slice %arg4[%multiple_of3A_277] : memref<320000xi32, #tpu.memory_space<hbm>> -> memref<80xi32, #tpu.memory_space<hbm>>
          %dma_start3A_278 = tpu.memref_slice %arg4[%multiple_of3A_277] : memref<320000xi32, #tpu.memory_space<hbm>> -> memref<80xi32, #tpu.memory_space<hbm>>
          tpu.enqueue_dma source(%dma_start3A_278 : memref<80xi32, #tpu.memory_space<hbm>>) target(%arg15 : memref<80xi32, #tpu.memory_space<vmem>>) target_semaphore(%arg18 : memref<!tpu.dma_semaphore, #tpu.memory_space<semaphore_mem>>)
          %dma_start3A_279 = arith.constant 0 : i32
          %dma_start3A_280 = tpu.memref_slice %arg2[%multiple_of3A_277, %dma_start3A_279] : memref<320000x128xf32, #tpu.memory_space<hbm>> -> memref<80x128xf32, #tpu.memory_space<hbm>>
          %dma_start3A_281 = arith.constant 0 : i32
          %dma_start3A_282 = tpu.memref_slice %arg2[%multiple_of3A_277, %dma_start3A_281] : memref<320000x128xf32, #tpu.memory_space<hbm>> -> memref<80x128xf32, #tpu.memory_space<hbm>>
          tpu.enqueue_dma source(%dma_start3A_282 : memref<80x128xf32, #tpu.memory_space<hbm>>) target(%arg12 : memref<80x128xf32, #tpu.memory_space<vmem>>) target_semaphore(%arg21 : memref<!tpu.dma_semaphore, #tpu.memory_space<semaphore_mem>>)
        } else {
        }
        %add3A_218 = arith.constant 1 : i32
        %add3A_219 = arith.addi %mul3A_197, %add3A_218 : i32
        %mul3A_220 = arith.constant 16 : i32
        %mul3A_221 = arith.muli %add3A_219, %mul3A_220 : i32
        %add3A_222 = arith.addi %arg1, %mul3A_221 : i32
        %lt3A_223 = arith.constant 4000 : i32
        %lt3A_224 = arith.cmpi slt, %add3A_222, %lt3A_223 : i32
        %convert_element_type3A_225 = arith.extui %lt3A_224 : i1 to i32
        %cond3A_226 = arith.constant 0 : i32
        %cond3A_227 = arith.cmpi ne, %convert_element_type3A_225, %cond3A_226 : i32
        scf.if %cond3A_227 {
          %mul3A_258 = arith.constant 16 : i32
          %mul3A_259 = arith.muli %add3A_219, %mul3A_258 : i32
          %add3A_260 = arith.addi %arg1, %mul3A_259 : i32
          %mul3A_261 = arith.constant 80 : i32
          %mul3A_262 = arith.muli %add3A_260, %mul3A_261 : i32
          %multiple_of3A_263 = tpu.assume_multiple %mul3A_262, 80 : i32
          %dma_wait3A = tpu.memref_slice %arg4[%multiple_of3A_263] : memref<320000xi32, #tpu.memory_space<hbm>> -> memref<80xi32, #tpu.memory_space<hbm>>
          %dma_wait3A_264 = tpu.memref_slice %arg4[%multiple_of3A_263] : memref<320000xi32, #tpu.memory_space<hbm>> -> memref<80xi32, #tpu.memory_space<hbm>>
          tpu.wait_dma2 semaphore(%arg17 : memref<!tpu.dma_semaphore, #tpu.memory_space<semaphore_mem>>) src(%dma_wait3A_264 : memref<80xi32, #tpu.memory_space<hbm>>) dst(%arg14 : memref<80xi32, #tpu.memory_space<vmem>>)
          %dma_wait3A_265 = arith.constant 0 : i32
          %dma_wait3A_266 = tpu.memref_slice %arg2[%multiple_of3A_263, %dma_wait3A_265] : memref<320000x128xf32, #tpu.memory_space<hbm>> -> memref<80x128xf32, #tpu.memory_space<hbm>>
          %dma_wait3A_267 = arith.constant 0 : i32
          %dma_wait3A_268 = tpu.memref_slice %arg2[%multiple_of3A_263, %dma_wait3A_267] : memref<320000x128xf32, #tpu.memory_space<hbm>> -> memref<80x128xf32, #tpu.memory_space<hbm>>
          tpu.wait_dma2 semaphore(%arg20 : memref<!tpu.dma_semaphore, #tpu.memory_space<semaphore_mem>>) src(%dma_wait3A_268 : memref<80x128xf32, #tpu.memory_space<hbm>>) dst(%arg11 : memref<80x128xf32, #tpu.memory_space<vmem>>)
          %dma_start3A = arith.constant 0 : i32
          %dma_start3A_269 = arith.constant 0 : i32
          %dma_start3A_270 = tpu.memref_slice %arg9[%dma_start3A, %dma_start3A_269] : memref<10240x128xf32, #tpu.memory_space<vmem_shared>> -> memref<10240x128xf32, #tpu.memory_space<vmem_shared>>
          tpu.enqueue_indirect_dma source(%arg11 : memref<80x128xf32, #tpu.memory_space<vmem>>) target(%dma_start3A_270 : memref<10240x128xf32, #tpu.memory_space<vmem_shared>>) offsets(%arg14 : memref<80xi32, #tpu.memory_space<vmem>>) semaphore(%arg23 : memref<!tpu.dma_semaphore, #tpu.memory_space<semaphore_mem>>) {add = true}
        } else {
        }
        %add3A_228 = arith.constant 2 : i32
        %add3A_229 = arith.addi %add3A_219, %add3A_228 : i32
        %mul3A_230 = arith.constant 16 : i32
        %mul3A_231 = arith.muli %add3A_229, %mul3A_230 : i32
        %add3A_232 = arith.addi %arg1, %mul3A_231 : i32
        %lt3A_233 = arith.constant 4000 : i32
        %lt3A_234 = arith.cmpi slt, %add3A_232, %lt3A_233 : i32
        %convert_element_type3A_235 = arith.extui %lt3A_234 : i1 to i32
        %cond3A_236 = arith.constant 0 : i32
        %cond3A_237 = arith.cmpi ne, %convert_element_type3A_235, %cond3A_236 : i32
        scf.if %cond3A_237 {
          %ge3A_258 = arith.constant 1 : i32
          %ge3A_259 = arith.cmpi sge, %add3A_219, %ge3A_258 : i32
          %sub3A = arith.constant 1 : i32
          %sub3A_260 = arith.subi %add3A_219, %sub3A : i32
          %mul3A_261 = arith.constant 16 : i32
          %mul3A_262 = arith.muli %sub3A_260, %mul3A_261 : i32
          %add3A_263 = arith.addi %arg1, %mul3A_262 : i32
          %lt3A_264 = arith.constant 4000 : i32
          %lt3A_265 = arith.cmpi slt, %add3A_263, %lt3A_264 : i32
          %and3A_266 = arith.andi %ge3A_259, %lt3A_265 : i1
          %convert_element_type3A_267 = arith.extui %and3A_266 : i1 to i32
          %cond3A_268 = arith.constant 0 : i32
          %cond3A_269 = arith.cmpi ne, %convert_element_type3A_267, %cond3A_268 : i32
          scf.if %cond3A_269 {
            %dma_wait3A = arith.constant 0 : i32
            %dma_wait3A_283 = arith.constant 0 : i32
            %dma_wait3A_284 = tpu.memref_slice %arg9[%dma_wait3A, %dma_wait3A_283] : memref<10240x128xf32, #tpu.memory_space<vmem_shared>> -> memref<10240x128xf32, #tpu.memory_space<vmem_shared>>
            tpu.wait_indirect_dma semaphore(%arg22 : memref<!tpu.dma_semaphore, #tpu.memory_space<semaphore_mem>>) src(%arg10 : memref<80x128xf32, #tpu.memory_space<vmem>>) dst(%dma_wait3A_284 : memref<10240x128xf32, #tpu.memory_space<vmem_shared>>)
          } else {
          }
          %add3A_270 = arith.constant 2 : i32
          %add3A_271 = arith.addi %add3A_219, %add3A_270 : i32
          %mul3A_272 = arith.constant 16 : i32
          %mul3A_273 = arith.muli %add3A_271, %mul3A_272 : i32
          %add3A_274 = arith.addi %arg1, %mul3A_273 : i32
          %mul3A_275 = arith.constant 80 : i32
          %mul3A_276 = arith.muli %add3A_274, %mul3A_275 : i32
          %multiple_of3A_277 = tpu.assume_multiple %mul3A_276, 80 : i32
          %dma_start3A = tpu.memref_slice %arg4[%multiple_of3A_277] : memref<320000xi32, #tpu.memory_space<hbm>> -> memref<80xi32, #tpu.memory_space<hbm>>
          %dma_start3A_278 = tpu.memref_slice %arg4[%multiple_of3A_277] : memref<320000xi32, #tpu.memory_space<hbm>> -> memref<80xi32, #tpu.memory_space<hbm>>
          tpu.enqueue_dma source(%dma_start3A_278 : memref<80xi32, #tpu.memory_space<hbm>>) target(%arg13 : memref<80xi32, #tpu.memory_space<vmem>>) target_semaphore(%arg16 : memref<!tpu.dma_semaphore, #tpu.memory_space<semaphore_mem>>)
          %dma_start3A_279 = arith.constant 0 : i32
          %dma_start3A_280 = tpu.memref_slice %arg2[%multiple_of3A_277, %dma_start3A_279] : memref<320000x128xf32, #tpu.memory_space<hbm>> -> memref<80x128xf32, #tpu.memory_space<hbm>>
          %dma_start3A_281 = arith.constant 0 : i32
          %dma_start3A_282 = tpu.memref_slice %arg2[%multiple_of3A_277, %dma_start3A_281] : memref<320000x128xf32, #tpu.memory_space<hbm>> -> memref<80x128xf32, #tpu.memory_space<hbm>>
          tpu.enqueue_dma source(%dma_start3A_282 : memref<80x128xf32, #tpu.memory_space<hbm>>) target(%arg10 : memref<80x128xf32, #tpu.memory_space<vmem>>) target_semaphore(%arg19 : memref<!tpu.dma_semaphore, #tpu.memory_space<semaphore_mem>>)
        } else {
        }
        %add3A_238 = arith.constant 2 : i32
        %add3A_239 = arith.addi %mul3A_197, %add3A_238 : i32
        %mul3A_240 = arith.constant 16 : i32
        %mul3A_241 = arith.muli %add3A_239, %mul3A_240 : i32
        %add3A_242 = arith.addi %arg1, %mul3A_241 : i32
        %lt3A_243 = arith.constant 4000 : i32
        %lt3A_244 = arith.cmpi slt, %add3A_242, %lt3A_243 : i32
        %convert_element_type3A_245 = arith.extui %lt3A_244 : i1 to i32
        %cond3A_246 = arith.constant 0 : i32
        %cond3A_247 = arith.cmpi ne, %convert_element_type3A_245, %cond3A_246 : i32
        scf.if %cond3A_247 {
          %mul3A_258 = arith.constant 16 : i32
          %mul3A_259 = arith.muli %add3A_239, %mul3A_258 : i32
          %add3A_260 = arith.addi %arg1, %mul3A_259 : i32
          %mul3A_261 = arith.constant 80 : i32
          %mul3A_262 = arith.muli %add3A_260, %mul3A_261 : i32
          %multiple_of3A_263 = tpu.assume_multiple %mul3A_262, 80 : i32
          %dma_wait3A = tpu.memref_slice %arg4[%multiple_of3A_263] : memref<320000xi32, #tpu.memory_space<hbm>> -> memref<80xi32, #tpu.memory_space<hbm>>
          %dma_wait3A_264 = tpu.memref_slice %arg4[%multiple_of3A_263] : memref<320000xi32, #tpu.memory_space<hbm>> -> memref<80xi32, #tpu.memory_space<hbm>>
          tpu.wait_dma2 semaphore(%arg18 : memref<!tpu.dma_semaphore, #tpu.memory_space<semaphore_mem>>) src(%dma_wait3A_264 : memref<80xi32, #tpu.memory_space<hbm>>) dst(%arg15 : memref<80xi32, #tpu.memory_space<vmem>>)
          %dma_wait3A_265 = arith.constant 0 : i32
          %dma_wait3A_266 = tpu.memref_slice %arg2[%multiple_of3A_263, %dma_wait3A_265] : memref<320000x128xf32, #tpu.memory_space<hbm>> -> memref<80x128xf32, #tpu.memory_space<hbm>>
          %dma_wait3A_267 = arith.constant 0 : i32
          %dma_wait3A_268 = tpu.memref_slice %arg2[%multiple_of3A_263, %dma_wait3A_267] : memref<320000x128xf32, #tpu.memory_space<hbm>> -> memref<80x128xf32, #tpu.memory_space<hbm>>
          tpu.wait_dma2 semaphore(%arg21 : memref<!tpu.dma_semaphore, #tpu.memory_space<semaphore_mem>>) src(%dma_wait3A_268 : memref<80x128xf32, #tpu.memory_space<hbm>>) dst(%arg12 : memref<80x128xf32, #tpu.memory_space<vmem>>)
          %dma_start3A = arith.constant 0 : i32
          %dma_start3A_269 = arith.constant 0 : i32
          %dma_start3A_270 = tpu.memref_slice %arg9[%dma_start3A, %dma_start3A_269] : memref<10240x128xf32, #tpu.memory_space<vmem_shared>> -> memref<10240x128xf32, #tpu.memory_space<vmem_shared>>
          tpu.enqueue_indirect_dma source(%arg12 : memref<80x128xf32, #tpu.memory_space<vmem>>) target(%dma_start3A_270 : memref<10240x128xf32, #tpu.memory_space<vmem_shared>>) offsets(%arg15 : memref<80xi32, #tpu.memory_space<vmem>>) semaphore(%arg24 : memref<!tpu.dma_semaphore, #tpu.memory_space<semaphore_mem>>) {add = true}
        } else {
        }
        %add3A_248 = arith.constant 2 : i32
        %add3A_249 = arith.addi %add3A_239, %add3A_248 : i32
        %mul3A_250 = arith.constant 16 : i32
        %mul3A_251 = arith.muli %add3A_249, %mul3A_250 : i32
        %add3A_252 = arith.addi %arg1, %mul3A_251 : i32
        %lt3A_253 = arith.constant 4000 : i32
        %lt3A_254 = arith.cmpi slt, %add3A_252, %lt3A_253 : i32
        %convert_element_type3A_255 = arith.extui %lt3A_254 : i1 to i32
        %cond3A_256 = arith.constant 0 : i32
        %cond3A_257 = arith.cmpi ne, %convert_element_type3A_255, %cond3A_256 : i32
        scf.if %cond3A_257 {
          %ge3A_258 = arith.constant 1 : i32
          %ge3A_259 = arith.cmpi sge, %add3A_239, %ge3A_258 : i32
          %sub3A = arith.constant 1 : i32
          %sub3A_260 = arith.subi %add3A_239, %sub3A : i32
          %mul3A_261 = arith.constant 16 : i32
          %mul3A_262 = arith.muli %sub3A_260, %mul3A_261 : i32
          %add3A_263 = arith.addi %arg1, %mul3A_262 : i32
          %lt3A_264 = arith.constant 4000 : i32
          %lt3A_265 = arith.cmpi slt, %add3A_263, %lt3A_264 : i32
          %and3A_266 = arith.andi %ge3A_259, %lt3A_265 : i1
          %convert_element_type3A_267 = arith.extui %and3A_266 : i1 to i32
          %cond3A_268 = arith.constant 0 : i32
          %cond3A_269 = arith.cmpi ne, %convert_element_type3A_267, %cond3A_268 : i32
          scf.if %cond3A_269 {
            %dma_wait3A = arith.constant 0 : i32
            %dma_wait3A_283 = arith.constant 0 : i32
            %dma_wait3A_284 = tpu.memref_slice %arg9[%dma_wait3A, %dma_wait3A_283] : memref<10240x128xf32, #tpu.memory_space<vmem_shared>> -> memref<10240x128xf32, #tpu.memory_space<vmem_shared>>
            tpu.wait_indirect_dma semaphore(%arg23 : memref<!tpu.dma_semaphore, #tpu.memory_space<semaphore_mem>>) src(%arg11 : memref<80x128xf32, #tpu.memory_space<vmem>>) dst(%dma_wait3A_284 : memref<10240x128xf32, #tpu.memory_space<vmem_shared>>)
          } else {
          }
          %add3A_270 = arith.constant 2 : i32
          %add3A_271 = arith.addi %add3A_239, %add3A_270 : i32
          %mul3A_272 = arith.constant 16 : i32
          %mul3A_273 = arith.muli %add3A_271, %mul3A_272 : i32
          %add3A_274 = arith.addi %arg1, %mul3A_273 : i32
          %mul3A_275 = arith.constant 80 : i32
          %mul3A_276 = arith.muli %add3A_274, %mul3A_275 : i32
          %multiple_of3A_277 = tpu.assume_multiple %mul3A_276, 80 : i32
          %dma_start3A = tpu.memref_slice %arg4[%multiple_of3A_277] : memref<320000xi32, #tpu.memory_space<hbm>> -> memref<80xi32, #tpu.memory_space<hbm>>
          %dma_start3A_278 = tpu.memref_slice %arg4[%multiple_of3A_277] : memref<320000xi32, #tpu.memory_space<hbm>> -> memref<80xi32, #tpu.memory_space<hbm>>
          tpu.enqueue_dma source(%dma_start3A_278 : memref<80xi32, #tpu.memory_space<hbm>>) target(%arg14 : memref<80xi32, #tpu.memory_space<vmem>>) target_semaphore(%arg17 : memref<!tpu.dma_semaphore, #tpu.memory_space<semaphore_mem>>)
          %dma_start3A_279 = arith.constant 0 : i32
          %dma_start3A_280 = tpu.memref_slice %arg2[%multiple_of3A_277, %dma_start3A_279] : memref<320000x128xf32, #tpu.memory_space<hbm>> -> memref<80x128xf32, #tpu.memory_space<hbm>>
          %dma_start3A_281 = arith.constant 0 : i32
          %dma_start3A_282 = tpu.memref_slice %arg2[%multiple_of3A_277, %dma_start3A_281] : memref<320000x128xf32, #tpu.memory_space<hbm>> -> memref<80x128xf32, #tpu.memory_space<hbm>>
          tpu.enqueue_dma source(%dma_start3A_282 : memref<80x128xf32, #tpu.memory_space<hbm>>) target(%arg11 : memref<80x128xf32, #tpu.memory_space<vmem>>) target_semaphore(%arg20 : memref<!tpu.dma_semaphore, #tpu.memory_space<semaphore_mem>>)
        } else {
        }
      }
      %scan3A_148 = arith.constant 84 : i32
      %add3A_149 = arith.constant 3936 : i32
      %add3A_150 = arith.addi %arg1, %add3A_149 : i32
      %lt3A_151 = arith.constant 4000 : i32
      %lt3A_152 = arith.cmpi slt, %add3A_150, %lt3A_151 : i32
      %add3A_153 = arith.constant 3984 : i32
      %add3A_154 = arith.addi %arg1, %add3A_153 : i32
      %ge3A = arith.constant 4000 : i32
      %ge3A_155 = arith.cmpi sge, %add3A_154, %ge3A : i32
      %and3A = arith.andi %lt3A_152, %ge3A_155 : i1
      %convert_element_type3A_156 = arith.extui %and3A : i1 to i32
      %cond3A_157 = arith.constant 0 : i32
      %cond3A_158 = arith.cmpi ne, %convert_element_type3A_156, %cond3A_157 : i32
      scf.if %cond3A_158 {
        %dma_wait3A = arith.constant 0 : i32
        %dma_wait3A_195 = arith.constant 0 : i32
        %dma_wait3A_196 = tpu.memref_slice %arg9[%dma_wait3A, %dma_wait3A_195] : memref<10240x128xf32, #tpu.memory_space<vmem_shared>> -> memref<10240x128xf32, #tpu.memory_space<vmem_shared>>
        tpu.wait_indirect_dma semaphore(%arg22 : memref<!tpu.dma_semaphore, #tpu.memory_space<semaphore_mem>>) src(%arg10 : memref<80x128xf32, #tpu.memory_space<vmem>>) dst(%dma_wait3A_196 : memref<10240x128xf32, #tpu.memory_space<vmem_shared>>)
      } else {
      }
      %add3A_159 = arith.constant 3952 : i32
      %add3A_160 = arith.addi %arg1, %add3A_159 : i32
      %lt3A_161 = arith.constant 4000 : i32
      %lt3A_162 = arith.cmpi slt, %add3A_160, %lt3A_161 : i32
      %add3A_163 = arith.constant 4000 : i32
      %add3A_164 = arith.addi %arg1, %add3A_163 : i32
      %ge3A_165 = arith.constant 4000 : i32
      %ge3A_166 = arith.cmpi sge, %add3A_164, %ge3A_165 : i32
      %and3A_167 = arith.andi %lt3A_162, %ge3A_166 : i1
      %convert_element_type3A_168 = arith.extui %and3A_167 : i1 to i32
      %cond3A_169 = arith.constant 0 : i32
      %cond3A_170 = arith.cmpi ne, %convert_element_type3A_168, %cond3A_169 : i32
      scf.if %cond3A_170 {
        %dma_wait3A = arith.constant 0 : i32
        %dma_wait3A_195 = arith.constant 0 : i32
        %dma_wait3A_196 = tpu.memref_slice %arg9[%dma_wait3A, %dma_wait3A_195] : memref<10240x128xf32, #tpu.memory_space<vmem_shared>> -> memref<10240x128xf32, #tpu.memory_space<vmem_shared>>
        tpu.wait_indirect_dma semaphore(%arg23 : memref<!tpu.dma_semaphore, #tpu.memory_space<semaphore_mem>>) src(%arg11 : memref<80x128xf32, #tpu.memory_space<vmem>>) dst(%dma_wait3A_196 : memref<10240x128xf32, #tpu.memory_space<vmem_shared>>)
      } else {
      }
      %add3A_171 = arith.constant 3968 : i32
      %add3A_172 = arith.addi %arg1, %add3A_171 : i32
      %lt3A_173 = arith.constant 4000 : i32
      %lt3A_174 = arith.cmpi slt, %add3A_172, %lt3A_173 : i32
      %add3A_175 = arith.constant 4016 : i32
      %add3A_176 = arith.addi %arg1, %add3A_175 : i32
      %ge3A_177 = arith.constant 4000 : i32
      %ge3A_178 = arith.cmpi sge, %add3A_176, %ge3A_177 : i32
      %and3A_179 = arith.andi %lt3A_174, %ge3A_178 : i1
      %convert_element_type3A_180 = arith.extui %and3A_179 : i1 to i32
      %cond3A_181 = arith.constant 0 : i32
      %cond3A_182 = arith.cmpi ne, %convert_element_type3A_180, %cond3A_181 : i32
      scf.if %cond3A_182 {
        %dma_wait3A = arith.constant 0 : i32
        %dma_wait3A_195 = arith.constant 0 : i32
        %dma_wait3A_196 = tpu.memref_slice %arg9[%dma_wait3A, %dma_wait3A_195] : memref<10240x128xf32, #tpu.memory_space<vmem_shared>> -> memref<10240x128xf32, #tpu.memory_space<vmem_shared>>
        tpu.wait_indirect_dma semaphore(%arg24 : memref<!tpu.dma_semaphore, #tpu.memory_space<semaphore_mem>>) src(%arg12 : memref<80x128xf32, #tpu.memory_space<vmem>>) dst(%dma_wait3A_196 : memref<10240x128xf32, #tpu.memory_space<vmem_shared>>)
      } else {
      }
      %add3A_183 = arith.constant 3984 : i32
      %add3A_184 = arith.addi %arg1, %add3A_183 : i32
      %lt3A_185 = arith.constant 4000 : i32
      %lt3A_186 = arith.cmpi slt, %add3A_184, %lt3A_185 : i32
      %add3A_187 = arith.constant 4032 : i32
      %add3A_188 = arith.addi %arg1, %add3A_187 : i32
      %ge3A_189 = arith.constant 4000 : i32
      %ge3A_190 = arith.cmpi sge, %add3A_188, %ge3A_189 : i32
      %and3A_191 = arith.andi %lt3A_186, %ge3A_190 : i1
      %convert_element_type3A_192 = arith.extui %and3A_191 : i1 to i32
      %cond3A_193 = arith.constant 0 : i32
      %cond3A_194 = arith.cmpi ne, %convert_element_type3A_192, %cond3A_193 : i32
      scf.if %cond3A_194 {
        %dma_wait3A = arith.constant 0 : i32
        %dma_wait3A_195 = arith.constant 0 : i32
        %dma_wait3A_196 = tpu.memref_slice %arg9[%dma_wait3A, %dma_wait3A_195] : memref<10240x128xf32, #tpu.memory_space<vmem_shared>> -> memref<10240x128xf32, #tpu.memory_space<vmem_shared>>
        tpu.wait_indirect_dma semaphore(%arg22 : memref<!tpu.dma_semaphore, #tpu.memory_space<semaphore_mem>>) src(%arg10 : memref<80x128xf32, #tpu.memory_space<vmem>>) dst(%dma_wait3A_196 : memref<10240x128xf32, #tpu.memory_space<vmem_shared>>)
      } else {
      }
    } else {
    }
    %barrier3A_48 = arith.constant 0 : index
    tpu.barrier barrier_id(%barrier3A_48)
    %eq3A_49 = arith.constant 0 : i32
    %eq3A_50 = arith.cmpi eq, %arg0, %eq3A_49 : i32
    %convert_element_type3A_51 = arith.extui %eq3A_50 : i1 to i32
    %cond3A_52 = arith.constant 0 : i32
    %cond3A_53 = arith.cmpi ne, %convert_element_type3A_51, %cond3A_52 : i32
    scf.if %cond3A_53 {
      %mul3A_131 = arith.constant 640 : i32
      %mul3A_132 = arith.muli %arg1, %mul3A_131 : i32
      %multiple_of3A_133 = tpu.assume_multiple %mul3A_132, 80 : i32
      "tpu.region"() ({
        %run_scoped3A = tpu.sem_alloc : memref<!tpu.dma_semaphore, #tpu.memory_space<semaphore_mem>>
        %dma_start3A = arith.constant 0 : i32
        %dma_start3A_134 = tpu.memref_slice %arg5[%multiple_of3A_133, %dma_start3A] : memref<10240x128xf32, #tpu.memory_space<hbm>> -> memref<640x128xf32, #tpu.memory_space<hbm>>
        %dma_start3A_135 = arith.constant 0 : i32
        %dma_start3A_136 = tpu.memref_slice %arg9[%multiple_of3A_133, %dma_start3A_135] : memref<10240x128xf32, #tpu.memory_space<vmem_shared>> -> memref<640x128xf32, #tpu.memory_space<vmem_shared>>
        tpu.enqueue_dma source(%dma_start3A_136 : memref<640x128xf32, #tpu.memory_space<vmem_shared>>) target(%dma_start3A_134 : memref<640x128xf32, #tpu.memory_space<hbm>>) target_semaphore(%run_scoped3A : memref<!tpu.dma_semaphore, #tpu.memory_space<semaphore_mem>>)
        %dma_wait3A = arith.constant 0 : i32
        %dma_wait3A_137 = tpu.memref_slice %arg5[%multiple_of3A_133, %dma_wait3A] : memref<10240x128xf32, #tpu.memory_space<hbm>> -> memref<640x128xf32, #tpu.memory_space<hbm>>
        %dma_wait3A_138 = arith.constant 0 : i32
        %dma_wait3A_139 = tpu.memref_slice %arg9[%multiple_of3A_133, %dma_wait3A_138] : memref<10240x128xf32, #tpu.memory_space<vmem_shared>> -> memref<640x128xf32, #tpu.memory_space<vmem_shared>>
        tpu.wait_dma2 semaphore(%run_scoped3A : memref<!tpu.dma_semaphore, #tpu.memory_space<semaphore_mem>>) src(%dma_wait3A_139 : memref<640x128xf32, #tpu.memory_space<vmem_shared>>) dst(%dma_wait3A_137 : memref<640x128xf32, #tpu.memory_space<hbm>>)
        tpu.yield
      }) : () -> ()
    } else {
    }
    %eq3A_54 = arith.constant 1 : i32
    %eq3A_55 = arith.cmpi eq, %arg0, %eq3A_54 : i32
    %convert_element_type3A_56 = arith.extui %eq3A_55 : i1 to i32
    %cond3A_57 = arith.constant 0 : i32
    %cond3A_58 = arith.cmpi ne, %convert_element_type3A_56, %cond3A_57 : i32
    scf.if %cond3A_58 {
      %mul3A_131 = arith.constant 640 : i32
      %mul3A_132 = arith.muli %arg1, %mul3A_131 : i32
      %multiple_of3A_133 = tpu.assume_multiple %mul3A_132, 80 : i32
      "tpu.region"() ({
        %run_scoped3A = tpu.sem_alloc : memref<!tpu.dma_semaphore, #tpu.memory_space<semaphore_mem>>
        %dma_start3A = arith.constant 0 : i32
        %dma_start3A_134 = tpu.memref_slice %arg6[%multiple_of3A_133, %dma_start3A] : memref<10240x128xf32, #tpu.memory_space<hbm>> -> memref<640x128xf32, #tpu.memory_space<hbm>>
        %dma_start3A_135 = arith.constant 0 : i32
        %dma_start3A_136 = tpu.memref_slice %arg9[%multiple_of3A_133, %dma_start3A_135] : memref<10240x128xf32, #tpu.memory_space<vmem_shared>> -> memref<640x128xf32, #tpu.memory_space<vmem_shared>>
        tpu.enqueue_dma source(%dma_start3A_136 : memref<640x128xf32, #tpu.memory_space<vmem_shared>>) target(%dma_start3A_134 : memref<640x128xf32, #tpu.memory_space<hbm>>) target_semaphore(%run_scoped3A : memref<!tpu.dma_semaphore, #tpu.memory_space<semaphore_mem>>)
        %dma_wait3A = arith.constant 0 : i32
        %dma_wait3A_137 = tpu.memref_slice %arg6[%multiple_of3A_133, %dma_wait3A] : memref<10240x128xf32, #tpu.memory_space<hbm>> -> memref<640x128xf32, #tpu.memory_space<hbm>>
        %dma_wait3A_138 = arith.constant 0 : i32
        %dma_wait3A_139 = tpu.memref_slice %arg9[%multiple_of3A_133, %dma_wait3A_138] : memref<10240x128xf32, #tpu.memory_space<vmem_shared>> -> memref<640x128xf32, #tpu.memory_space<vmem_shared>>
        tpu.wait_dma2 semaphore(%run_scoped3A : memref<!tpu.dma_semaphore, #tpu.memory_space<semaphore_mem>>) src(%dma_wait3A_139 : memref<640x128xf32, #tpu.memory_space<vmem_shared>>) dst(%dma_wait3A_137 : memref<640x128xf32, #tpu.memory_space<hbm>>)
        tpu.yield
      }) : () -> ()
    } else {
    }
    %scan3A_59 = arith.constant 0 : i32
    %scan3A_60 = arith.constant 80 : i32
    %scan3A_61 = arith.addi %scan3A_59, %scan3A_60 : i32
    %scan3A_62 = arith.constant 1 : i32
    scf.for %scan3A_131 = %scan3A_59 to %scan3A_61 step %scan3A_62  : i32 {
      %broadcast_in_dim3A = arith.constant 0.000000e+00 : f32
      %broadcast_in_dim3A_132 = vector.broadcast %broadcast_in_dim3A : f32 to vector<16xf32>
      %swap3A = arith.index_cast %scan3A_131 : i32 to index
      %swap3A_133 = arith.constant 0 : index
      %swap3A_134 = tpu.vector_load %arg10[%swap3A, %swap3A_133] {strides = array<i32>} : memref<80x128xf32, #tpu.memory_space<vmem>>, vector<1x16xf32>,
      %swap3A_135 = vector.shape_cast %swap3A_134 : vector<1x16xf32> to vector<16xf32>
      %swap3A_136 = vector.shape_cast %broadcast_in_dim3A_132 : vector<16xf32> to vector<1x16xf32>
      tpu.vector_store %arg10[%swap3A, %swap3A_133], %swap3A_136 {strides = array<i32>} : memref<80x128xf32, #tpu.memory_space<vmem>>, vector<1x16xf32>,
      %broadcast_in_dim3A_137 = arith.constant 0.000000e+00 : f32
      %broadcast_in_dim3A_138 = vector.broadcast %broadcast_in_dim3A_137 : f32 to vector<16xf32>
      %swap3A_139 = arith.index_cast %scan3A_131 : i32 to index
      %swap3A_140 = arith.constant 16 : index
      %swap3A_141 = tpu.vector_load %arg10[%swap3A_139, %swap3A_140] {strides = array<i32>} : memref<80x128xf32, #tpu.memory_space<vmem>>, vector<1x16xf32>,
      %swap3A_142 = vector.shape_cast %swap3A_141 : vector<1x16xf32> to vector<16xf32>
      %swap3A_143 = vector.shape_cast %broadcast_in_dim3A_138 : vector<16xf32> to vector<1x16xf32>
      tpu.vector_store %arg10[%swap3A_139, %swap3A_140], %swap3A_143 {strides = array<i32>} : memref<80x128xf32, #tpu.memory_space<vmem>>, vector<1x16xf32>,
      %broadcast_in_dim3A_144 = arith.constant 0.000000e+00 : f32
      %broadcast_in_dim3A_145 = vector.broadcast %broadcast_in_dim3A_144 : f32 to vector<16xf32>
      %swap3A_146 = arith.index_cast %scan3A_131 : i32 to index
      %swap3A_147 = arith.constant 32 : index
      %swap3A_148 = tpu.vector_load %arg10[%swap3A_146, %swap3A_147] {strides = array<i32>} : memref<80x128xf32, #tpu.memory_space<vmem>>, vector<1x16xf32>,
      %swap3A_149 = vector.shape_cast %swap3A_148 : vector<1x16xf32> to vector<16xf32>
      %swap3A_150 = vector.shape_cast %broadcast_in_dim3A_145 : vector<16xf32> to vector<1x16xf32>
      tpu.vector_store %arg10[%swap3A_146, %swap3A_147], %swap3A_150 {strides = array<i32>} : memref<80x128xf32, #tpu.memory_space<vmem>>, vector<1x16xf32>,
      %broadcast_in_dim3A_151 = arith.constant 0.000000e+00 : f32
      %broadcast_in_dim3A_152 = vector.broadcast %broadcast_in_dim3A_151 : f32 to vector<16xf32>
      %swap3A_153 = arith.index_cast %scan3A_131 : i32 to index
      %swap3A_154 = arith.constant 48 : index
      %swap3A_155 = tpu.vector_load %arg10[%swap3A_153, %swap3A_154] {strides = array<i32>} : memref<80x128xf32, #tpu.memory_space<vmem>>, vector<1x16xf32>,
      %swap3A_156 = vector.shape_cast %swap3A_155 : vector<1x16xf32> to vector<16xf32>
      %swap3A_157 = vector.shape_cast %broadcast_in_dim3A_152 : vector<16xf32> to vector<1x16xf32>
      tpu.vector_store %arg10[%swap3A_153, %swap3A_154], %swap3A_157 {strides = array<i32>} : memref<80x128xf32, #tpu.memory_space<vmem>>, vector<1x16xf32>,
      %broadcast_in_dim3A_158 = arith.constant 0.000000e+00 : f32
      %broadcast_in_dim3A_159 = vector.broadcast %broadcast_in_dim3A_158 : f32 to vector<16xf32>
      %swap3A_160 = arith.index_cast %scan3A_131 : i32 to index
      %swap3A_161 = arith.constant 64 : index
      %swap3A_162 = tpu.vector_load %arg10[%swap3A_160, %swap3A_161] {strides = array<i32>} : memref<80x128xf32, #tpu.memory_space<vmem>>, vector<1x16xf32>,
      %swap3A_163 = vector.shape_cast %swap3A_162 : vector<1x16xf32> to vector<16xf32>
      %swap3A_164 = vector.shape_cast %broadcast_in_dim3A_159 : vector<16xf32> to vector<1x16xf32>
      tpu.vector_store %arg10[%swap3A_160, %swap3A_161], %swap3A_164 {strides = array<i32>} : memref<80x128xf32, #tpu.memory_space<vmem>>, vector<1x16xf32>,
      %broadcast_in_dim3A_165 = arith.constant 0.000000e+00 : f32
      %broadcast_in_dim3A_166 = vector.broadcast %broadcast_in_dim3A_165 : f32 to vector<16xf32>
      %swap3A_167 = arith.index_cast %scan3A_131 : i32 to index
      %swap3A_168 = arith.constant 80 : index
      %swap3A_169 = tpu.vector_load %arg10[%swap3A_167, %swap3A_168] {strides = array<i32>} : memref<80x128xf32, #tpu.memory_space<vmem>>, vector<1x16xf32>,
      %swap3A_170 = vector.shape_cast %swap3A_169 : vector<1x16xf32> to vector<16xf32>
      %swap3A_171 = vector.shape_cast %broadcast_in_dim3A_166 : vector<16xf32> to vector<1x16xf32>
      tpu.vector_store %arg10[%swap3A_167, %swap3A_168], %swap3A_171 {strides = array<i32>} : memref<80x128xf32, #tpu.memory_space<vmem>>, vector<1x16xf32>,
      %broadcast_in_dim3A_172 = arith.constant 0.000000e+00 : f32
      %broadcast_in_dim3A_173 = vector.broadcast %broadcast_in_dim3A_172 : f32 to vector<16xf32>
      %swap3A_174 = arith.index_cast %scan3A_131 : i32 to index
      %swap3A_175 = arith.constant 96 : index
      %swap3A_176 = tpu.vector_load %arg10[%swap3A_174, %swap3A_175] {strides = array<i32>} : memref<80x128xf32, #tpu.memory_space<vmem>>, vector<1x16xf32>,
      %swap3A_177 = vector.shape_cast %swap3A_176 : vector<1x16xf32> to vector<16xf32>
      %swap3A_178 = vector.shape_cast %broadcast_in_dim3A_173 : vector<16xf32> to vector<1x16xf32>
      tpu.vector_store %arg10[%swap3A_174, %swap3A_175], %swap3A_178 {strides = array<i32>} : memref<80x128xf32, #tpu.memory_space<vmem>>, vector<1x16xf32>,
      %broadcast_in_dim3A_179 = arith.constant 0.000000e+00 : f32
      %broadcast_in_dim3A_180 = vector.broadcast %broadcast_in_dim3A_179 : f32 to vector<16xf32>
      %swap3A_181 = arith.index_cast %scan3A_131 : i32 to index
      %swap3A_182 = arith.constant 112 : index
      %swap3A_183 = tpu.vector_load %arg10[%swap3A_181, %swap3A_182] {strides = array<i32>} : memref<80x128xf32, #tpu.memory_space<vmem>>, vector<1x16xf32>,
      %swap3A_184 = vector.shape_cast %swap3A_183 : vector<1x16xf32> to vector<16xf32>
      %swap3A_185 = vector.shape_cast %broadcast_in_dim3A_180 : vector<16xf32> to vector<1x16xf32>
      tpu.vector_store %arg10[%swap3A_181, %swap3A_182], %swap3A_185 {strides = array<i32>} : memref<80x128xf32, #tpu.memory_space<vmem>>, vector<1x16xf32>,
    }
    %scan3A_63 = arith.constant 80 : i32
    %mul3A_64 = arith.constant 640 : i32
    %mul3A_65 = arith.muli %arg1, %mul3A_64 : i32
    %add3A_66 = arith.constant 0 : i32
    %add3A_67 = arith.addi %mul3A_65, %add3A_66 : i32
    %multiple_of3A_68 = tpu.assume_multiple %add3A_67, 80 : i32
    "tpu.region"() ({
      %run_scoped3A = tpu.sem_alloc : memref<!tpu.dma_semaphore, #tpu.memory_space<semaphore_mem>>
      %dma_start3A = arith.constant 0 : i32
      %dma_start3A_131 = tpu.memref_slice %arg9[%multiple_of3A_68, %dma_start3A] : memref<10240x128xf32, #tpu.memory_space<vmem_shared>> -> memref<80x128xf32, #tpu.memory_space<vmem_shared>>
      %dma_start3A_132 = arith.constant 0 : i32
      %dma_start3A_133 = tpu.memref_slice %arg9[%multiple_of3A_68, %dma_start3A_132] : memref<10240x128xf32, #tpu.memory_space<vmem_shared>> -> memref<80x128xf32, #tpu.memory_space<vmem_shared>>
      tpu.enqueue_dma source(%arg10 : memref<80x128xf32, #tpu.memory_space<vmem>>) target(%dma_start3A_133 : memref<80x128xf32, #tpu.memory_space<vmem_shared>>) target_semaphore(%run_scoped3A : memref<!tpu.dma_semaphore, #tpu.memory_space<semaphore_mem>>)
      %dma_wait3A = arith.constant 0 : i32
      %dma_wait3A_134 = tpu.memref_slice %arg9[%multiple_of3A_68, %dma_wait3A] : memref<10240x128xf32, #tpu.memory_space<vmem_shared>> -> memref<80x128xf32, #tpu.memory_space<vmem_shared>>
      %dma_wait3A_135 = arith.constant 0 : i32
      %dma_wait3A_136 = tpu.memref_slice %arg9[%multiple_of3A_68, %dma_wait3A_135] : memref<10240x128xf32, #tpu.memory_space<vmem_shared>> -> memref<80x128xf32, #tpu.memory_space<vmem_shared>>
      tpu.wait_dma2 semaphore(%run_scoped3A : memref<!tpu.dma_semaphore, #tpu.memory_space<semaphore_mem>>) src(%arg10 : memref<80x128xf32, #tpu.memory_space<vmem>>) dst(%dma_wait3A_136 : memref<80x128xf32, #tpu.memory_space<vmem_shared>>)
      tpu.yield
    }) : () -> ()
    %mul3A_69 = arith.constant 640 : i32
    %mul3A_70 = arith.muli %arg1, %mul3A_69 : i32
    %add3A_71 = arith.constant 80 : i32
    %add3A_72 = arith.addi %mul3A_70, %add3A_71 : i32
    %multiple_of3A_73 = tpu.assume_multiple %add3A_72, 80 : i32
    "tpu.region"() ({
      %run_scoped3A = tpu.sem_alloc : memref<!tpu.dma_semaphore, #tpu.memory_space<semaphore_mem>>
      %dma_start3A = arith.constant 0 : i32
      %dma_start3A_131 = tpu.memref_slice %arg9[%multiple_of3A_73, %dma_start3A] : memref<10240x128xf32, #tpu.memory_space<vmem_shared>> -> memref<80x128xf32, #tpu.memory_space<vmem_shared>>
      %dma_start3A_132 = arith.constant 0 : i32
      %dma_start3A_133 = tpu.memref_slice %arg9[%multiple_of3A_73, %dma_start3A_132] : memref<10240x128xf32, #tpu.memory_space<vmem_shared>> -> memref<80x128xf32, #tpu.memory_space<vmem_shared>>
      tpu.enqueue_dma source(%arg10 : memref<80x128xf32, #tpu.memory_space<vmem>>) target(%dma_start3A_133 : memref<80x128xf32, #tpu.memory_space<vmem_shared>>) target_semaphore(%run_scoped3A : memref<!tpu.dma_semaphore, #tpu.memory_space<semaphore_mem>>)
      %dma_wait3A = arith.constant 0 : i32
      %dma_wait3A_134 = tpu.memref_slice %arg9[%multiple_of3A_73, %dma_wait3A] : memref<10240x128xf32, #tpu.memory_space<vmem_shared>> -> memref<80x128xf32, #tpu.memory_space<vmem_shared>>
      %dma_wait3A_135 = arith.constant 0 : i32
      %dma_wait3A_136 = tpu.memref_slice %arg9[%multiple_of3A_73, %dma_wait3A_135] : memref<10240x128xf32, #tpu.memory_space<vmem_shared>> -> memref<80x128xf32, #tpu.memory_space<vmem_shared>>
      tpu.wait_dma2 semaphore(%run_scoped3A : memref<!tpu.dma_semaphore, #tpu.memory_space<semaphore_mem>>) src(%arg10 : memref<80x128xf32, #tpu.memory_space<vmem>>) dst(%dma_wait3A_136 : memref<80x128xf32, #tpu.memory_space<vmem_shared>>)
      tpu.yield
    }) : () -> ()
    %mul3A_74 = arith.constant 640 : i32
    %mul3A_75 = arith.muli %arg1, %mul3A_74 : i32
    %add3A_76 = arith.constant 160 : i32
    %add3A_77 = arith.addi %mul3A_75, %add3A_76 : i32
    %multiple_of3A_78 = tpu.assume_multiple %add3A_77, 80 : i32
    "tpu.region"() ({
      %run_scoped3A = tpu.sem_alloc : memref<!tpu.dma_semaphore, #tpu.memory_space<semaphore_mem>>
      %dma_start3A = arith.constant 0 : i32
      %dma_start3A_131 = tpu.memref_slice %arg9[%multiple_of3A_78, %dma_start3A] : memref<10240x128xf32, #tpu.memory_space<vmem_shared>> -> memref<80x128xf32, #tpu.memory_space<vmem_shared>>
      %dma_start3A_132 = arith.constant 0 : i32
      %dma_start3A_133 = tpu.memref_slice %arg9[%multiple_of3A_78, %dma_start3A_132] : memref<10240x128xf32, #tpu.memory_space<vmem_shared>> -> memref<80x128xf32, #tpu.memory_space<vmem_shared>>
      tpu.enqueue_dma source(%arg10 : memref<80x128xf32, #tpu.memory_space<vmem>>) target(%dma_start3A_133 : memref<80x128xf32, #tpu.memory_space<vmem_shared>>) target_semaphore(%run_scoped3A : memref<!tpu.dma_semaphore, #tpu.memory_space<semaphore_mem>>)
      %dma_wait3A = arith.constant 0 : i32
      %dma_wait3A_134 = tpu.memref_slice %arg9[%multiple_of3A_78, %dma_wait3A] : memref<10240x128xf32, #tpu.memory_space<vmem_shared>> -> memref<80x128xf32, #tpu.memory_space<vmem_shared>>
      %dma_wait3A_135 = arith.constant 0 : i32
      %dma_wait3A_136 = tpu.memref_slice %arg9[%multiple_of3A_78, %dma_wait3A_135] : memref<10240x128xf32, #tpu.memory_space<vmem_shared>> -> memref<80x128xf32, #tpu.memory_space<vmem_shared>>
      tpu.wait_dma2 semaphore(%run_scoped3A : memref<!tpu.dma_semaphore, #tpu.memory_space<semaphore_mem>>) src(%arg10 : memref<80x128xf32, #tpu.memory_space<vmem>>) dst(%dma_wait3A_136 : memref<80x128xf32, #tpu.memory_space<vmem_shared>>)
      tpu.yield
    }) : () -> ()
    %mul3A_79 = arith.constant 640 : i32
    %mul3A_80 = arith.muli %arg1, %mul3A_79 : i32
    %add3A_81 = arith.constant 240 : i32
    %add3A_82 = arith.addi %mul3A_80, %add3A_81 : i32
    %multiple_of3A_83 = tpu.assume_multiple %add3A_82, 80 : i32
    "tpu.region"() ({
      %run_scoped3A = tpu.sem_alloc : memref<!tpu.dma_semaphore, #tpu.memory_space<semaphore_mem>>
      %dma_start3A = arith.constant 0 : i32
      %dma_start3A_131 = tpu.memref_slice %arg9[%multiple_of3A_83, %dma_start3A] : memref<10240x128xf32, #tpu.memory_space<vmem_shared>> -> memref<80x128xf32, #tpu.memory_space<vmem_shared>>
      %dma_start3A_132 = arith.constant 0 : i32
      %dma_start3A_133 = tpu.memref_slice %arg9[%multiple_of3A_83, %dma_start3A_132] : memref<10240x128xf32, #tpu.memory_space<vmem_shared>> -> memref<80x128xf32, #tpu.memory_space<vmem_shared>>
      tpu.enqueue_dma source(%arg10 : memref<80x128xf32, #tpu.memory_space<vmem>>) target(%dma_start3A_133 : memref<80x128xf32, #tpu.memory_space<vmem_shared>>) target_semaphore(%run_scoped3A : memref<!tpu.dma_semaphore, #tpu.memory_space<semaphore_mem>>)
      %dma_wait3A = arith.constant 0 : i32
      %dma_wait3A_134 = tpu.memref_slice %arg9[%multiple_of3A_83, %dma_wait3A] : memref<10240x128xf32, #tpu.memory_space<vmem_shared>> -> memref<80x128xf32, #tpu.memory_space<vmem_shared>>
      %dma_wait3A_135 = arith.constant 0 : i32
      %dma_wait3A_136 = tpu.memref_slice %arg9[%multiple_of3A_83, %dma_wait3A_135] : memref<10240x128xf32, #tpu.memory_space<vmem_shared>> -> memref<80x128xf32, #tpu.memory_space<vmem_shared>>
      tpu.wait_dma2 semaphore(%run_scoped3A : memref<!tpu.dma_semaphore, #tpu.memory_space<semaphore_mem>>) src(%arg10 : memref<80x128xf32, #tpu.memory_space<vmem>>) dst(%dma_wait3A_136 : memref<80x128xf32, #tpu.memory_space<vmem_shared>>)
      tpu.yield
    }) : () -> ()
    %mul3A_84 = arith.constant 640 : i32
    %mul3A_85 = arith.muli %arg1, %mul3A_84 : i32
    %add3A_86 = arith.constant 320 : i32
    %add3A_87 = arith.addi %mul3A_85, %add3A_86 : i32
    %multiple_of3A_88 = tpu.assume_multiple %add3A_87, 80 : i32
    "tpu.region"() ({
      %run_scoped3A = tpu.sem_alloc : memref<!tpu.dma_semaphore, #tpu.memory_space<semaphore_mem>>
      %dma_start3A = arith.constant 0 : i32
      %dma_start3A_131 = tpu.memref_slice %arg9[%multiple_of3A_88, %dma_start3A] : memref<10240x128xf32, #tpu.memory_space<vmem_shared>> -> memref<80x128xf32, #tpu.memory_space<vmem_shared>>
      %dma_start3A_132 = arith.constant 0 : i32
      %dma_start3A_133 = tpu.memref_slice %arg9[%multiple_of3A_88, %dma_start3A_132] : memref<10240x128xf32, #tpu.memory_space<vmem_shared>> -> memref<80x128xf32, #tpu.memory_space<vmem_shared>>
      tpu.enqueue_dma source(%arg10 : memref<80x128xf32, #tpu.memory_space<vmem>>) target(%dma_start3A_133 : memref<80x128xf32, #tpu.memory_space<vmem_shared>>) target_semaphore(%run_scoped3A : memref<!tpu.dma_semaphore, #tpu.memory_space<semaphore_mem>>)
      %dma_wait3A = arith.constant 0 : i32
      %dma_wait3A_134 = tpu.memref_slice %arg9[%multiple_of3A_88, %dma_wait3A] : memref<10240x128xf32, #tpu.memory_space<vmem_shared>> -> memref<80x128xf32, #tpu.memory_space<vmem_shared>>
      %dma_wait3A_135 = arith.constant 0 : i32
      %dma_wait3A_136 = tpu.memref_slice %arg9[%multiple_of3A_88, %dma_wait3A_135] : memref<10240x128xf32, #tpu.memory_space<vmem_shared>> -> memref<80x128xf32, #tpu.memory_space<vmem_shared>>
      tpu.wait_dma2 semaphore(%run_scoped3A : memref<!tpu.dma_semaphore, #tpu.memory_space<semaphore_mem>>) src(%arg10 : memref<80x128xf32, #tpu.memory_space<vmem>>) dst(%dma_wait3A_136 : memref<80x128xf32, #tpu.memory_space<vmem_shared>>)
      tpu.yield
    }) : () -> ()
    %mul3A_89 = arith.constant 640 : i32
    %mul3A_90 = arith.muli %arg1, %mul3A_89 : i32
    %add3A_91 = arith.constant 400 : i32
    %add3A_92 = arith.addi %mul3A_90, %add3A_91 : i32
    %multiple_of3A_93 = tpu.assume_multiple %add3A_92, 80 : i32
    "tpu.region"() ({
      %run_scoped3A = tpu.sem_alloc : memref<!tpu.dma_semaphore, #tpu.memory_space<semaphore_mem>>
      %dma_start3A = arith.constant 0 : i32
      %dma_start3A_131 = tpu.memref_slice %arg9[%multiple_of3A_93, %dma_start3A] : memref<10240x128xf32, #tpu.memory_space<vmem_shared>> -> memref<80x128xf32, #tpu.memory_space<vmem_shared>>
      %dma_start3A_132 = arith.constant 0 : i32
      %dma_start3A_133 = tpu.memref_slice %arg9[%multiple_of3A_93, %dma_start3A_132] : memref<10240x128xf32, #tpu.memory_space<vmem_shared>> -> memref<80x128xf32, #tpu.memory_space<vmem_shared>>
      tpu.enqueue_dma source(%arg10 : memref<80x128xf32, #tpu.memory_space<vmem>>) target(%dma_start3A_133 : memref<80x128xf32, #tpu.memory_space<vmem_shared>>) target_semaphore(%run_scoped3A : memref<!tpu.dma_semaphore, #tpu.memory_space<semaphore_mem>>)
      %dma_wait3A = arith.constant 0 : i32
      %dma_wait3A_134 = tpu.memref_slice %arg9[%multiple_of3A_93, %dma_wait3A] : memref<10240x128xf32, #tpu.memory_space<vmem_shared>> -> memref<80x128xf32, #tpu.memory_space<vmem_shared>>
      %dma_wait3A_135 = arith.constant 0 : i32
      %dma_wait3A_136 = tpu.memref_slice %arg9[%multiple_of3A_93, %dma_wait3A_135] : memref<10240x128xf32, #tpu.memory_space<vmem_shared>> -> memref<80x128xf32, #tpu.memory_space<vmem_shared>>
      tpu.wait_dma2 semaphore(%run_scoped3A : memref<!tpu.dma_semaphore, #tpu.memory_space<semaphore_mem>>) src(%arg10 : memref<80x128xf32, #tpu.memory_space<vmem>>) dst(%dma_wait3A_136 : memref<80x128xf32, #tpu.memory_space<vmem_shared>>)
      tpu.yield
    }) : () -> ()
    %mul3A_94 = arith.constant 640 : i32
    %mul3A_95 = arith.muli %arg1, %mul3A_94 : i32
    %add3A_96 = arith.constant 480 : i32
    %add3A_97 = arith.addi %mul3A_95, %add3A_96 : i32
    %multiple_of3A_98 = tpu.assume_multiple %add3A_97, 80 : i32
    "tpu.region"() ({
      %run_scoped3A = tpu.sem_alloc : memref<!tpu.dma_semaphore, #tpu.memory_space<semaphore_mem>>
      %dma_start3A = arith.constant 0 : i32
      %dma_start3A_131 = tpu.memref_slice %arg9[%multiple_of3A_98, %dma_start3A] : memref<10240x128xf32, #tpu.memory_space<vmem_shared>> -> memref<80x128xf32, #tpu.memory_space<vmem_shared>>
      %dma_start3A_132 = arith.constant 0 : i32
      %dma_start3A_133 = tpu.memref_slice %arg9[%multiple_of3A_98, %dma_start3A_132] : memref<10240x128xf32, #tpu.memory_space<vmem_shared>> -> memref<80x128xf32, #tpu.memory_space<vmem_shared>>
      tpu.enqueue_dma source(%arg10 : memref<80x128xf32, #tpu.memory_space<vmem>>) target(%dma_start3A_133 : memref<80x128xf32, #tpu.memory_space<vmem_shared>>) target_semaphore(%run_scoped3A : memref<!tpu.dma_semaphore, #tpu.memory_space<semaphore_mem>>)
      %dma_wait3A = arith.constant 0 : i32
      %dma_wait3A_134 = tpu.memref_slice %arg9[%multiple_of3A_98, %dma_wait3A] : memref<10240x128xf32, #tpu.memory_space<vmem_shared>> -> memref<80x128xf32, #tpu.memory_space<vmem_shared>>
      %dma_wait3A_135 = arith.constant 0 : i32
      %dma_wait3A_136 = tpu.memref_slice %arg9[%multiple_of3A_98, %dma_wait3A_135] : memref<10240x128xf32, #tpu.memory_space<vmem_shared>> -> memref<80x128xf32, #tpu.memory_space<vmem_shared>>
      tpu.wait_dma2 semaphore(%run_scoped3A : memref<!tpu.dma_semaphore, #tpu.memory_space<semaphore_mem>>) src(%arg10 : memref<80x128xf32, #tpu.memory_space<vmem>>) dst(%dma_wait3A_136 : memref<80x128xf32, #tpu.memory_space<vmem_shared>>)
      tpu.yield
    }) : () -> ()
    %mul3A_99 = arith.constant 640 : i32
    %mul3A_100 = arith.muli %arg1, %mul3A_99 : i32
    %add3A_101 = arith.constant 560 : i32
    %add3A_102 = arith.addi %mul3A_100, %add3A_101 : i32
    %multiple_of3A_103 = tpu.assume_multiple %add3A_102, 80 : i32
    "tpu.region"() ({
      %run_scoped3A = tpu.sem_alloc : memref<!tpu.dma_semaphore, #tpu.memory_space<semaphore_mem>>
      %dma_start3A = arith.constant 0 : i32
      %dma_start3A_131 = tpu.memref_slice %arg9[%multiple_of3A_103, %dma_start3A] : memref<10240x128xf32, #tpu.memory_space<vmem_shared>> -> memref<80x128xf32, #tpu.memory_space<vmem_shared>>
      %dma_start3A_132 = arith.constant 0 : i32
      %dma_start3A_133 = tpu.memref_slice %arg9[%multiple_of3A_103, %dma_start3A_132] : memref<10240x128xf32, #tpu.memory_space<vmem_shared>> -> memref<80x128xf32, #tpu.memory_space<vmem_shared>>
      tpu.enqueue_dma source(%arg10 : memref<80x128xf32, #tpu.memory_space<vmem>>) target(%dma_start3A_133 : memref<80x128xf32, #tpu.memory_space<vmem_shared>>) target_semaphore(%run_scoped3A : memref<!tpu.dma_semaphore, #tpu.memory_space<semaphore_mem>>)
      %dma_wait3A = arith.constant 0 : i32
      %dma_wait3A_134 = tpu.memref_slice %arg9[%multiple_of3A_103, %dma_wait3A] : memref<10240x128xf32, #tpu.memory_space<vmem_shared>> -> memref<80x128xf32, #tpu.memory_space<vmem_shared>>
      %dma_wait3A_135 = arith.constant 0 : i32
      %dma_wait3A_136 = tpu.memref_slice %arg9[%multiple_of3A_103, %dma_wait3A_135] : memref<10240x128xf32, #tpu.memory_space<vmem_shared>> -> memref<80x128xf32, #tpu.memory_space<vmem_shared>>
      tpu.wait_dma2 semaphore(%run_scoped3A : memref<!tpu.dma_semaphore, #tpu.memory_space<semaphore_mem>>) src(%arg10 : memref<80x128xf32, #tpu.memory_space<vmem>>) dst(%dma_wait3A_136 : memref<80x128xf32, #tpu.memory_space<vmem_shared>>)
      tpu.yield
    }) : () -> ()
    %barrier3A_104 = arith.constant 0 : index
    tpu.barrier barrier_id(%barrier3A_104)
    %scan3A_105 = arith.constant 0 : i32
    %scan3A_106 = arith.constant 80 : i32
    %scan3A_107 = arith.addi %scan3A_105, %scan3A_106 : i32
    %scan3A_108 = arith.constant 1 : i32
    scf.for %scan3A_131 = %scan3A_105 to %scan3A_107 step %scan3A_108  : i32 {
      %broadcast_in_dim3A = arith.constant 1.000000e+00 : f32
      %broadcast_in_dim3A_132 = vector.broadcast %broadcast_in_dim3A : f32 to vector<16xf32>
      %swap3A = arith.index_cast %scan3A_131 : i32 to index
      %swap3A_133 = arith.constant 0 : index
      %swap3A_134 = tpu.vector_load %arg10[%swap3A, %swap3A_133] {strides = array<i32>} : memref<80x128xf32, #tpu.memory_space<vmem>>, vector<1x16xf32>,
      %swap3A_135 = vector.shape_cast %swap3A_134 : vector<1x16xf32> to vector<16xf32>
      %swap3A_136 = vector.shape_cast %broadcast_in_dim3A_132 : vector<16xf32> to vector<1x16xf32>
      tpu.vector_store %arg10[%swap3A, %swap3A_133], %swap3A_136 {strides = array<i32>} : memref<80x128xf32, #tpu.memory_space<vmem>>, vector<1x16xf32>,
      %broadcast_in_dim3A_137 = arith.constant 1.000000e+00 : f32
      %broadcast_in_dim3A_138 = vector.broadcast %broadcast_in_dim3A_137 : f32 to vector<16xf32>
      %swap3A_139 = arith.index_cast %scan3A_131 : i32 to index
      %swap3A_140 = arith.constant 16 : index
      %swap3A_141 = tpu.vector_load %arg10[%swap3A_139, %swap3A_140] {strides = array<i32>} : memref<80x128xf32, #tpu.memory_space<vmem>>, vector<1x16xf32>,
      %swap3A_142 = vector.shape_cast %swap3A_141 : vector<1x16xf32> to vector<16xf32>
      %swap3A_143 = vector.shape_cast %broadcast_in_dim3A_138 : vector<16xf32> to vector<1x16xf32>
      tpu.vector_store %arg10[%swap3A_139, %swap3A_140], %swap3A_143 {strides = array<i32>} : memref<80x128xf32, #tpu.memory_space<vmem>>, vector<1x16xf32>,
      %broadcast_in_dim3A_144 = arith.constant 1.000000e+00 : f32
      %broadcast_in_dim3A_145 = vector.broadcast %broadcast_in_dim3A_144 : f32 to vector<16xf32>
      %swap3A_146 = arith.index_cast %scan3A_131 : i32 to index
      %swap3A_147 = arith.constant 32 : index
      %swap3A_148 = tpu.vector_load %arg10[%swap3A_146, %swap3A_147] {strides = array<i32>} : memref<80x128xf32, #tpu.memory_space<vmem>>, vector<1x16xf32>,
      %swap3A_149 = vector.shape_cast %swap3A_148 : vector<1x16xf32> to vector<16xf32>
      %swap3A_150 = vector.shape_cast %broadcast_in_dim3A_145 : vector<16xf32> to vector<1x16xf32>
      tpu.vector_store %arg10[%swap3A_146, %swap3A_147], %swap3A_150 {strides = array<i32>} : memref<80x128xf32, #tpu.memory_space<vmem>>, vector<1x16xf32>,
      %broadcast_in_dim3A_151 = arith.constant 1.000000e+00 : f32
      %broadcast_in_dim3A_152 = vector.broadcast %broadcast_in_dim3A_151 : f32 to vector<16xf32>
      %swap3A_153 = arith.index_cast %scan3A_131 : i32 to index
      %swap3A_154 = arith.constant 48 : index
      %swap3A_155 = tpu.vector_load %arg10[%swap3A_153, %swap3A_154] {strides = array<i32>} : memref<80x128xf32, #tpu.memory_space<vmem>>, vector<1x16xf32>,
      %swap3A_156 = vector.shape_cast %swap3A_155 : vector<1x16xf32> to vector<16xf32>
      %swap3A_157 = vector.shape_cast %broadcast_in_dim3A_152 : vector<16xf32> to vector<1x16xf32>
      tpu.vector_store %arg10[%swap3A_153, %swap3A_154], %swap3A_157 {strides = array<i32>} : memref<80x128xf32, #tpu.memory_space<vmem>>, vector<1x16xf32>,
      %broadcast_in_dim3A_158 = arith.constant 1.000000e+00 : f32
      %broadcast_in_dim3A_159 = vector.broadcast %broadcast_in_dim3A_158 : f32 to vector<16xf32>
      %swap3A_160 = arith.index_cast %scan3A_131 : i32 to index
      %swap3A_161 = arith.constant 64 : index
      %swap3A_162 = tpu.vector_load %arg10[%swap3A_160, %swap3A_161] {strides = array<i32>} : memref<80x128xf32, #tpu.memory_space<vmem>>, vector<1x16xf32>,
      %swap3A_163 = vector.shape_cast %swap3A_162 : vector<1x16xf32> to vector<16xf32>
      %swap3A_164 = vector.shape_cast %broadcast_in_dim3A_159 : vector<16xf32> to vector<1x16xf32>
      tpu.vector_store %arg10[%swap3A_160, %swap3A_161], %swap3A_164 {strides = array<i32>} : memref<80x128xf32, #tpu.memory_space<vmem>>, vector<1x16xf32>,
      %broadcast_in_dim3A_165 = arith.constant 1.000000e+00 : f32
      %broadcast_in_dim3A_166 = vector.broadcast %broadcast_in_dim3A_165 : f32 to vector<16xf32>
      %swap3A_167 = arith.index_cast %scan3A_131 : i32 to index
      %swap3A_168 = arith.constant 80 : index
      %swap3A_169 = tpu.vector_load %arg10[%swap3A_167, %swap3A_168] {strides = array<i32>} : memref<80x128xf32, #tpu.memory_space<vmem>>, vector<1x16xf32>,
      %swap3A_170 = vector.shape_cast %swap3A_169 : vector<1x16xf32> to vector<16xf32>
      %swap3A_171 = vector.shape_cast %broadcast_in_dim3A_166 : vector<16xf32> to vector<1x16xf32>
      tpu.vector_store %arg10[%swap3A_167, %swap3A_168], %swap3A_171 {strides = array<i32>} : memref<80x128xf32, #tpu.memory_space<vmem>>, vector<1x16xf32>,
      %broadcast_in_dim3A_172 = arith.constant 1.000000e+00 : f32
      %broadcast_in_dim3A_173 = vector.broadcast %broadcast_in_dim3A_172 : f32 to vector<16xf32>
      %swap3A_174 = arith.index_cast %scan3A_131 : i32 to index
      %swap3A_175 = arith.constant 96 : index
      %swap3A_176 = tpu.vector_load %arg10[%swap3A_174, %swap3A_175] {strides = array<i32>} : memref<80x128xf32, #tpu.memory_space<vmem>>, vector<1x16xf32>,
      %swap3A_177 = vector.shape_cast %swap3A_176 : vector<1x16xf32> to vector<16xf32>
      %swap3A_178 = vector.shape_cast %broadcast_in_dim3A_173 : vector<16xf32> to vector<1x16xf32>
      tpu.vector_store %arg10[%swap3A_174, %swap3A_175], %swap3A_178 {strides = array<i32>} : memref<80x128xf32, #tpu.memory_space<vmem>>, vector<1x16xf32>,
      %broadcast_in_dim3A_179 = arith.constant 1.000000e+00 : f32
      %broadcast_in_dim3A_180 = vector.broadcast %broadcast_in_dim3A_179 : f32 to vector<16xf32>
      %swap3A_181 = arith.index_cast %scan3A_131 : i32 to index
      %swap3A_182 = arith.constant 112 : index
      %swap3A_183 = tpu.vector_load %arg10[%swap3A_181, %swap3A_182] {strides = array<i32>} : memref<80x128xf32, #tpu.memory_space<vmem>>, vector<1x16xf32>,
      %swap3A_184 = vector.shape_cast %swap3A_183 : vector<1x16xf32> to vector<16xf32>
      %swap3A_185 = vector.shape_cast %broadcast_in_dim3A_180 : vector<16xf32> to vector<1x16xf32>
      tpu.vector_store %arg10[%swap3A_181, %swap3A_182], %swap3A_185 {strides = array<i32>} : memref<80x128xf32, #tpu.memory_space<vmem>>, vector<1x16xf32>,
    }
    %scan3A_109 = arith.constant 80 : i32
    %eq3A_110 = arith.constant 0 : i32
    %eq3A_111 = arith.cmpi eq, %arg0, %eq3A_110 : i32
    %convert_element_type3A_112 = arith.extui %eq3A_111 : i1 to i32
    %cond3A_113 = arith.constant 0 : i32
    %cond3A_114 = arith.cmpi ne, %convert_element_type3A_112, %cond3A_113 : i32
    scf.if %cond3A_114 {
      %add3A_131 = arith.constant 0 : i32
      %add3A_132 = arith.addi %arg1, %add3A_131 : i32
      %lt3A = arith.constant 4000 : i32
      %lt3A_133 = arith.cmpi slt, %add3A_132, %lt3A : i32
      %convert_element_type3A_134 = arith.extui %lt3A_133 : i1 to i32
      %cond3A_135 = arith.constant 0 : i32
      %cond3A_136 = arith.cmpi ne, %convert_element_type3A_134, %cond3A_135 : i32
      scf.if %cond3A_136 {
        %add3A_195 = arith.constant 0 : i32
        %add3A_196 = arith.addi %arg1, %add3A_195 : i32
        %mul3A_197 = arith.constant 80 : i32
        %mul3A_198 = arith.muli %add3A_196, %mul3A_197 : i32
        %multiple_of3A_199 = tpu.assume_multiple %mul3A_198, 80 : i32
        %dma_start3A = tpu.memref_slice %arg3[%multiple_of3A_199] : memref<320000xi32, #tpu.memory_space<hbm>> -> memref<80xi32, #tpu.memory_space<hbm>>
        %dma_start3A_200 = tpu.memref_slice %arg3[%multiple_of3A_199] : memref<320000xi32, #tpu.memory_space<hbm>> -> memref<80xi32, #tpu.memory_space<hbm>>
        tpu.enqueue_dma source(%dma_start3A_200 : memref<80xi32, #tpu.memory_space<hbm>>) target(%arg13 : memref<80xi32, #tpu.memory_space<vmem>>) target_semaphore(%arg16 : memref<!tpu.dma_semaphore, #tpu.memory_space<semaphore_mem>>)
      } else {
      }
      %add3A_137 = arith.constant 16 : i32
      %add3A_138 = arith.addi %arg1, %add3A_137 : i32
      %lt3A_139 = arith.constant 4000 : i32
      %lt3A_140 = arith.cmpi slt, %add3A_138, %lt3A_139 : i32
      %convert_element_type3A_141 = arith.extui %lt3A_140 : i1 to i32
      %cond3A_142 = arith.constant 0 : i32
      %cond3A_143 = arith.cmpi ne, %convert_element_type3A_141, %cond3A_142 : i32
      scf.if %cond3A_143 {
        %add3A_195 = arith.constant 16 : i32
        %add3A_196 = arith.addi %arg1, %add3A_195 : i32
        %mul3A_197 = arith.constant 80 : i32
        %mul3A_198 = arith.muli %add3A_196, %mul3A_197 : i32
        %multiple_of3A_199 = tpu.assume_multiple %mul3A_198, 80 : i32
        %dma_start3A = tpu.memref_slice %arg3[%multiple_of3A_199] : memref<320000xi32, #tpu.memory_space<hbm>> -> memref<80xi32, #tpu.memory_space<hbm>>
        %dma_start3A_200 = tpu.memref_slice %arg3[%multiple_of3A_199] : memref<320000xi32, #tpu.memory_space<hbm>> -> memref<80xi32, #tpu.memory_space<hbm>>
        tpu.enqueue_dma source(%dma_start3A_200 : memref<80xi32, #tpu.memory_space<hbm>>) target(%arg14 : memref<80xi32, #tpu.memory_space<vmem>>) target_semaphore(%arg17 : memref<!tpu.dma_semaphore, #tpu.memory_space<semaphore_mem>>)
      } else {
      }
      %scan3A_144 = arith.constant 0 : i32
      %scan3A_145 = arith.constant 84 : i32
      %scan3A_146 = arith.addi %scan3A_144, %scan3A_145 : i32
      %scan3A_147 = arith.constant 1 : i32
      scf.for %scan3A_195 = %scan3A_144 to %scan3A_146 step %scan3A_147  : i32 {
        %mul3A_196 = arith.constant 3 : i32
        %mul3A_197 = arith.muli %scan3A_195, %mul3A_196 : i32
        %add3A_198 = arith.constant 0 : i32
        %add3A_199 = arith.addi %mul3A_197, %add3A_198 : i32
        %mul3A_200 = arith.constant 16 : i32
        %mul3A_201 = arith.muli %add3A_199, %mul3A_200 : i32
        %add3A_202 = arith.addi %arg1, %mul3A_201 : i32
        %lt3A_203 = arith.constant 4000 : i32
        %lt3A_204 = arith.cmpi slt, %add3A_202, %lt3A_203 : i32
        %convert_element_type3A_205 = arith.extui %lt3A_204 : i1 to i32
        %cond3A_206 = arith.constant 0 : i32
        %cond3A_207 = arith.cmpi ne, %convert_element_type3A_205, %cond3A_206 : i32
        scf.if %cond3A_207 {
          %mul3A_258 = arith.constant 16 : i32
          %mul3A_259 = arith.muli %add3A_199, %mul3A_258 : i32
          %add3A_260 = arith.addi %arg1, %mul3A_259 : i32
          %mul3A_261 = arith.constant 80 : i32
          %mul3A_262 = arith.muli %add3A_260, %mul3A_261 : i32
          %multiple_of3A_263 = tpu.assume_multiple %mul3A_262, 80 : i32
          %dma_wait3A = tpu.memref_slice %arg3[%multiple_of3A_263] : memref<320000xi32, #tpu.memory_space<hbm>> -> memref<80xi32, #tpu.memory_space<hbm>>
          %dma_wait3A_264 = tpu.memref_slice %arg3[%multiple_of3A_263] : memref<320000xi32, #tpu.memory_space<hbm>> -> memref<80xi32, #tpu.memory_space<hbm>>
          tpu.wait_dma2 semaphore(%arg16 : memref<!tpu.dma_semaphore, #tpu.memory_space<semaphore_mem>>) src(%dma_wait3A_264 : memref<80xi32, #tpu.memory_space<hbm>>) dst(%arg13 : memref<80xi32, #tpu.memory_space<vmem>>)
          %dma_start3A = arith.constant 0 : i32
          %dma_start3A_265 = arith.constant 0 : i32
          %dma_start3A_266 = tpu.memref_slice %arg9[%dma_start3A, %dma_start3A_265] : memref<10240x128xf32, #tpu.memory_space<vmem_shared>> -> memref<10240x128xf32, #tpu.memory_space<vmem_shared>>
          tpu.enqueue_indirect_dma source(%arg10 : memref<80x128xf32, #tpu.memory_space<vmem>>) target(%dma_start3A_266 : memref<10240x128xf32, #tpu.memory_space<vmem_shared>>) offsets(%arg13 : memref<80xi32, #tpu.memory_space<vmem>>) semaphore(%arg22 : memref<!tpu.dma_semaphore, #tpu.memory_space<semaphore_mem>>) {add = true}
        } else {
        }
        %add3A_208 = arith.constant 2 : i32
        %add3A_209 = arith.addi %add3A_199, %add3A_208 : i32
        %mul3A_210 = arith.constant 16 : i32
        %mul3A_211 = arith.muli %add3A_209, %mul3A_210 : i32
        %add3A_212 = arith.addi %arg1, %mul3A_211 : i32
        %lt3A_213 = arith.constant 4000 : i32
        %lt3A_214 = arith.cmpi slt, %add3A_212, %lt3A_213 : i32
        %convert_element_type3A_215 = arith.extui %lt3A_214 : i1 to i32
        %cond3A_216 = arith.constant 0 : i32
        %cond3A_217 = arith.cmpi ne, %convert_element_type3A_215, %cond3A_216 : i32
        scf.if %cond3A_217 {
          %ge3A_258 = arith.constant 1 : i32
          %ge3A_259 = arith.cmpi sge, %add3A_199, %ge3A_258 : i32
          %sub3A = arith.constant 1 : i32
          %sub3A_260 = arith.subi %add3A_199, %sub3A : i32
          %mul3A_261 = arith.constant 16 : i32
          %mul3A_262 = arith.muli %sub3A_260, %mul3A_261 : i32
          %add3A_263 = arith.addi %arg1, %mul3A_262 : i32
          %lt3A_264 = arith.constant 4000 : i32
          %lt3A_265 = arith.cmpi slt, %add3A_263, %lt3A_264 : i32
          %and3A_266 = arith.andi %ge3A_259, %lt3A_265 : i1
          %convert_element_type3A_267 = arith.extui %and3A_266 : i1 to i32
          %cond3A_268 = arith.constant 0 : i32
          %cond3A_269 = arith.cmpi ne, %convert_element_type3A_267, %cond3A_268 : i32
          scf.if %cond3A_269 {
            %dma_wait3A = arith.constant 0 : i32
            %dma_wait3A_279 = arith.constant 0 : i32
            %dma_wait3A_280 = tpu.memref_slice %arg9[%dma_wait3A, %dma_wait3A_279] : memref<10240x128xf32, #tpu.memory_space<vmem_shared>> -> memref<10240x128xf32, #tpu.memory_space<vmem_shared>>
            tpu.wait_indirect_dma semaphore(%arg24 : memref<!tpu.dma_semaphore, #tpu.memory_space<semaphore_mem>>) src(%arg10 : memref<80x128xf32, #tpu.memory_space<vmem>>) dst(%dma_wait3A_280 : memref<10240x128xf32, #tpu.memory_space<vmem_shared>>)
          } else {
          }
          %add3A_270 = arith.constant 2 : i32
          %add3A_271 = arith.addi %add3A_199, %add3A_270 : i32
          %mul3A_272 = arith.constant 16 : i32
          %mul3A_273 = arith.muli %add3A_271, %mul3A_272 : i32
          %add3A_274 = arith.addi %arg1, %mul3A_273 : i32
          %mul3A_275 = arith.constant 80 : i32
          %mul3A_276 = arith.muli %add3A_274, %mul3A_275 : i32
          %multiple_of3A_277 = tpu.assume_multiple %mul3A_276, 80 : i32
          %dma_start3A = tpu.memref_slice %arg3[%multiple_of3A_277] : memref<320000xi32, #tpu.memory_space<hbm>> -> memref<80xi32, #tpu.memory_space<hbm>>
          %dma_start3A_278 = tpu.memref_slice %arg3[%multiple_of3A_277] : memref<320000xi32, #tpu.memory_space<hbm>> -> memref<80xi32, #tpu.memory_space<hbm>>
          tpu.enqueue_dma source(%dma_start3A_278 : memref<80xi32, #tpu.memory_space<hbm>>) target(%arg15 : memref<80xi32, #tpu.memory_space<vmem>>) target_semaphore(%arg18 : memref<!tpu.dma_semaphore, #tpu.memory_space<semaphore_mem>>)
        } else {
        }
        %add3A_218 = arith.constant 1 : i32
        %add3A_219 = arith.addi %mul3A_197, %add3A_218 : i32
        %mul3A_220 = arith.constant 16 : i32
        %mul3A_221 = arith.muli %add3A_219, %mul3A_220 : i32
        %add3A_222 = arith.addi %arg1, %mul3A_221 : i32
        %lt3A_223 = arith.constant 4000 : i32
        %lt3A_224 = arith.cmpi slt, %add3A_222, %lt3A_223 : i32
        %convert_element_type3A_225 = arith.extui %lt3A_224 : i1 to i32
        %cond3A_226 = arith.constant 0 : i32
        %cond3A_227 = arith.cmpi ne, %convert_element_type3A_225, %cond3A_226 : i32
        scf.if %cond3A_227 {
          %mul3A_258 = arith.constant 16 : i32
          %mul3A_259 = arith.muli %add3A_219, %mul3A_258 : i32
          %add3A_260 = arith.addi %arg1, %mul3A_259 : i32
          %mul3A_261 = arith.constant 80 : i32
          %mul3A_262 = arith.muli %add3A_260, %mul3A_261 : i32
          %multiple_of3A_263 = tpu.assume_multiple %mul3A_262, 80 : i32
          %dma_wait3A = tpu.memref_slice %arg3[%multiple_of3A_263] : memref<320000xi32, #tpu.memory_space<hbm>> -> memref<80xi32, #tpu.memory_space<hbm>>
          %dma_wait3A_264 = tpu.memref_slice %arg3[%multiple_of3A_263] : memref<320000xi32, #tpu.memory_space<hbm>> -> memref<80xi32, #tpu.memory_space<hbm>>
          tpu.wait_dma2 semaphore(%arg17 : memref<!tpu.dma_semaphore, #tpu.memory_space<semaphore_mem>>) src(%dma_wait3A_264 : memref<80xi32, #tpu.memory_space<hbm>>) dst(%arg14 : memref<80xi32, #tpu.memory_space<vmem>>)
          %dma_start3A = arith.constant 0 : i32
          %dma_start3A_265 = arith.constant 0 : i32
          %dma_start3A_266 = tpu.memref_slice %arg9[%dma_start3A, %dma_start3A_265] : memref<10240x128xf32, #tpu.memory_space<vmem_shared>> -> memref<10240x128xf32, #tpu.memory_space<vmem_shared>>
          tpu.enqueue_indirect_dma source(%arg10 : memref<80x128xf32, #tpu.memory_space<vmem>>) target(%dma_start3A_266 : memref<10240x128xf32, #tpu.memory_space<vmem_shared>>) offsets(%arg14 : memref<80xi32, #tpu.memory_space<vmem>>) semaphore(%arg23 : memref<!tpu.dma_semaphore, #tpu.memory_space<semaphore_mem>>) {add = true}
        } else {
        }
        %add3A_228 = arith.constant 2 : i32
        %add3A_229 = arith.addi %add3A_219, %add3A_228 : i32
        %mul3A_230 = arith.constant 16 : i32
        %mul3A_231 = arith.muli %add3A_229, %mul3A_230 : i32
        %add3A_232 = arith.addi %arg1, %mul3A_231 : i32
        %lt3A_233 = arith.constant 4000 : i32
        %lt3A_234 = arith.cmpi slt, %add3A_232, %lt3A_233 : i32
        %convert_element_type3A_235 = arith.extui %lt3A_234 : i1 to i32
        %cond3A_236 = arith.constant 0 : i32
        %cond3A_237 = arith.cmpi ne, %convert_element_type3A_235, %cond3A_236 : i32
        scf.if %cond3A_237 {
          %ge3A_258 = arith.constant 1 : i32
          %ge3A_259 = arith.cmpi sge, %add3A_219, %ge3A_258 : i32
          %sub3A = arith.constant 1 : i32
          %sub3A_260 = arith.subi %add3A_219, %sub3A : i32
          %mul3A_261 = arith.constant 16 : i32
          %mul3A_262 = arith.muli %sub3A_260, %mul3A_261 : i32
          %add3A_263 = arith.addi %arg1, %mul3A_262 : i32
          %lt3A_264 = arith.constant 4000 : i32
          %lt3A_265 = arith.cmpi slt, %add3A_263, %lt3A_264 : i32
          %and3A_266 = arith.andi %ge3A_259, %lt3A_265 : i1
          %convert_element_type3A_267 = arith.extui %and3A_266 : i1 to i32
          %cond3A_268 = arith.constant 0 : i32
          %cond3A_269 = arith.cmpi ne, %convert_element_type3A_267, %cond3A_268 : i32
          scf.if %cond3A_269 {
            %dma_wait3A = arith.constant 0 : i32
            %dma_wait3A_279 = arith.constant 0 : i32
            %dma_wait3A_280 = tpu.memref_slice %arg9[%dma_wait3A, %dma_wait3A_279] : memref<10240x128xf32, #tpu.memory_space<vmem_shared>> -> memref<10240x128xf32, #tpu.memory_space<vmem_shared>>
            tpu.wait_indirect_dma semaphore(%arg22 : memref<!tpu.dma_semaphore, #tpu.memory_space<semaphore_mem>>) src(%arg10 : memref<80x128xf32, #tpu.memory_space<vmem>>) dst(%dma_wait3A_280 : memref<10240x128xf32, #tpu.memory_space<vmem_shared>>)
          } else {
          }
          %add3A_270 = arith.constant 2 : i32
          %add3A_271 = arith.addi %add3A_219, %add3A_270 : i32
          %mul3A_272 = arith.constant 16 : i32
          %mul3A_273 = arith.muli %add3A_271, %mul3A_272 : i32
          %add3A_274 = arith.addi %arg1, %mul3A_273 : i32
          %mul3A_275 = arith.constant 80 : i32
          %mul3A_276 = arith.muli %add3A_274, %mul3A_275 : i32
          %multiple_of3A_277 = tpu.assume_multiple %mul3A_276, 80 : i32
          %dma_start3A = tpu.memref_slice %arg3[%multiple_of3A_277] : memref<320000xi32, #tpu.memory_space<hbm>> -> memref<80xi32, #tpu.memory_space<hbm>>
          %dma_start3A_278 = tpu.memref_slice %arg3[%multiple_of3A_277] : memref<320000xi32, #tpu.memory_space<hbm>> -> memref<80xi32, #tpu.memory_space<hbm>>
          tpu.enqueue_dma source(%dma_start3A_278 : memref<80xi32, #tpu.memory_space<hbm>>) target(%arg13 : memref<80xi32, #tpu.memory_space<vmem>>) target_semaphore(%arg16 : memref<!tpu.dma_semaphore, #tpu.memory_space<semaphore_mem>>)
        } else {
        }
        %add3A_238 = arith.constant 2 : i32
        %add3A_239 = arith.addi %mul3A_197, %add3A_238 : i32
        %mul3A_240 = arith.constant 16 : i32
        %mul3A_241 = arith.muli %add3A_239, %mul3A_240 : i32
        %add3A_242 = arith.addi %arg1, %mul3A_241 : i32
        %lt3A_243 = arith.constant 4000 : i32
        %lt3A_244 = arith.cmpi slt, %add3A_242, %lt3A_243 : i32
        %convert_element_type3A_245 = arith.extui %lt3A_244 : i1 to i32
        %cond3A_246 = arith.constant 0 : i32
        %cond3A_247 = arith.cmpi ne, %convert_element_type3A_245, %cond3A_246 : i32
        scf.if %cond3A_247 {
          %mul3A_258 = arith.constant 16 : i32
          %mul3A_259 = arith.muli %add3A_239, %mul3A_258 : i32
          %add3A_260 = arith.addi %arg1, %mul3A_259 : i32
          %mul3A_261 = arith.constant 80 : i32
          %mul3A_262 = arith.muli %add3A_260, %mul3A_261 : i32
          %multiple_of3A_263 = tpu.assume_multiple %mul3A_262, 80 : i32
          %dma_wait3A = tpu.memref_slice %arg3[%multiple_of3A_263] : memref<320000xi32, #tpu.memory_space<hbm>> -> memref<80xi32, #tpu.memory_space<hbm>>
          %dma_wait3A_264 = tpu.memref_slice %arg3[%multiple_of3A_263] : memref<320000xi32, #tpu.memory_space<hbm>> -> memref<80xi32, #tpu.memory_space<hbm>>
          tpu.wait_dma2 semaphore(%arg18 : memref<!tpu.dma_semaphore, #tpu.memory_space<semaphore_mem>>) src(%dma_wait3A_264 : memref<80xi32, #tpu.memory_space<hbm>>) dst(%arg15 : memref<80xi32, #tpu.memory_space<vmem>>)
          %dma_start3A = arith.constant 0 : i32
          %dma_start3A_265 = arith.constant 0 : i32
          %dma_start3A_266 = tpu.memref_slice %arg9[%dma_start3A, %dma_start3A_265] : memref<10240x128xf32, #tpu.memory_space<vmem_shared>> -> memref<10240x128xf32, #tpu.memory_space<vmem_shared>>
          tpu.enqueue_indirect_dma source(%arg10 : memref<80x128xf32, #tpu.memory_space<vmem>>) target(%dma_start3A_266 : memref<10240x128xf32, #tpu.memory_space<vmem_shared>>) offsets(%arg15 : memref<80xi32, #tpu.memory_space<vmem>>) semaphore(%arg24 : memref<!tpu.dma_semaphore, #tpu.memory_space<semaphore_mem>>) {add = true}
        } else {
        }
        %add3A_248 = arith.constant 2 : i32
        %add3A_249 = arith.addi %add3A_239, %add3A_248 : i32
        %mul3A_250 = arith.constant 16 : i32
        %mul3A_251 = arith.muli %add3A_249, %mul3A_250 : i32
        %add3A_252 = arith.addi %arg1, %mul3A_251 : i32
        %lt3A_253 = arith.constant 4000 : i32
        %lt3A_254 = arith.cmpi slt, %add3A_252, %lt3A_253 : i32
        %convert_element_type3A_255 = arith.extui %lt3A_254 : i1 to i32
        %cond3A_256 = arith.constant 0 : i32
        %cond3A_257 = arith.cmpi ne, %convert_element_type3A_255, %cond3A_256 : i32
        scf.if %cond3A_257 {
          %ge3A_258 = arith.constant 1 : i32
          %ge3A_259 = arith.cmpi sge, %add3A_239, %ge3A_258 : i32
          %sub3A = arith.constant 1 : i32
          %sub3A_260 = arith.subi %add3A_239, %sub3A : i32
          %mul3A_261 = arith.constant 16 : i32
          %mul3A_262 = arith.muli %sub3A_260, %mul3A_261 : i32
          %add3A_263 = arith.addi %arg1, %mul3A_262 : i32
          %lt3A_264 = arith.constant 4000 : i32
          %lt3A_265 = arith.cmpi slt, %add3A_263, %lt3A_264 : i32
          %and3A_266 = arith.andi %ge3A_259, %lt3A_265 : i1
          %convert_element_type3A_267 = arith.extui %and3A_266 : i1 to i32
          %cond3A_268 = arith.constant 0 : i32
          %cond3A_269 = arith.cmpi ne, %convert_element_type3A_267, %cond3A_268 : i32
          scf.if %cond3A_269 {
            %dma_wait3A = arith.constant 0 : i32
            %dma_wait3A_279 = arith.constant 0 : i32
            %dma_wait3A_280 = tpu.memref_slice %arg9[%dma_wait3A, %dma_wait3A_279] : memref<10240x128xf32, #tpu.memory_space<vmem_shared>> -> memref<10240x128xf32, #tpu.memory_space<vmem_shared>>
            tpu.wait_indirect_dma semaphore(%arg23 : memref<!tpu.dma_semaphore, #tpu.memory_space<semaphore_mem>>) src(%arg10 : memref<80x128xf32, #tpu.memory_space<vmem>>) dst(%dma_wait3A_280 : memref<10240x128xf32, #tpu.memory_space<vmem_shared>>)
          } else {
          }
          %add3A_270 = arith.constant 2 : i32
          %add3A_271 = arith.addi %add3A_239, %add3A_270 : i32
          %mul3A_272 = arith.constant 16 : i32
          %mul3A_273 = arith.muli %add3A_271, %mul3A_272 : i32
          %add3A_274 = arith.addi %arg1, %mul3A_273 : i32
          %mul3A_275 = arith.constant 80 : i32
          %mul3A_276 = arith.muli %add3A_274, %mul3A_275 : i32
          %multiple_of3A_277 = tpu.assume_multiple %mul3A_276, 80 : i32
          %dma_start3A = tpu.memref_slice %arg3[%multiple_of3A_277] : memref<320000xi32, #tpu.memory_space<hbm>> -> memref<80xi32, #tpu.memory_space<hbm>>
          %dma_start3A_278 = tpu.memref_slice %arg3[%multiple_of3A_277] : memref<320000xi32, #tpu.memory_space<hbm>> -> memref<80xi32, #tpu.memory_space<hbm>>
          tpu.enqueue_dma source(%dma_start3A_278 : memref<80xi32, #tpu.memory_space<hbm>>) target(%arg14 : memref<80xi32, #tpu.memory_space<vmem>>) target_semaphore(%arg17 : memref<!tpu.dma_semaphore, #tpu.memory_space<semaphore_mem>>)
        } else {
        }
      }
      %scan3A_148 = arith.constant 84 : i32
      %add3A_149 = arith.constant 3936 : i32
      %add3A_150 = arith.addi %arg1, %add3A_149 : i32
      %lt3A_151 = arith.constant 4000 : i32
      %lt3A_152 = arith.cmpi slt, %add3A_150, %lt3A_151 : i32
      %add3A_153 = arith.constant 3984 : i32
      %add3A_154 = arith.addi %arg1, %add3A_153 : i32
      %ge3A = arith.constant 4000 : i32
      %ge3A_155 = arith.cmpi sge, %add3A_154, %ge3A : i32
      %and3A = arith.andi %lt3A_152, %ge3A_155 : i1
      %convert_element_type3A_156 = arith.extui %and3A : i1 to i32
      %cond3A_157 = arith.constant 0 : i32
      %cond3A_158 = arith.cmpi ne, %convert_element_type3A_156, %cond3A_157 : i32
      scf.if %cond3A_158 {
        %dma_wait3A = arith.constant 0 : i32
        %dma_wait3A_195 = arith.constant 0 : i32
        %dma_wait3A_196 = tpu.memref_slice %arg9[%dma_wait3A, %dma_wait3A_195] : memref<10240x128xf32, #tpu.memory_space<vmem_shared>> -> memref<10240x128xf32, #tpu.memory_space<vmem_shared>>
        tpu.wait_indirect_dma semaphore(%arg22 : memref<!tpu.dma_semaphore, #tpu.memory_space<semaphore_mem>>) src(%arg10 : memref<80x128xf32, #tpu.memory_space<vmem>>) dst(%dma_wait3A_196 : memref<10240x128xf32, #tpu.memory_space<vmem_shared>>)
      } else {
      }
      %add3A_159 = arith.constant 3952 : i32
      %add3A_160 = arith.addi %arg1, %add3A_159 : i32
      %lt3A_161 = arith.constant 4000 : i32
      %lt3A_162 = arith.cmpi slt, %add3A_160, %lt3A_161 : i32
      %add3A_163 = arith.constant 4000 : i32
      %add3A_164 = arith.addi %arg1, %add3A_163 : i32
      %ge3A_165 = arith.constant 4000 : i32
      %ge3A_166 = arith.cmpi sge, %add3A_164, %ge3A_165 : i32
      %and3A_167 = arith.andi %lt3A_162, %ge3A_166 : i1
      %convert_element_type3A_168 = arith.extui %and3A_167 : i1 to i32
      %cond3A_169 = arith.constant 0 : i32
      %cond3A_170 = arith.cmpi ne, %convert_element_type3A_168, %cond3A_169 : i32
      scf.if %cond3A_170 {
        %dma_wait3A = arith.constant 0 : i32
        %dma_wait3A_195 = arith.constant 0 : i32
        %dma_wait3A_196 = tpu.memref_slice %arg9[%dma_wait3A, %dma_wait3A_195] : memref<10240x128xf32, #tpu.memory_space<vmem_shared>> -> memref<10240x128xf32, #tpu.memory_space<vmem_shared>>
        tpu.wait_indirect_dma semaphore(%arg23 : memref<!tpu.dma_semaphore, #tpu.memory_space<semaphore_mem>>) src(%arg10 : memref<80x128xf32, #tpu.memory_space<vmem>>) dst(%dma_wait3A_196 : memref<10240x128xf32, #tpu.memory_space<vmem_shared>>)
      } else {
      }
      %add3A_171 = arith.constant 3968 : i32
      %add3A_172 = arith.addi %arg1, %add3A_171 : i32
      %lt3A_173 = arith.constant 4000 : i32
      %lt3A_174 = arith.cmpi slt, %add3A_172, %lt3A_173 : i32
      %add3A_175 = arith.constant 4016 : i32
      %add3A_176 = arith.addi %arg1, %add3A_175 : i32
      %ge3A_177 = arith.constant 4000 : i32
      %ge3A_178 = arith.cmpi sge, %add3A_176, %ge3A_177 : i32
      %and3A_179 = arith.andi %lt3A_174, %ge3A_178 : i1
      %convert_element_type3A_180 = arith.extui %and3A_179 : i1 to i32
      %cond3A_181 = arith.constant 0 : i32
      %cond3A_182 = arith.cmpi ne, %convert_element_type3A_180, %cond3A_181 : i32
      scf.if %cond3A_182 {
        %dma_wait3A = arith.constant 0 : i32
        %dma_wait3A_195 = arith.constant 0 : i32
        %dma_wait3A_196 = tpu.memref_slice %arg9[%dma_wait3A, %dma_wait3A_195] : memref<10240x128xf32, #tpu.memory_space<vmem_shared>> -> memref<10240x128xf32, #tpu.memory_space<vmem_shared>>
        tpu.wait_indirect_dma semaphore(%arg24 : memref<!tpu.dma_semaphore, #tpu.memory_space<semaphore_mem>>) src(%arg10 : memref<80x128xf32, #tpu.memory_space<vmem>>) dst(%dma_wait3A_196 : memref<10240x128xf32, #tpu.memory_space<vmem_shared>>)
      } else {
      }
      %add3A_183 = arith.constant 3984 : i32
      %add3A_184 = arith.addi %arg1, %add3A_183 : i32
      %lt3A_185 = arith.constant 4000 : i32
      %lt3A_186 = arith.cmpi slt, %add3A_184, %lt3A_185 : i32
      %add3A_187 = arith.constant 4032 : i32
      %add3A_188 = arith.addi %arg1, %add3A_187 : i32
      %ge3A_189 = arith.constant 4000 : i32
      %ge3A_190 = arith.cmpi sge, %add3A_188, %ge3A_189 : i32
      %and3A_191 = arith.andi %lt3A_186, %ge3A_190 : i1
      %convert_element_type3A_192 = arith.extui %and3A_191 : i1 to i32
      %cond3A_193 = arith.constant 0 : i32
      %cond3A_194 = arith.cmpi ne, %convert_element_type3A_192, %cond3A_193 : i32
      scf.if %cond3A_194 {
        %dma_wait3A = arith.constant 0 : i32
        %dma_wait3A_195 = arith.constant 0 : i32
        %dma_wait3A_196 = tpu.memref_slice %arg9[%dma_wait3A, %dma_wait3A_195] : memref<10240x128xf32, #tpu.memory_space<vmem_shared>> -> memref<10240x128xf32, #tpu.memory_space<vmem_shared>>
        tpu.wait_indirect_dma semaphore(%arg22 : memref<!tpu.dma_semaphore, #tpu.memory_space<semaphore_mem>>) src(%arg10 : memref<80x128xf32, #tpu.memory_space<vmem>>) dst(%dma_wait3A_196 : memref<10240x128xf32, #tpu.memory_space<vmem_shared>>)
      } else {
      }
    } else {
    }
    %eq3A_115 = arith.constant 1 : i32
    %eq3A_116 = arith.cmpi eq, %arg0, %eq3A_115 : i32
    %convert_element_type3A_117 = arith.extui %eq3A_116 : i1 to i32
    %cond3A_118 = arith.constant 0 : i32
    %cond3A_119 = arith.cmpi ne, %convert_element_type3A_117, %cond3A_118 : i32
    scf.if %cond3A_119 {
      %add3A_131 = arith.constant 0 : i32
      %add3A_132 = arith.addi %arg1, %add3A_131 : i32
      %lt3A = arith.constant 4000 : i32
      %lt3A_133 = arith.cmpi slt, %add3A_132, %lt3A : i32
      %convert_element_type3A_134 = arith.extui %lt3A_133 : i1 to i32
      %cond3A_135 = arith.constant 0 : i32
      %cond3A_136 = arith.cmpi ne, %convert_element_type3A_134, %cond3A_135 : i32
      scf.if %cond3A_136 {
        %add3A_195 = arith.constant 0 : i32
        %add3A_196 = arith.addi %arg1, %add3A_195 : i32
        %mul3A_197 = arith.constant 80 : i32
        %mul3A_198 = arith.muli %add3A_196, %mul3A_197 : i32
        %multiple_of3A_199 = tpu.assume_multiple %mul3A_198, 80 : i32
        %dma_start3A = tpu.memref_slice %arg4[%multiple_of3A_199] : memref<320000xi32, #tpu.memory_space<hbm>> -> memref<80xi32, #tpu.memory_space<hbm>>
        %dma_start3A_200 = tpu.memref_slice %arg4[%multiple_of3A_199] : memref<320000xi32, #tpu.memory_space<hbm>> -> memref<80xi32, #tpu.memory_space<hbm>>
        tpu.enqueue_dma source(%dma_start3A_200 : memref<80xi32, #tpu.memory_space<hbm>>) target(%arg13 : memref<80xi32, #tpu.memory_space<vmem>>) target_semaphore(%arg16 : memref<!tpu.dma_semaphore, #tpu.memory_space<semaphore_mem>>)
      } else {
      }
      %add3A_137 = arith.constant 16 : i32
      %add3A_138 = arith.addi %arg1, %add3A_137 : i32
      %lt3A_139 = arith.constant 4000 : i32
      %lt3A_140 = arith.cmpi slt, %add3A_138, %lt3A_139 : i32
      %convert_element_type3A_141 = arith.extui %lt3A_140 : i1 to i32
      %cond3A_142 = arith.constant 0 : i32
      %cond3A_143 = arith.cmpi ne, %convert_element_type3A_141, %cond3A_142 : i32
      scf.if %cond3A_143 {
        %add3A_195 = arith.constant 16 : i32
        %add3A_196 = arith.addi %arg1, %add3A_195 : i32
        %mul3A_197 = arith.constant 80 : i32
        %mul3A_198 = arith.muli %add3A_196, %mul3A_197 : i32
        %multiple_of3A_199 = tpu.assume_multiple %mul3A_198, 80 : i32
        %dma_start3A = tpu.memref_slice %arg4[%multiple_of3A_199] : memref<320000xi32, #tpu.memory_space<hbm>> -> memref<80xi32, #tpu.memory_space<hbm>>
        %dma_start3A_200 = tpu.memref_slice %arg4[%multiple_of3A_199] : memref<320000xi32, #tpu.memory_space<hbm>> -> memref<80xi32, #tpu.memory_space<hbm>>
        tpu.enqueue_dma source(%dma_start3A_200 : memref<80xi32, #tpu.memory_space<hbm>>) target(%arg14 : memref<80xi32, #tpu.memory_space<vmem>>) target_semaphore(%arg17 : memref<!tpu.dma_semaphore, #tpu.memory_space<semaphore_mem>>)
      } else {
      }
      %scan3A_144 = arith.constant 0 : i32
      %scan3A_145 = arith.constant 84 : i32
      %scan3A_146 = arith.addi %scan3A_144, %scan3A_145 : i32
      %scan3A_147 = arith.constant 1 : i32
      scf.for %scan3A_195 = %scan3A_144 to %scan3A_146 step %scan3A_147  : i32 {
        %mul3A_196 = arith.constant 3 : i32
        %mul3A_197 = arith.muli %scan3A_195, %mul3A_196 : i32
        %add3A_198 = arith.constant 0 : i32
        %add3A_199 = arith.addi %mul3A_197, %add3A_198 : i32
        %mul3A_200 = arith.constant 16 : i32
        %mul3A_201 = arith.muli %add3A_199, %mul3A_200 : i32
        %add3A_202 = arith.addi %arg1, %mul3A_201 : i32
        %lt3A_203 = arith.constant 4000 : i32
        %lt3A_204 = arith.cmpi slt, %add3A_202, %lt3A_203 : i32
        %convert_element_type3A_205 = arith.extui %lt3A_204 : i1 to i32
        %cond3A_206 = arith.constant 0 : i32
        %cond3A_207 = arith.cmpi ne, %convert_element_type3A_205, %cond3A_206 : i32
        scf.if %cond3A_207 {
          %mul3A_258 = arith.constant 16 : i32
          %mul3A_259 = arith.muli %add3A_199, %mul3A_258 : i32
          %add3A_260 = arith.addi %arg1, %mul3A_259 : i32
          %mul3A_261 = arith.constant 80 : i32
          %mul3A_262 = arith.muli %add3A_260, %mul3A_261 : i32
          %multiple_of3A_263 = tpu.assume_multiple %mul3A_262, 80 : i32
          %dma_wait3A = tpu.memref_slice %arg4[%multiple_of3A_263] : memref<320000xi32, #tpu.memory_space<hbm>> -> memref<80xi32, #tpu.memory_space<hbm>>
          %dma_wait3A_264 = tpu.memref_slice %arg4[%multiple_of3A_263] : memref<320000xi32, #tpu.memory_space<hbm>> -> memref<80xi32, #tpu.memory_space<hbm>>
          tpu.wait_dma2 semaphore(%arg16 : memref<!tpu.dma_semaphore, #tpu.memory_space<semaphore_mem>>) src(%dma_wait3A_264 : memref<80xi32, #tpu.memory_space<hbm>>) dst(%arg13 : memref<80xi32, #tpu.memory_space<vmem>>)
          %dma_start3A = arith.constant 0 : i32
          %dma_start3A_265 = arith.constant 0 : i32
          %dma_start3A_266 = tpu.memref_slice %arg9[%dma_start3A, %dma_start3A_265] : memref<10240x128xf32, #tpu.memory_space<vmem_shared>> -> memref<10240x128xf32, #tpu.memory_space<vmem_shared>>
          tpu.enqueue_indirect_dma source(%arg10 : memref<80x128xf32, #tpu.memory_space<vmem>>) target(%dma_start3A_266 : memref<10240x128xf32, #tpu.memory_space<vmem_shared>>) offsets(%arg13 : memref<80xi32, #tpu.memory_space<vmem>>) semaphore(%arg22 : memref<!tpu.dma_semaphore, #tpu.memory_space<semaphore_mem>>) {add = true}
        } else {
        }
        %add3A_208 = arith.constant 2 : i32
        %add3A_209 = arith.addi %add3A_199, %add3A_208 : i32
        %mul3A_210 = arith.constant 16 : i32
        %mul3A_211 = arith.muli %add3A_209, %mul3A_210 : i32
        %add3A_212 = arith.addi %arg1, %mul3A_211 : i32
        %lt3A_213 = arith.constant 4000 : i32
        %lt3A_214 = arith.cmpi slt, %add3A_212, %lt3A_213 : i32
        %convert_element_type3A_215 = arith.extui %lt3A_214 : i1 to i32
        %cond3A_216 = arith.constant 0 : i32
        %cond3A_217 = arith.cmpi ne, %convert_element_type3A_215, %cond3A_216 : i32
        scf.if %cond3A_217 {
          %ge3A_258 = arith.constant 1 : i32
          %ge3A_259 = arith.cmpi sge, %add3A_199, %ge3A_258 : i32
          %sub3A = arith.constant 1 : i32
          %sub3A_260 = arith.subi %add3A_199, %sub3A : i32
          %mul3A_261 = arith.constant 16 : i32
          %mul3A_262 = arith.muli %sub3A_260, %mul3A_261 : i32
          %add3A_263 = arith.addi %arg1, %mul3A_262 : i32
          %lt3A_264 = arith.constant 4000 : i32
          %lt3A_265 = arith.cmpi slt, %add3A_263, %lt3A_264 : i32
          %and3A_266 = arith.andi %ge3A_259, %lt3A_265 : i1
          %convert_element_type3A_267 = arith.extui %and3A_266 : i1 to i32
          %cond3A_268 = arith.constant 0 : i32
          %cond3A_269 = arith.cmpi ne, %convert_element_type3A_267, %cond3A_268 : i32
          scf.if %cond3A_269 {
            %dma_wait3A = arith.constant 0 : i32
            %dma_wait3A_279 = arith.constant 0 : i32
            %dma_wait3A_280 = tpu.memref_slice %arg9[%dma_wait3A, %dma_wait3A_279] : memref<10240x128xf32, #tpu.memory_space<vmem_shared>> -> memref<10240x128xf32, #tpu.memory_space<vmem_shared>>
            tpu.wait_indirect_dma semaphore(%arg24 : memref<!tpu.dma_semaphore, #tpu.memory_space<semaphore_mem>>) src(%arg10 : memref<80x128xf32, #tpu.memory_space<vmem>>) dst(%dma_wait3A_280 : memref<10240x128xf32, #tpu.memory_space<vmem_shared>>)
          } else {
          }
          %add3A_270 = arith.constant 2 : i32
          %add3A_271 = arith.addi %add3A_199, %add3A_270 : i32
          %mul3A_272 = arith.constant 16 : i32
          %mul3A_273 = arith.muli %add3A_271, %mul3A_272 : i32
          %add3A_274 = arith.addi %arg1, %mul3A_273 : i32
          %mul3A_275 = arith.constant 80 : i32
          %mul3A_276 = arith.muli %add3A_274, %mul3A_275 : i32
          %multiple_of3A_277 = tpu.assume_multiple %mul3A_276, 80 : i32
          %dma_start3A = tpu.memref_slice %arg4[%multiple_of3A_277] : memref<320000xi32, #tpu.memory_space<hbm>> -> memref<80xi32, #tpu.memory_space<hbm>>
          %dma_start3A_278 = tpu.memref_slice %arg4[%multiple_of3A_277] : memref<320000xi32, #tpu.memory_space<hbm>> -> memref<80xi32, #tpu.memory_space<hbm>>
          tpu.enqueue_dma source(%dma_start3A_278 : memref<80xi32, #tpu.memory_space<hbm>>) target(%arg15 : memref<80xi32, #tpu.memory_space<vmem>>) target_semaphore(%arg18 : memref<!tpu.dma_semaphore, #tpu.memory_space<semaphore_mem>>)
        } else {
        }
        %add3A_218 = arith.constant 1 : i32
        %add3A_219 = arith.addi %mul3A_197, %add3A_218 : i32
        %mul3A_220 = arith.constant 16 : i32
        %mul3A_221 = arith.muli %add3A_219, %mul3A_220 : i32
        %add3A_222 = arith.addi %arg1, %mul3A_221 : i32
        %lt3A_223 = arith.constant 4000 : i32
        %lt3A_224 = arith.cmpi slt, %add3A_222, %lt3A_223 : i32
        %convert_element_type3A_225 = arith.extui %lt3A_224 : i1 to i32
        %cond3A_226 = arith.constant 0 : i32
        %cond3A_227 = arith.cmpi ne, %convert_element_type3A_225, %cond3A_226 : i32
        scf.if %cond3A_227 {
          %mul3A_258 = arith.constant 16 : i32
          %mul3A_259 = arith.muli %add3A_219, %mul3A_258 : i32
          %add3A_260 = arith.addi %arg1, %mul3A_259 : i32
          %mul3A_261 = arith.constant 80 : i32
          %mul3A_262 = arith.muli %add3A_260, %mul3A_261 : i32
          %multiple_of3A_263 = tpu.assume_multiple %mul3A_262, 80 : i32
          %dma_wait3A = tpu.memref_slice %arg4[%multiple_of3A_263] : memref<320000xi32, #tpu.memory_space<hbm>> -> memref<80xi32, #tpu.memory_space<hbm>>
          %dma_wait3A_264 = tpu.memref_slice %arg4[%multiple_of3A_263] : memref<320000xi32, #tpu.memory_space<hbm>> -> memref<80xi32, #tpu.memory_space<hbm>>
          tpu.wait_dma2 semaphore(%arg17 : memref<!tpu.dma_semaphore, #tpu.memory_space<semaphore_mem>>) src(%dma_wait3A_264 : memref<80xi32, #tpu.memory_space<hbm>>) dst(%arg14 : memref<80xi32, #tpu.memory_space<vmem>>)
          %dma_start3A = arith.constant 0 : i32
          %dma_start3A_265 = arith.constant 0 : i32
          %dma_start3A_266 = tpu.memref_slice %arg9[%dma_start3A, %dma_start3A_265] : memref<10240x128xf32, #tpu.memory_space<vmem_shared>> -> memref<10240x128xf32, #tpu.memory_space<vmem_shared>>
          tpu.enqueue_indirect_dma source(%arg10 : memref<80x128xf32, #tpu.memory_space<vmem>>) target(%dma_start3A_266 : memref<10240x128xf32, #tpu.memory_space<vmem_shared>>) offsets(%arg14 : memref<80xi32, #tpu.memory_space<vmem>>) semaphore(%arg23 : memref<!tpu.dma_semaphore, #tpu.memory_space<semaphore_mem>>) {add = true}
        } else {
        }
        %add3A_228 = arith.constant 2 : i32
        %add3A_229 = arith.addi %add3A_219, %add3A_228 : i32
        %mul3A_230 = arith.constant 16 : i32
        %mul3A_231 = arith.muli %add3A_229, %mul3A_230 : i32
        %add3A_232 = arith.addi %arg1, %mul3A_231 : i32
        %lt3A_233 = arith.constant 4000 : i32
        %lt3A_234 = arith.cmpi slt, %add3A_232, %lt3A_233 : i32
        %convert_element_type3A_235 = arith.extui %lt3A_234 : i1 to i32
        %cond3A_236 = arith.constant 0 : i32
        %cond3A_237 = arith.cmpi ne, %convert_element_type3A_235, %cond3A_236 : i32
        scf.if %cond3A_237 {
          %ge3A_258 = arith.constant 1 : i32
          %ge3A_259 = arith.cmpi sge, %add3A_219, %ge3A_258 : i32
          %sub3A = arith.constant 1 : i32
          %sub3A_260 = arith.subi %add3A_219, %sub3A : i32
          %mul3A_261 = arith.constant 16 : i32
          %mul3A_262 = arith.muli %sub3A_260, %mul3A_261 : i32
          %add3A_263 = arith.addi %arg1, %mul3A_262 : i32
          %lt3A_264 = arith.constant 4000 : i32
          %lt3A_265 = arith.cmpi slt, %add3A_263, %lt3A_264 : i32
          %and3A_266 = arith.andi %ge3A_259, %lt3A_265 : i1
          %convert_element_type3A_267 = arith.extui %and3A_266 : i1 to i32
          %cond3A_268 = arith.constant 0 : i32
          %cond3A_269 = arith.cmpi ne, %convert_element_type3A_267, %cond3A_268 : i32
          scf.if %cond3A_269 {
            %dma_wait3A = arith.constant 0 : i32
            %dma_wait3A_279 = arith.constant 0 : i32
            %dma_wait3A_280 = tpu.memref_slice %arg9[%dma_wait3A, %dma_wait3A_279] : memref<10240x128xf32, #tpu.memory_space<vmem_shared>> -> memref<10240x128xf32, #tpu.memory_space<vmem_shared>>
            tpu.wait_indirect_dma semaphore(%arg22 : memref<!tpu.dma_semaphore, #tpu.memory_space<semaphore_mem>>) src(%arg10 : memref<80x128xf32, #tpu.memory_space<vmem>>) dst(%dma_wait3A_280 : memref<10240x128xf32, #tpu.memory_space<vmem_shared>>)
          } else {
          }
          %add3A_270 = arith.constant 2 : i32
          %add3A_271 = arith.addi %add3A_219, %add3A_270 : i32
          %mul3A_272 = arith.constant 16 : i32
          %mul3A_273 = arith.muli %add3A_271, %mul3A_272 : i32
          %add3A_274 = arith.addi %arg1, %mul3A_273 : i32
          %mul3A_275 = arith.constant 80 : i32
          %mul3A_276 = arith.muli %add3A_274, %mul3A_275 : i32
          %multiple_of3A_277 = tpu.assume_multiple %mul3A_276, 80 : i32
          %dma_start3A = tpu.memref_slice %arg4[%multiple_of3A_277] : memref<320000xi32, #tpu.memory_space<hbm>> -> memref<80xi32, #tpu.memory_space<hbm>>
          %dma_start3A_278 = tpu.memref_slice %arg4[%multiple_of3A_277] : memref<320000xi32, #tpu.memory_space<hbm>> -> memref<80xi32, #tpu.memory_space<hbm>>
          tpu.enqueue_dma source(%dma_start3A_278 : memref<80xi32, #tpu.memory_space<hbm>>) target(%arg13 : memref<80xi32, #tpu.memory_space<vmem>>) target_semaphore(%arg16 : memref<!tpu.dma_semaphore, #tpu.memory_space<semaphore_mem>>)
        } else {
        }
        %add3A_238 = arith.constant 2 : i32
        %add3A_239 = arith.addi %mul3A_197, %add3A_238 : i32
        %mul3A_240 = arith.constant 16 : i32
        %mul3A_241 = arith.muli %add3A_239, %mul3A_240 : i32
        %add3A_242 = arith.addi %arg1, %mul3A_241 : i32
        %lt3A_243 = arith.constant 4000 : i32
        %lt3A_244 = arith.cmpi slt, %add3A_242, %lt3A_243 : i32
        %convert_element_type3A_245 = arith.extui %lt3A_244 : i1 to i32
        %cond3A_246 = arith.constant 0 : i32
        %cond3A_247 = arith.cmpi ne, %convert_element_type3A_245, %cond3A_246 : i32
        scf.if %cond3A_247 {
          %mul3A_258 = arith.constant 16 : i32
          %mul3A_259 = arith.muli %add3A_239, %mul3A_258 : i32
          %add3A_260 = arith.addi %arg1, %mul3A_259 : i32
          %mul3A_261 = arith.constant 80 : i32
          %mul3A_262 = arith.muli %add3A_260, %mul3A_261 : i32
          %multiple_of3A_263 = tpu.assume_multiple %mul3A_262, 80 : i32
          %dma_wait3A = tpu.memref_slice %arg4[%multiple_of3A_263] : memref<320000xi32, #tpu.memory_space<hbm>> -> memref<80xi32, #tpu.memory_space<hbm>>
          %dma_wait3A_264 = tpu.memref_slice %arg4[%multiple_of3A_263] : memref<320000xi32, #tpu.memory_space<hbm>> -> memref<80xi32, #tpu.memory_space<hbm>>
          tpu.wait_dma2 semaphore(%arg18 : memref<!tpu.dma_semaphore, #tpu.memory_space<semaphore_mem>>) src(%dma_wait3A_264 : memref<80xi32, #tpu.memory_space<hbm>>) dst(%arg15 : memref<80xi32, #tpu.memory_space<vmem>>)
          %dma_start3A = arith.constant 0 : i32
          %dma_start3A_265 = arith.constant 0 : i32
          %dma_start3A_266 = tpu.memref_slice %arg9[%dma_start3A, %dma_start3A_265] : memref<10240x128xf32, #tpu.memory_space<vmem_shared>> -> memref<10240x128xf32, #tpu.memory_space<vmem_shared>>
          tpu.enqueue_indirect_dma source(%arg10 : memref<80x128xf32, #tpu.memory_space<vmem>>) target(%dma_start3A_266 : memref<10240x128xf32, #tpu.memory_space<vmem_shared>>) offsets(%arg15 : memref<80xi32, #tpu.memory_space<vmem>>) semaphore(%arg24 : memref<!tpu.dma_semaphore, #tpu.memory_space<semaphore_mem>>) {add = true}
        } else {
        }
        %add3A_248 = arith.constant 2 : i32
        %add3A_249 = arith.addi %add3A_239, %add3A_248 : i32
        %mul3A_250 = arith.constant 16 : i32
        %mul3A_251 = arith.muli %add3A_249, %mul3A_250 : i32
        %add3A_252 = arith.addi %arg1, %mul3A_251 : i32
        %lt3A_253 = arith.constant 4000 : i32
        %lt3A_254 = arith.cmpi slt, %add3A_252, %lt3A_253 : i32
        %convert_element_type3A_255 = arith.extui %lt3A_254 : i1 to i32
        %cond3A_256 = arith.constant 0 : i32
        %cond3A_257 = arith.cmpi ne, %convert_element_type3A_255, %cond3A_256 : i32
        scf.if %cond3A_257 {
          %ge3A_258 = arith.constant 1 : i32
          %ge3A_259 = arith.cmpi sge, %add3A_239, %ge3A_258 : i32
          %sub3A = arith.constant 1 : i32
          %sub3A_260 = arith.subi %add3A_239, %sub3A : i32
          %mul3A_261 = arith.constant 16 : i32
          %mul3A_262 = arith.muli %sub3A_260, %mul3A_261 : i32
          %add3A_263 = arith.addi %arg1, %mul3A_262 : i32
          %lt3A_264 = arith.constant 4000 : i32
          %lt3A_265 = arith.cmpi slt, %add3A_263, %lt3A_264 : i32
          %and3A_266 = arith.andi %ge3A_259, %lt3A_265 : i1
          %convert_element_type3A_267 = arith.extui %and3A_266 : i1 to i32
          %cond3A_268 = arith.constant 0 : i32
          %cond3A_269 = arith.cmpi ne, %convert_element_type3A_267, %cond3A_268 : i32
          scf.if %cond3A_269 {
            %dma_wait3A = arith.constant 0 : i32
            %dma_wait3A_279 = arith.constant 0 : i32
            %dma_wait3A_280 = tpu.memref_slice %arg9[%dma_wait3A, %dma_wait3A_279] : memref<10240x128xf32, #tpu.memory_space<vmem_shared>> -> memref<10240x128xf32, #tpu.memory_space<vmem_shared>>
            tpu.wait_indirect_dma semaphore(%arg23 : memref<!tpu.dma_semaphore, #tpu.memory_space<semaphore_mem>>) src(%arg10 : memref<80x128xf32, #tpu.memory_space<vmem>>) dst(%dma_wait3A_280 : memref<10240x128xf32, #tpu.memory_space<vmem_shared>>)
          } else {
          }
          %add3A_270 = arith.constant 2 : i32
          %add3A_271 = arith.addi %add3A_239, %add3A_270 : i32
          %mul3A_272 = arith.constant 16 : i32
          %mul3A_273 = arith.muli %add3A_271, %mul3A_272 : i32
          %add3A_274 = arith.addi %arg1, %mul3A_273 : i32
          %mul3A_275 = arith.constant 80 : i32
          %mul3A_276 = arith.muli %add3A_274, %mul3A_275 : i32
          %multiple_of3A_277 = tpu.assume_multiple %mul3A_276, 80 : i32
          %dma_start3A = tpu.memref_slice %arg4[%multiple_of3A_277] : memref<320000xi32, #tpu.memory_space<hbm>> -> memref<80xi32, #tpu.memory_space<hbm>>
          %dma_start3A_278 = tpu.memref_slice %arg4[%multiple_of3A_277] : memref<320000xi32, #tpu.memory_space<hbm>> -> memref<80xi32, #tpu.memory_space<hbm>>
          tpu.enqueue_dma source(%dma_start3A_278 : memref<80xi32, #tpu.memory_space<hbm>>) target(%arg14 : memref<80xi32, #tpu.memory_space<vmem>>) target_semaphore(%arg17 : memref<!tpu.dma_semaphore, #tpu.memory_space<semaphore_mem>>)
        } else {
        }
      }
      %scan3A_148 = arith.constant 84 : i32
      %add3A_149 = arith.constant 3936 : i32
      %add3A_150 = arith.addi %arg1, %add3A_149 : i32
      %lt3A_151 = arith.constant 4000 : i32
      %lt3A_152 = arith.cmpi slt, %add3A_150, %lt3A_151 : i32
      %add3A_153 = arith.constant 3984 : i32
      %add3A_154 = arith.addi %arg1, %add3A_153 : i32
      %ge3A = arith.constant 4000 : i32
      %ge3A_155 = arith.cmpi sge, %add3A_154, %ge3A : i32
      %and3A = arith.andi %lt3A_152, %ge3A_155 : i1
      %convert_element_type3A_156 = arith.extui %and3A : i1 to i32
      %cond3A_157 = arith.constant 0 : i32
      %cond3A_158 = arith.cmpi ne, %convert_element_type3A_156, %cond3A_157 : i32
      scf.if %cond3A_158 {
        %dma_wait3A = arith.constant 0 : i32
        %dma_wait3A_195 = arith.constant 0 : i32
        %dma_wait3A_196 = tpu.memref_slice %arg9[%dma_wait3A, %dma_wait3A_195] : memref<10240x128xf32, #tpu.memory_space<vmem_shared>> -> memref<10240x128xf32, #tpu.memory_space<vmem_shared>>
        tpu.wait_indirect_dma semaphore(%arg22 : memref<!tpu.dma_semaphore, #tpu.memory_space<semaphore_mem>>) src(%arg10 : memref<80x128xf32, #tpu.memory_space<vmem>>) dst(%dma_wait3A_196 : memref<10240x128xf32, #tpu.memory_space<vmem_shared>>)
      } else {
      }
      %add3A_159 = arith.constant 3952 : i32
      %add3A_160 = arith.addi %arg1, %add3A_159 : i32
      %lt3A_161 = arith.constant 4000 : i32
      %lt3A_162 = arith.cmpi slt, %add3A_160, %lt3A_161 : i32
      %add3A_163 = arith.constant 4000 : i32
      %add3A_164 = arith.addi %arg1, %add3A_163 : i32
      %ge3A_165 = arith.constant 4000 : i32
      %ge3A_166 = arith.cmpi sge, %add3A_164, %ge3A_165 : i32
      %and3A_167 = arith.andi %lt3A_162, %ge3A_166 : i1
      %convert_element_type3A_168 = arith.extui %and3A_167 : i1 to i32
      %cond3A_169 = arith.constant 0 : i32
      %cond3A_170 = arith.cmpi ne, %convert_element_type3A_168, %cond3A_169 : i32
      scf.if %cond3A_170 {
        %dma_wait3A = arith.constant 0 : i32
        %dma_wait3A_195 = arith.constant 0 : i32
        %dma_wait3A_196 = tpu.memref_slice %arg9[%dma_wait3A, %dma_wait3A_195] : memref<10240x128xf32, #tpu.memory_space<vmem_shared>> -> memref<10240x128xf32, #tpu.memory_space<vmem_shared>>
        tpu.wait_indirect_dma semaphore(%arg23 : memref<!tpu.dma_semaphore, #tpu.memory_space<semaphore_mem>>) src(%arg10 : memref<80x128xf32, #tpu.memory_space<vmem>>) dst(%dma_wait3A_196 : memref<10240x128xf32, #tpu.memory_space<vmem_shared>>)
      } else {
      }
      %add3A_171 = arith.constant 3968 : i32
      %add3A_172 = arith.addi %arg1, %add3A_171 : i32
      %lt3A_173 = arith.constant 4000 : i32
      %lt3A_174 = arith.cmpi slt, %add3A_172, %lt3A_173 : i32
      %add3A_175 = arith.constant 4016 : i32
      %add3A_176 = arith.addi %arg1, %add3A_175 : i32
      %ge3A_177 = arith.constant 4000 : i32
      %ge3A_178 = arith.cmpi sge, %add3A_176, %ge3A_177 : i32
      %and3A_179 = arith.andi %lt3A_174, %ge3A_178 : i1
      %convert_element_type3A_180 = arith.extui %and3A_179 : i1 to i32
      %cond3A_181 = arith.constant 0 : i32
      %cond3A_182 = arith.cmpi ne, %convert_element_type3A_180, %cond3A_181 : i32
      scf.if %cond3A_182 {
        %dma_wait3A = arith.constant 0 : i32
        %dma_wait3A_195 = arith.constant 0 : i32
        %dma_wait3A_196 = tpu.memref_slice %arg9[%dma_wait3A, %dma_wait3A_195] : memref<10240x128xf32, #tpu.memory_space<vmem_shared>> -> memref<10240x128xf32, #tpu.memory_space<vmem_shared>>
        tpu.wait_indirect_dma semaphore(%arg24 : memref<!tpu.dma_semaphore, #tpu.memory_space<semaphore_mem>>) src(%arg10 : memref<80x128xf32, #tpu.memory_space<vmem>>) dst(%dma_wait3A_196 : memref<10240x128xf32, #tpu.memory_space<vmem_shared>>)
      } else {
      }
      %add3A_183 = arith.constant 3984 : i32
      %add3A_184 = arith.addi %arg1, %add3A_183 : i32
      %lt3A_185 = arith.constant 4000 : i32
      %lt3A_186 = arith.cmpi slt, %add3A_184, %lt3A_185 : i32
      %add3A_187 = arith.constant 4032 : i32
      %add3A_188 = arith.addi %arg1, %add3A_187 : i32
      %ge3A_189 = arith.constant 4000 : i32
      %ge3A_190 = arith.cmpi sge, %add3A_188, %ge3A_189 : i32
      %and3A_191 = arith.andi %lt3A_186, %ge3A_190 : i1
      %convert_element_type3A_192 = arith.extui %and3A_191 : i1 to i32
      %cond3A_193 = arith.constant 0 : i32
      %cond3A_194 = arith.cmpi ne, %convert_element_type3A_192, %cond3A_193 : i32
      scf.if %cond3A_194 {
        %dma_wait3A = arith.constant 0 : i32
        %dma_wait3A_195 = arith.constant 0 : i32
        %dma_wait3A_196 = tpu.memref_slice %arg9[%dma_wait3A, %dma_wait3A_195] : memref<10240x128xf32, #tpu.memory_space<vmem_shared>> -> memref<10240x128xf32, #tpu.memory_space<vmem_shared>>
        tpu.wait_indirect_dma semaphore(%arg22 : memref<!tpu.dma_semaphore, #tpu.memory_space<semaphore_mem>>) src(%arg10 : memref<80x128xf32, #tpu.memory_space<vmem>>) dst(%dma_wait3A_196 : memref<10240x128xf32, #tpu.memory_space<vmem_shared>>)
      } else {
      }
    } else {
    }
    %barrier3A_120 = arith.constant 0 : index
    tpu.barrier barrier_id(%barrier3A_120)
    %eq3A_121 = arith.constant 0 : i32
    %eq3A_122 = arith.cmpi eq, %arg0, %eq3A_121 : i32
    %convert_element_type3A_123 = arith.extui %eq3A_122 : i1 to i32
    %cond3A_124 = arith.constant 0 : i32
    %cond3A_125 = arith.cmpi ne, %convert_element_type3A_123, %cond3A_124 : i32
    scf.if %cond3A_125 {
      %mul3A_131 = arith.constant 640 : i32
      %mul3A_132 = arith.muli %arg1, %mul3A_131 : i32
      %multiple_of3A_133 = tpu.assume_multiple %mul3A_132, 80 : i32
      "tpu.region"() ({
        %run_scoped3A = tpu.sem_alloc : memref<!tpu.dma_semaphore, #tpu.memory_space<semaphore_mem>>
        %dma_start3A = arith.constant 0 : i32
        %dma_start3A_134 = tpu.memref_slice %arg7[%multiple_of3A_133, %dma_start3A] : memref<10240x128xf32, #tpu.memory_space<hbm>> -> memref<640x128xf32, #tpu.memory_space<hbm>>
        %dma_start3A_135 = arith.constant 0 : i32
        %dma_start3A_136 = tpu.memref_slice %arg9[%multiple_of3A_133, %dma_start3A_135] : memref<10240x128xf32, #tpu.memory_space<vmem_shared>> -> memref<640x128xf32, #tpu.memory_space<vmem_shared>>
        tpu.enqueue_dma source(%dma_start3A_136 : memref<640x128xf32, #tpu.memory_space<vmem_shared>>) target(%dma_start3A_134 : memref<640x128xf32, #tpu.memory_space<hbm>>) target_semaphore(%run_scoped3A : memref<!tpu.dma_semaphore, #tpu.memory_space<semaphore_mem>>)
        %dma_wait3A = arith.constant 0 : i32
        %dma_wait3A_137 = tpu.memref_slice %arg7[%multiple_of3A_133, %dma_wait3A] : memref<10240x128xf32, #tpu.memory_space<hbm>> -> memref<640x128xf32, #tpu.memory_space<hbm>>
        %dma_wait3A_138 = arith.constant 0 : i32
        %dma_wait3A_139 = tpu.memref_slice %arg9[%multiple_of3A_133, %dma_wait3A_138] : memref<10240x128xf32, #tpu.memory_space<vmem_shared>> -> memref<640x128xf32, #tpu.memory_space<vmem_shared>>
        tpu.wait_dma2 semaphore(%run_scoped3A : memref<!tpu.dma_semaphore, #tpu.memory_space<semaphore_mem>>) src(%dma_wait3A_139 : memref<640x128xf32, #tpu.memory_space<vmem_shared>>) dst(%dma_wait3A_137 : memref<640x128xf32, #tpu.memory_space<hbm>>)
        tpu.yield
      }) : () -> ()
    } else {
    }
    %eq3A_126 = arith.constant 1 : i32
    %eq3A_127 = arith.cmpi eq, %arg0, %eq3A_126 : i32
    %convert_element_type3A_128 = arith.extui %eq3A_127 : i1 to i32
    %cond3A_129 = arith.constant 0 : i32
    %cond3A_130 = arith.cmpi ne, %convert_element_type3A_128, %cond3A_129 : i32
    scf.if %cond3A_130 {
      %mul3A_131 = arith.constant 640 : i32
      %mul3A_132 = arith.muli %arg1, %mul3A_131 : i32
      %multiple_of3A_133 = tpu.assume_multiple %mul3A_132, 80 : i32
      "tpu.region"() ({
        %run_scoped3A = tpu.sem_alloc : memref<!tpu.dma_semaphore, #tpu.memory_space<semaphore_mem>>
        %dma_start3A = arith.constant 0 : i32
        %dma_start3A_134 = tpu.memref_slice %arg8[%multiple_of3A_133, %dma_start3A] : memref<10240x128xf32, #tpu.memory_space<hbm>> -> memref<640x128xf32, #tpu.memory_space<hbm>>
        %dma_start3A_135 = arith.constant 0 : i32
        %dma_start3A_136 = tpu.memref_slice %arg9[%multiple_of3A_133, %dma_start3A_135] : memref<10240x128xf32, #tpu.memory_space<vmem_shared>> -> memref<640x128xf32, #tpu.memory_space<vmem_shared>>
        tpu.enqueue_dma source(%dma_start3A_136 : memref<640x128xf32, #tpu.memory_space<vmem_shared>>) target(%dma_start3A_134 : memref<640x128xf32, #tpu.memory_space<hbm>>) target_semaphore(%run_scoped3A : memref<!tpu.dma_semaphore, #tpu.memory_space<semaphore_mem>>)
        %dma_wait3A = arith.constant 0 : i32
        %dma_wait3A_137 = tpu.memref_slice %arg8[%multiple_of3A_133, %dma_wait3A] : memref<10240x128xf32, #tpu.memory_space<hbm>> -> memref<640x128xf32, #tpu.memory_space<hbm>>
        %dma_wait3A_138 = arith.constant 0 : i32
        %dma_wait3A_139 = tpu.memref_slice %arg9[%multiple_of3A_133, %dma_wait3A_138] : memref<10240x128xf32, #tpu.memory_space<vmem_shared>> -> memref<640x128xf32, #tpu.memory_space<vmem_shared>>
        tpu.wait_dma2 semaphore(%run_scoped3A : memref<!tpu.dma_semaphore, #tpu.memory_space<semaphore_mem>>) src(%dma_wait3A_139 : memref<640x128xf32, #tpu.memory_space<vmem_shared>>) dst(%dma_wait3A_137 : memref<640x128xf32, #tpu.memory_space<hbm>>)
        tpu.yield
      }) : () -> ()
    } else {
    }
    return
  }
}

</mosaic_0001>

<sc_bundles>
// kernel: _pools.3.cloned.1.call-start
scs
__scs_entry_jumppad:
0x0: {  	(pc) =	sbr.rel $0x88, $3  }
0x1: {  	(tag) =	ssettag $0x0;
	lr =	simm.s32 $0x1  }
0x2: {  	[smem:$0x3F9E] =	sst lr;
	_ =	strace $0xD0000000  }
0x3: {  	_ = 	snop  }
0x4: {  	_ = 	snop  }
0x5: {  	_ = 	snop  }
0x6: {  	_ = 	snop  }
0x7: {  	_ = 	snop  }
__scs_overlays_trampoline_lowered:
0x8: {  	[smem:$0x3FAD] =	sst s0  }
0x9: {  	[smem:$0x3FAE] =	sst s1  }
0xa: {  	[smem:$0x3FAF] =	sst s2  }
0xb: {  	[smem:$0x3FB0] =	sst s3  }
0xc: {  	[smem:$0x3FB1] =	sst s4  }
0xd: {  	[smem:$0x3FB2] =	sst s5  }
0xe: {  	[smem:$0x3FB3] =	sst s6  }
0xf: {  	[smem:$0x3FB4] =	sst s7  }
0x10: {  	[smem:$0x3FB5] =	sst s8  }
0x11: {  	[smem:$0x3FB6] =	sst s9;
	s0 =	simm.s32 @!p0 $0x0  }
0x12: {  	s1 =	sld [smem:$0x3F9C];
	s0 =	simm.s32 @p0 $0x1  }
0x13: {  	[smem:$0x3FB7] =	sst s0;
	s0 =	simm.s32 @!p1 $0x0  }
0x14: {  	s2 =	sld [smem:$0x3F9B];
	s0 =	simm.s32 @p1 $0x1  }
0x15: {  	[smem:$0x3FB8] =	sst s0;
	s0 =	simm.s32 @!p2 $0x0  }
0x16: {  	s3 =	sld [smem:$0x3FDB];
	s0 =	simm.s32 @p2 $0x1  }
0x17: {  	s4 =	simm.s32 $0x1BF5;
	[smem:$0x3FBA] =	sst s0  }
0x18: {  	s0 =	sld [smem:$0x3F9D];
	_ =	swait.ge [sflag:s4], $0x0  }
0x19: {  	s7 =	sld [smem:$0x3F9E]  }
0x1a: {  	s8 =	sadd.s32 $0xFFFFE003, lr  }
0x1b: {  	s9 =	sadd.s32 $0xFFFFFEF7, lr;
	s5 =	simm.s32 $0xFFFFFFFF;
	p2 =	slt.u32 s8, $0xFFFFF086  }
0x1c: {  	p1 =	slt.u32 s9, $0xF7A;
	s5 =	simm.s32 @!p2 $0x0  }
0x1d: {  	s5 =	simm.s32 @p1 $0x1;
	p0 =	seq.s32 s7, s2  }
0x1e: {  	s7 =	smul.u32 @!p0 $0xF7A, s2;
	p2 =	seq.s32 @!p0 s5, $0x0  }
0x1f: {  	s9 =	smul.u32 $0xF7A, s1;
	s8 =	simm.s32 @!p0 $0x1BF5;
	p2 =	por !p2, p0  }
0x20: {  	[sflag:s8] =	ssyncset.s32 @!p0 $0xFFFFF086;
	s6 =	sadd.s32 @!p0 s3, s7;
	s7 =	simm.s32 @!p0 $0x108  }
0x21: {  	s3 =	sadd.s32 s3, s9;
	s6 =	sadd.s32 @!p0 $0x88, s6;
	s7 =	simm.s32 @p2 $0x1082  }
0x22: {  	[simem:s7], [sflag:s8] =	dma.local @!p0 [hbm:s6], $0xF7A  }
0x23: {  	s9 =	sor.u32 $0xD0000000, s2;
	s6 =	simm.s32 $0x108;
	_ =	swait.ge @!p0 [sflag:s8], $0x0  }
0x24: {  	s3 =	sadd.s32 $0x88, s3;
	s6 =	simm.s32 @!p1 $0x1082;
	[sflag:s4] =	ssyncset.s32 $0xFFFFF086  }
0x25: {  	[simem:s6], [sflag:s4] =	dma.local [hbm:s3], $0xF7A  }
0x26: {  	[smem:$0x3F9E] =	sst s1;
	(tag) =	ssettag s2;
	_ =	strace s9  }
0x27: {  	s1 =	sld [smem:$0x3FAE]  }
0x28: {  	s2 =	sld [smem:$0x3FAF]  }
0x29: {  	s4 =	sld [smem:$0x3FB1]  }
0x2a: {  	p0 =	seq.s32 s5, $0x0;
	s5 =	sld [smem:$0x3FB2]  }
0x2b: {  	s6 =	sld [smem:$0x3FB3]  }
0x2c: {  	s7 =	sld [smem:$0x3FB4]  }
0x2d: {  	s3 =	simm.s32 $0x108;
	s8 =	sld [smem:$0x3FB5]  }
0x2e: {  	s3 =	simm.s32 @!p0 $0x1082;
	s9 =	sld [smem:$0x3FB6]  }
0x2f: {  	lr =	sadd.s32 s0, s3;
	s0 =	sld [smem:$0x3FAD]  }
0x30: {  	s3 =	sld [smem:$0x3FB0]  }
0x31: {  	[smem:$0x3FB9] =	sst s10  }
0x32: {  	s10 =	sld [smem:$0x3FB7];
	_ =	sdelay $0x3  }
0x33: {  	p0 =	seq.s32 s10, $0x1;
	s10 =	sld [smem:$0x3FB9];
	_ =	sdelay $0x3  }
0x34: {  	[smem:$0x3FB9] =	sst s10  }
0x35: {  	s10 =	sld [smem:$0x3FB8];
	_ =	sdelay $0x3  }
0x36: {  	p1 =	seq.s32 s10, $0x1;
	s10 =	sld [smem:$0x3FB9];
	_ =	sdelay $0x3  }
0x37: {  	[smem:$0x3FB9] =	sst s10  }
0x38: {  	s10 =	sld [smem:$0x3FBA]  }
0x39: {  	_ = 	snop;
	(pc) =	sbr.ind lr, $3  }
0x3a: {  	_ = 	snop  }
0x3b: {  	_ = 	snop  }
0x3c: {  	p2 =	seq.s32 s10, $0x1;
	s10 =	sld [smem:$0x3FB9]  }
0x3d: {  	_ =	shalt  }
0x3e: {  	_ =	shalt  }
0x3f: {  	_ =	shalt  }
0x40: {  	_ =	shalt  }
0x41: {  	_ =	shalt  }
0x42: {  	_ =	shalt  }
0x43: {  	_ =	shalt  }
0x44: {  	_ =	shalt  }
0x45: {  	_ =	shalt  }
0x46: {  	_ =	shalt  }
0x47: {  	_ =	shalt  }
0x48: {  	_ =	shalt  }
0x49: {  	_ =	shalt  }
0x4a: {  	_ =	shalt  }
0x4b: {  	_ =	shalt  }
0x4c: {  	_ =	shalt  }
0x4d: {  	_ =	shalt  }
0x4e: {  	_ =	shalt  }
0x4f: {  	_ =	shalt  }
0x50: {  	_ =	shalt  }
0x51: {  	_ =	shalt  }
0x52: {  	_ =	shalt  }
0x53: {  	_ =	shalt  }
0x54: {  	_ =	shalt  }
0x55: {  	_ =	shalt  }
0x56: {  	_ =	shalt  }
0x57: {  	_ =	shalt  }
0x58: {  	_ =	shalt  }
0x59: {  	_ =	shalt  }
0x5a: {  	_ =	shalt  }
0x5b: {  	_ =	shalt  }
0x5c: {  	_ =	shalt  }
0x5d: {  	_ =	shalt  }
0x5e: {  	_ =	shalt  }
0x5f: {  	_ =	shalt  }
0x60: {  	_ =	shalt  }
0x61: {  	_ =	shalt  }
0x62: {  	_ =	shalt  }
0x63: {  	_ =	shalt  }
0x64: {  	_ =	shalt  }
0x65: {  	_ =	shalt  }
0x66: {  	_ =	shalt  }
0x67: {  	_ =	shalt  }
0x68: {  	_ =	shalt  }
0x69: {  	_ =	shalt  }
0x6a: {  	_ =	shalt  }
0x6b: {  	_ =	shalt  }
0x6c: {  	_ =	shalt  }
0x6d: {  	_ =	shalt  }
0x6e: {  	_ =	shalt  }
0x6f: {  	_ =	shalt  }
0x70: {  	_ =	shalt  }
0x71: {  	_ =	shalt  }
0x72: {  	_ =	shalt  }
0x73: {  	_ =	shalt  }
0x74: {  	_ =	shalt  }
0x75: {  	_ =	shalt  }
0x76: {  	_ =	shalt  }
0x77: {  	_ =	shalt  }
0x78: {  	_ =	shalt  }
0x79: {  	_ =	shalt  }
0x7a: {  	_ =	shalt  }
0x7b: {  	_ =	shalt  }
0x7c: {  	_ =	shalt  }
0x7d: {  	_ =	shalt  }
0x7e: {  	_ =	shalt  }
0x7f: {  	_ =	shalt  }
0x80: {  	_ =	shalt  }
0x81: {  	_ =	shalt  }
0x82: {  	_ =	shalt  }
0x83: {  	_ =	shalt  }
0x84: {  	_ =	shalt  }
0x85: {  	_ =	shalt  }
0x86: {  	_ =	shalt  }
0x87: {  	_ =	shalt  }
.Lfunc_end0:
.L_simem_size_0:
called_computation_lowered:
.L_overlay_start_0:
0x88: {  	s2 =	sld [smem:$0x3FD9]  }
0x89: {  	s3 =	sld [smem:$0x3FFE];
	_ =	sdelay $0x1  }
0x8a: {  	s1 =	srdreg.scid  }
0x8b: {  	s0 =	sand.u32 $0x1, s1  }
0x8c: {  	s15 =	sshll.u32 s0, $0xA;
	s2 =	sadd.s32 s3, s2  }
0x8d: {  	s2 =	sadd.s32 s2, s15  }
0x8e: {  	[smem:$0x3FC5] =	sst s2  }
0x8f: {  	_ = 	snop  }
0x90: {  	s2 =	sld [smem:$0x3FD0]  }
0x91: {  	s16 =	sld [smem:$0x3FC9]  }
0x92: {  	s4 =	sld [smem:$0x3FC8]  }
0x93: {  	s6 =	simm.s32 $0xA;
	s7 =	simm.s32 $0x10;
	s5 =	sld [smem:$0x3FC7]  }
0x94: {  	[smem:s7], [sflag:s6] =	dma.local [hbm:s2], $0x1  }
0x95: {  	_ =	swait.eq [sflag:s6], $0x1  }
0x96: {  	s17 =	sld [smem:$0x10]  }
0x97: {  	s18 =	sld [smem:$0x11];
	[sflag:s6] =	ssyncset.done $0x0  }
0x98: {  	s8 =	sld [smem:$0x12];
	[sflag:s6] =	ssyncadd.s32 $0xFFFFFFFF  }
0x99: {  	s19 =	sld [smem:$0x13];
	(tm) =	ssettm $0x1  }
0x9a: {  	s9 =	sld [smem:$0x3FFB];
	_ =	sdelay $0x3  }
0x9b: {  	_ =	strace s9  }
0x9c: {  	s9 =	sld [smem:$0x3FFC];
	_ =	sdelay $0x3  }
0x9d: {  	_ =	strace s9  }
0x9e: {  	s9 =	sld [smem:$0x3FFD];
	_ =	sdelay $0x3  }
0x9f: {  	_ =	strace s9  }
0xa0: {  	_ =	strace $0x8FFFFFFF  }
0xa1: {  	s20 =	sld [smem:$0x3FDB];
	_ =	sdelay $0x1  }
0xa2: {  	s10 =	simm.s32 $_scs_section_size  }
0xa3: {  	s11 =	simm.s32 $_size__tile_overlayer_lowered;
	s12 =	simm.s32 $_tile_overlayer_lowered  }
0xa4: {  	s23 =	simm.s32 $0x1BFF;
	s22 =	sshll.u32 s12, $0x1;
	s9 =	sadd.s32 s10, s20  }
0xa5: {  	s13 =	simm.s32 $0x0;
	s21 =	sshll.u32 s11, $0x1;
	s11 =	sadd.s32 s22, s9  }
0xa6: {  	[timem:s13], [sflag:s23] =	dma.local [hbm:s11], s21  }
0xa7: {  	_ =	swait.ge [sflag:s23], s21  }
0xa8: {  	s10 =	ssub.s32 $0x0, s21;
	[sflag:s23] =	ssyncset.done $0x0  }
0xa9: {  	[sflag:s23] =	ssyncadd.s32 s10;
	_ =	sdelay $0x1  }
0xaa: {  	s24 =	simm.s32 $0x1B8B  }
0xab: {  	_ =	swait.ge [sflag:s24], $0x1  }
0xac: {  	[sflag:s24] =	ssyncset.done $0x0  }
0xad: {  	s25 =	simm.s32 $0x1B8E;
	[sflag:s24] =	ssyncadd.s32 $0xFFFFFFFF  }
0xae: {  	s26 =	simm.s32 $execute0_lowered;
	[smem:$0x3FD2] =	sst s25  }
0xaf: {  	s10 =	sshll.u32 s26, $0x1;
	_ =	strace $0x80000046;
	[dreg:$0x1] =	wrdreg $0xFFFFFFFF  }
0xb0: {  	s28 =	simm.s32 $_size_execute0_lowered;
	s9 =	sadd.s32 s9, s10;
	[dreg:$0x0] =	wrdreg $0x0  }
0xb1: {  	s10 =	sshll.u32 s28, $0x1;
	[dreg:$0x2] =	wrdreg s9  }
0xb2: {  	[dreg:$0x3] =	wrdreg s10  }
0xb3: {  	[dreg:$0x4] =	wrdreg $0xC0  }
0xb4: {  	_ =	task [dreg:s13], $0x5FFFF  }
0xb5: {  	[dreg:$0x1] =	wrdreg $0xFFFFFFFF  }
0xb6: {  	[dreg:$0x0] =	wrdreg $0x60  }
0xb7: {  	[dreg:$0x2] =	wrdreg s16  }
0xb8: {  	[dreg:$0x3] =	wrdreg s4  }
0xb9: {  	[dreg:$0x4] =	wrdreg s5  }
0xba: {  	[dreg:$0x5] =	wrdreg s17  }
0xbb: {  	[dreg:$0x6] =	wrdreg s18  }
0xbc: {  	[dreg:$0x7] =	wrdreg s8  }
0xbd: {  	[dreg:$0x8] =	wrdreg s19  }
0xbe: {  	[dreg:$0x9] =	wrdreg $0x0  }
0xbf: {  	[dreg:$0xa] =	wrdreg $0x9  }
0xc0: {  	_ =	task.clear_ibuf [dreg:s13], $0xBFFFF;
	_ =	strace $0x90000046  }
0xc1: {  	s29 =	simm.s32 $0x9;
	_ =	strace $0x80000048  }
0xc2: {  	_ =	swait.ge [sflag:s29], $0x1  }
0xc3: {  	[sflag:s29] =	ssyncadd.s32 $0xFFFFFFFF  }
0xc4: {  	_ =	strace $0x90000048  }
0xc5: {  	_ =	sfence  }
0xc6: {  	s30 =	sld [smem:$0x0];
	_ =	sdelay $0x2  }
0xc7: {  	s31 =	sshll.u32 s1, $0xD;
	s1 =	sshrl.u32 s1, $0x2  }
0xc8: {  	s3 =	sand.u32 $0x4000, s31;
	s1 =	sadd.s32 s1, s30  }
0xc9: {  	s0 =	sor.u32 s3, s0;
	s1 =	sshll.u32 s1, $0x11  }
0xca: {  	s0 =	sor.u32 s1, s0  }
0xcb: {  	s0 =	sadd.s32 $0x8F2B, s0  }
0xcc: {  	[sflag:s0] =	ssyncadd.remote.s32 $0x1  }
0xcd: {  	_ =	sfence.sel $0xFFFF  }
0xce: {  	[dreg:$0x0] =	wrdreg $0xFFFFFFFF;
	(pc) =	sbr.abs _section_cstart, $3  }
0xcf: {  	[dreg:$0x1] =	wrdreg $0xFFFFFFFF  }
0xd0: {  	_ =	task.clear_ibuf [dreg:s13], $0x2FFFF;
	_ =	strace $0x9FFFFFFF  }
0xd1: {  	(tm) =	ssettm $0x7FFFFFFF  }
tec
execute0_lowered:
.L_overlay_start_1:
0x0: {  	(tag) =	ssettag $0x1  }
0x1: {  	s0 =	rddreg [dreg:$0x0]  }
0x2: {  	s1 =	rddreg [dreg:$0x1];
	s16 =	stileid.u32  }
0x3: {  	s2 =	rddreg [dreg:$0x2];
	s5 =	smul.u32 $0x50000, s16  }
0x4: {  	s6 =	rddreg [dreg:$0x7];
	s11 =	smul.u32 $0xA, s16  }
0x5: {  	s3 =	srdreg.scid;
	s7 =	simm.s32 $0x0;
	s10 =	smul.u32 $0x500, s16  }
0x6: {  	s3 =	sand.u32 $0x1, s3;
	s12 =	sor.u32 $0x10, s16;
	s14 =	smul.u32 $0x50, s16  }
0x7: {  	[smem:$0x7FF] =	sst s7;
	s25 =	sor.u32 $0x20, s16;
	s24 =	smul.u32 $0xA, s12  }
0x8: {  	s26 =	sor.u32 $0x30, s16;
	s15 =	sor.u32 $0x40, s16;
	s12 =	smul.u32 $0x500, s12  }
0x9: {  	s4 =	ssub.s32 $0x2, s3;
	_ =	strace $0x80000047;
	s28 =	smul.u32 $0xA, s25  }
0xa: {  	s30 =	smul.u32 $0xA, s15;
	p0 =	sne.s32 s3, $0x0;
	s8 =	sshrl.u32 s4, $0x1  }
0xb: {  	s5 =	sshrl.u32 s5, $0x2;
	s10 =	sadd.s32 s0, s10;
	s13 =	sadd.s32 s2, s24  }
0xc: {  	s4 =	ssub.s32 s4, s8;
	s0 =	sadd.s32 s0, s12;
	[dreg:$0xa] =	wrdreg s13  }
0xd: {  	s8 =	sadd.s32 s5, s6;
	s5 =	sadd.s32 s1, s24;
	[dreg:$0xb] =	wrdreg s0  }
0xe: {  	s3 =	simm.s32 $0x14000;
	s15 =	sadd.s32 s2, s28;
	[dreg:$0xc] =	wrdreg s5  }
0xf: {  	s9 =	sadd.s32 s2, s11;
	s18 =	sadd.s32 s1, s28;
	[dreg:$0xf] =	wrdreg s15  }
0x10: {  	s14 =	sshrl.u32 s14, $0x3;
	s19 =	sadd.s32 s1, s30;
	[dreg:$0x12] =	wrdreg s18  }
0x11: {  	s29 =	sadd.s32 $0xA0, s14;
	s14 =	simm.s32 $0x1B880;
	[dreg:$0x14] =	wrdreg s19  }
0x12: {  	s12 =	simm.s32 $0x9;
	s31 =	sadd.s32 s2, s29;
	[dreg:$0x9] =	wrdreg s8  }
0x13: {  	s13 =	sadd.s32 s1, s11;
	s11 =	sadd.s32 s1, s29;
	[dreg:$0xd] =	wrdreg s31  }
0x14: {  	s0 =	smul.u32 $0xA, s26;
	s20 =	sadd.s32 $0x5000, s8;
	[dreg:$0xe] =	wrdreg s11  }
0x15: {  	s25 =	sadd.s32 $0x2800, s8;
	s21 =	smax.u32 s4, $0x1;
	[dreg:$0x16] =	wrdreg s20  }
0x16: {  	s22 =	sadd.s32 $0x7800, s8;
	s23 =	sadd.s32 $0xA000, s8;
	[dreg:$0x17] =	wrdreg s21  }
0x17: {  	s24 =	sadd.s32 $0xC800, s8;
	s26 =	sadd.s32 $0xF000, s8;
	[dreg:$0x18] =	wrdreg s22  }
0x18: {  	s28 =	sadd.s32 $0x11800, s8;
	s29 =	smul.u32 $0x2800, s16;
	[dreg:$0x19] =	wrdreg s23  }
0x19: {  	s4 =	simm.s32 $0xA;
	s15 =	simm.s32 $0x16800;
	[dreg:$0x1a] =	wrdreg s24  }
0x1a: {  	s16 =	simm.s32 $0x1;
	s18 =	simm.s32 $0x50;
	[dreg:$0x1b] =	wrdreg s26  }
0x1b: {  	s19 =	simm.s32 $0x1B900;
	s5 =	simm.s32 $0x6;
	[dreg:$0x1c] =	wrdreg s28  }
0x1c: {  	s31 =	sadd.s32 $0x280, s13;
	s11 =	simm.s32 $0x1B800;
	[dreg:$0x15] =	wrdreg s25  }
0x1d: {  	s20 =	simm.s32 $0x19000;
	s21 =	simm.s32 $0x2;
	[dreg:$0x1d] =	wrdreg s29  }
.Ltmp0:
0x1e: {  	s17 =	sadd.s32 s2, s0;
	[dreg:$0x1f] =	wrdreg s31;
	(pc) =	sbr.rel .LBB2_1-.Ltmp0, $4  }
0x1f: {  	s22 =	simm.s32 $0x5;
	s2 =	sadd.s32 s2, s30;
	[dreg:$0x10] =	wrdreg s17  }
0x20: {  	s23 =	simm.s32 $0x0;
	s0 =	sadd.s32 s1, s0;
	[dreg:$0x11] =	wrdreg s2  }
0x21: {  	s30 =	sadd.s32 $0x280, s9;
	s1 =	simm.s32 $0x7;
	[dreg:$0x13] =	wrdreg s0  }
0x22: {  	v0 =	vimm.f32 $0.0e+00;
	v1 =	vimm.f32 $1.000000000e+00;
	[dreg:$0x1e] =	wrdreg s30;
	s17 =	simm.s32 $0x4;
	s2 =	simm.s32 $0x3  }
.LBB2_29:
0x23: {  	s0 =	simm.s32 $0x8  }
0x24: {  	_ =	swait.ge [sflag:s0], $0x2800  }
0x25: {  	[sflag:s0] =	ssyncset.done $0x0  }
0x26: {  	[sflag:s0] =	ssyncadd.s32 $0xFFFFD800  }
0x27: {  	_ =	swait.ge [sflag:s12], $0x2800  }
0x28: {  	[sflag:s12] =	ssyncset.done $0x0  }
0x29: {  	[sflag:s12] =	ssyncadd.s32 $0xFFFFD800  }
0x2a: {  	_ =	swait.ge [sflag:s1], $0x2800  }
0x2b: {  	[sflag:s1] =	ssyncset.done $0x0  }
0x2c: {  	[sflag:s1] =	ssyncadd.s32 $0xFFFFD800  }
0x2d: {  	s30 =	rddreg [dreg:$0x1d];
	[bflag:$0x0] =	sbarrier.arrive $0xFFFF  }
0x2e: {  	s8 =	sld [smem:$0x7FD];
	_ =	sdelay $0x1  }
0x2f: {  	s0 =	sadd.s32 s28, s30  }
0x30: {  	[hbm:s0], [sflag:s8] =	dma.local [spmem:s26], $0x2800  }
0x31: {  	_ =	swait.ge [sflag:s4], $0x2800  }
0x32: {  	s23 =	sadd.s32 $0x1, s23;
	s31 =	rddreg [dreg:$0x17]  }
0x33: {  	p1 =	sne.s32 s23, s31  }
.Ltmp1:
0x34: {  	_ = 	snop;
	(pc) =	sbr.rel @!p1 .LBB2_30-.Ltmp1, $3  }
0x35: {  	_ =	sdelay $0x1  }
0x36: {  	[sflag:s4] =	ssyncset.done $0x0;
	s8 =	rddreg [dreg:$0x9]  }
0x37: {  	s25 =	rddreg [dreg:$0x15];
	[sflag:s4] =	ssyncadd.s32 $0xFFFFD800  }
.LBB2_1:
0x38: {  	s24 =	simm.s32 $0x0;
	s26 =	simm.s32 $0x200  }
.LBB2_2:
0x39: {  	p1 =	sne.s32 s26, $0x9E00;
	[tilespmem:s24+$0x14070] =	vst v0  }
0x3a: {  	[tilespmem:s24+$0x14000] =	vst v0  }
0x3b: {  	[tilespmem:s24+$0x14010] =	vst v0  }
.Ltmp2:
0x3c: {  	[tilespmem:s24+$0x14020] =	vst v0;
	(pc) =	sbr.rel @p1 .LBB2_2-.Ltmp2, $4  }
0x3d: {  	[tilespmem:s24+$0x14030] =	vst v0  }
0x3e: {  	[tilespmem:s24+$0x14040] =	vst v0  }
0x3f: {  	[tilespmem:s24+$0x14050] =	vst v0  }
0x40: {  	[tilespmem:s24+$0x14060] =	vst v0;
	s24 =	sshra.s32 s26, $0x2;
	s26 =	sadd.s32 $0x200, s26  }
0x41: {  	[tilespmem:s24+$0x14070] =	vst v0  }
0x42: {  	[tilespmem:s24+$0x14000] =	vst v0  }
0x43: {  	[tilespmem:s24+$0x14010] =	vst v0  }
0x44: {  	[tilespmem:s24+$0x14020] =	vst v0  }
0x45: {  	[tilespmem:s24+$0x14030] =	vst v0  }
0x46: {  	[tilespmem:s24+$0x14040] =	vst v0  }
0x47: {  	[tilespmem:s24+$0x14050] =	vst v0  }
0x48: {  	[tilespmem:s24+$0x14060] =	vst v0  }
0x49: {  	[spmem:s8] =	stream.linear.scatter [tilespmem:s3], [sflag:$0xA], $0x2800, $0x38;
	[tilespmem:$0x1B980] =	vst v63  }
0x4a: {  	_ =	swait.ge [sflag:s4], $0x2800  }
0x4b: {  	[sflag:s4] =	ssyncset.done $0x0  }
0x4c: {  	[sflag:s4] =	ssyncadd.s32 $0xFFFFD800  }
0x4d: {  	[spmem:s25] =	stream.linear.scatter [tilespmem:s3], [sflag:$0xA], $0x2800, $0x38;
	[tilespmem:$0x1B980] =	vst v63  }
0x4e: {  	_ =	swait.ge [sflag:s4], $0x2800  }
0x4f: {  	[sflag:s4] =	ssyncset.done $0x0  }
0x50: {  	s0 =	rddreg [dreg:$0x16];
	[sflag:s4] =	ssyncadd.s32 $0xFFFFD800  }
0x51: {  	[spmem:s0] =	stream.linear.scatter [tilespmem:s3], [sflag:$0xA], $0x2800, $0x38;
	[tilespmem:$0x1B980] =	vst v63  }
0x52: {  	_ =	swait.ge [sflag:s4], $0x2800  }
0x53: {  	[sflag:s4] =	ssyncset.done $0x0  }
0x54: {  	s26 =	rddreg [dreg:$0x18];
	[sflag:s4] =	ssyncadd.s32 $0xFFFFD800  }
0x55: {  	[spmem:s26] =	stream.linear.scatter [tilespmem:s3], [sflag:$0xA], $0x2800, $0x38;
	[tilespmem:$0x1B980] =	vst v63  }
0x56: {  	_ =	swait.ge [sflag:s4], $0x2800  }
0x57: {  	[sflag:s4] =	ssyncset.done $0x0  }
0x58: {  	s28 =	rddreg [dreg:$0x19];
	[sflag:s4] =	ssyncadd.s32 $0xFFFFD800  }
0x59: {  	[spmem:s28] =	stream.linear.scatter [tilespmem:s3], [sflag:$0xA], $0x2800, $0x38;
	[tilespmem:$0x1B980] =	vst v63  }
0x5a: {  	_ =	swait.ge [sflag:s4], $0x2800  }
0x5b: {  	[sflag:s4] =	ssyncset.done $0x0  }
0x5c: {  	s29 =	rddreg [dreg:$0x1a];
	[sflag:s4] =	ssyncadd.s32 $0xFFFFD800  }
0x5d: {  	[spmem:s29] =	stream.linear.scatter [tilespmem:s3], [sflag:$0xA], $0x2800, $0x38;
	[tilespmem:$0x1B980] =	vst v63  }
0x5e: {  	_ =	swait.ge [sflag:s4], $0x2800  }
0x5f: {  	[sflag:s4] =	ssyncset.done $0x0  }
0x60: {  	s30 =	rddreg [dreg:$0x1b];
	[sflag:s4] =	ssyncadd.s32 $0xFFFFD800  }
0x61: {  	[spmem:s30] =	stream.linear.scatter [tilespmem:s3], [sflag:$0xA], $0x2800, $0x38;
	[tilespmem:$0x1B980] =	vst v63  }
0x62: {  	_ =	swait.ge [sflag:s4], $0x2800  }
0x63: {  	[sflag:s4] =	ssyncset.done $0x0  }
0x64: {  	s31 =	rddreg [dreg:$0x1c];
	[sflag:s4] =	ssyncadd.s32 $0xFFFFD800  }
0x65: {  	[spmem:s31] =	stream.linear.scatter [tilespmem:s3], [sflag:$0xA], $0x2800, $0x38;
	[tilespmem:$0x1B980] =	vst v63  }
.Ltmp3:
0x66: {  	_ =	swait.ge [sflag:s4], $0x2800;
	(pc) =	sbr.rel @p0 .LBB2_11-.Ltmp3, $4  }
0x67: {  	[sflag:s4] =	ssyncset.done $0x0  }
0x68: {  	[sflag:s4] =	ssyncadd.s32 $0xFFFFD800  }
0x69: {  	[bflag:$0x0] =	sbarrier.arrive $0xFFFF  }
0x6a: {  	s24 =	simm.s32 $0x0  }
0x6b: {  	[tilespmem:s11], [sflag:$0x1] =	stream.linear.gather [hbm4b:s13+s24], $0x50, $0x38;
	[tilespmem:$0x1B980] =	vst v63  }
0x6c: {  	_ = 	snop  }
0x6d: {  	[tilespmem:s3], [sflag:$0x4] =	stream.linear.gather [hbm4b:s10+s24], $0x2800, $0x38;
	[tilespmem:$0x1B980] =	vst v63  }
.Ltmp4:
0x6e: {  	s0 =	rddreg [dreg:$0xc];
	(pc) =	sbr.rel .LBB2_5-.Ltmp4, $4  }
0x6f: {  	s31 =	rddreg [dreg:$0xb]  }
0x70: {  	[tilespmem:s14], [sflag:$0x2] =	stream.linear.gather [hbm4b:s0+s24], $0x50, $0x38;
	[tilespmem:$0x1B980] =	vst v63  }
0x71: {  	s26 =	rddreg [dreg:$0x1f];
	s28 =	simm.s32 $0x0  }
0x72: {  	[tilespmem:s15], [sflag:$0x5] =	stream.linear.gather [hbm4b:s31+s24], $0x2800, $0x38;
	[tilespmem:$0x1B980] =	vst v63  }
.LBB2_9:
0x73: {  	s29 =	sadd.s32 $0xFFFFFEC0, s26;
	s0 =	sadd.s32 s24, s10  }
0x74: {  	[tilespmem:s19], [sflag:$0x3] =	stream.linear.gather [hbm4b:s29+s7], $0x50, $0x38;
	[tilespmem:$0x1B980] =	vst v63  }
0x75: {  	s30 =	sadd.s32 $0xA000, s0  }
0x76: {  	[tilespmem:s20], [sflag:$0x6] =	stream.linear.gather [hbm4b:s30+s7], $0x2800, $0x38;
	[tilespmem:$0x1B980] =	vst v63  }
0x77: {  	_ =	swait.ge [sflag:s21], $0x50  }
0x78: {  	[sflag:s21] =	ssyncset.done $0x0  }
0x79: {  	[sflag:s21] =	ssyncadd.s32 $0xFFFFFFB0  }
0x7a: {  	_ =	swait.ge [sflag:s22], $0x2800  }
0x7b: {  	[sflag:s22] =	ssyncset.done $0x0  }
0x7c: {  	[sflag:s22] =	ssyncadd.s32 $0xFFFFD800  }
0x7d: {  	[spmem:s6] =	stream.indirect.scatter.add.f32 [tilespmem:s15], [sflag:$0x8], $0x80, s14, s18, $0xb8;
	[tilespmem:$0x1B980] =	vst v63  }
0x7e: {  	_ =	swait.ge [sflag:s1], $0x2800  }
0x7f: {  	[sflag:s1] =	ssyncset.done $0x0  }
0x80: {  	s31 =	sadd.s32 $0xFFFFFF60, s26;
	[sflag:s1] =	ssyncadd.s32 $0xFFFFD800  }
0x81: {  	[tilespmem:s11], [sflag:$0x1] =	stream.linear.gather [hbm4b:s31+s7], $0x50, $0x38;
	[tilespmem:$0x1B980] =	vst v63  }
0x82: {  	s29 =	sadd.s32 $0xF000, s0  }
0x83: {  	[tilespmem:s3], [sflag:$0x4] =	stream.linear.gather [hbm4b:s29+s7], $0x2800, $0x38;
	[tilespmem:$0x1B980] =	vst v63  }
0x84: {  	_ =	swait.ge [sflag:s2], $0x50  }
0x85: {  	[sflag:s2] =	ssyncset.done $0x0  }
0x86: {  	[sflag:s2] =	ssyncadd.s32 $0xFFFFFFB0  }
0x87: {  	_ =	swait.ge [sflag:s5], $0x2800  }
0x88: {  	p1 =	sgt.u32 s28, $0x51;
	[sflag:s5] =	ssyncset.done $0x0  }
0x89: {  	s29 =	simm.s32 @!p1 $0x8;
	[sflag:s5] =	ssyncadd.s32 $0xFFFFD800  }
0x8a: {  	[spmem:s6] =	stream.indirect.scatter.add.f32 [tilespmem:s20], [sflag:$0x9], $0x80, s19, s18, $0xb8;
	[tilespmem:$0x1B980] =	vst v63  }
0x8b: {  	_ =	swait.ge @!p1 [sflag:s29], $0x2800  }
0x8c: {  	[sflag:s29] =	ssyncset.done @!p1 $0x0  }
0x8d: {  	s30 =	simm.s32 @!p1 $0x1B880;
	[sflag:s29] =	ssyncadd.s32 @!p1 $0xFFFFD800;
	s29 =	simm.s32 @!p1 $0x0  }
0x8e: {  	[tilespmem:s30], [sflag:$0x2] =	stream.linear.gather @!p1 [hbm4b:s26+s29], $0x50, $0x38;
	[tilespmem:$0x1B980] =	vst v63  }
0x8f: {  	s30 =	sadd.s32 @!p1 s24, s10  }
0x90: {  	s31 =	simm.s32 @!p1 $0x16800;
	s24 =	sadd.s32 $0xF000, s24;
	s30 =	sadd.s32 @!p1 $0x14000, s30  }
0x91: {  	[tilespmem:s31], [sflag:$0x5] =	stream.linear.gather @!p1 [hbm4b:s30+s29], $0x2800, $0x38;
	[tilespmem:$0x1B980] =	vst v63  }
0x92: {  	p1 =	seq.s32 s24, $0x4EC000  }
.Ltmp5:
0x93: {  	_ = 	snop;
	(pc) =	sbr.rel @p1 .LBB2_10-.Ltmp5, $2  }
0x94: {  	_ =	sdelay $0x2  }
0x95: {  	s28 =	sadd.s32 $0x1, s28;
	s26 =	sadd.s32 $0x1E0, s26  }
.LBB2_5:
0x96: {  	_ =	swait.ge [sflag:s16], $0x50  }
0x97: {  	p1 =	seq.s32 s28, $0x0;
	[sflag:s16] =	ssyncset.done $0x0  }
.Ltmp6:
0x98: {  	[sflag:s16] =	ssyncadd.s32 $0xFFFFFFB0;
	(pc) =	sbr.rel @p1 .LBB2_9-.Ltmp6, $4  }
0x99: {  	_ =	swait.ge [sflag:s17], $0x2800  }
0x9a: {  	[sflag:s17] =	ssyncset.done $0x0  }
0x9b: {  	[sflag:s17] =	ssyncadd.s32 $0xFFFFD800  }
0x9c: {  	[spmem:s6] =	stream.indirect.scatter.add.f32 [tilespmem:s3], [sflag:$0x7], $0x80, s11, s18, $0xb8;
	[tilespmem:$0x1B980] =	vst v63  }
0x9d: {  	p1 =	seq.s32 s28, $0x53  }
.Ltmp7:
0x9e: {  	_ = 	snop;
	(pc) =	sbr.rel @p1 .LBB2_7-.Ltmp7, $1  }
0x9f: {  	_ =	sdelay $0x3  }
.Ltmp8:
0xa0: {  	(pc) =	sbr.rel .LBB2_9-.Ltmp8, $4  }
0xa1: {  	_ = 	snop  }
0xa2: {  	_ =	swait.ge [sflag:s12], $0x2800  }
0xa3: {  	[sflag:s12] =	ssyncset.done $0x0  }
0xa4: {  	[sflag:s12] =	ssyncadd.s32 $0xFFFFD800  }
.LBB2_11:
0xa5: {  	[tilespmem:s11], [sflag:$0x1] =	stream.linear.gather [hbm4b:s9+s24], $0x50, $0x38;
	[tilespmem:$0x1B980] =	vst v63  }
0xa6: {  	_ = 	snop  }
0xa7: {  	[tilespmem:s3], [sflag:$0x4] =	stream.linear.gather [hbm4b:s10+s24], $0x2800, $0x38;
	[tilespmem:$0x1B980] =	vst v63  }
.Ltmp9:
0xa8: {  	s0 =	rddreg [dreg:$0xa];
	(pc) =	sbr.rel .LBB2_12-.Ltmp9, $4  }
0xa9: {  	s31 =	rddreg [dreg:$0xb]  }
0xaa: {  	[tilespmem:s14], [sflag:$0x2] =	stream.linear.gather [hbm4b:s0+s24], $0x50, $0x38;
	[tilespmem:$0x1B980] =	vst v63  }
0xab: {  	s26 =	rddreg [dreg:$0x1e];
	s28 =	simm.s32 $0x0  }
0xac: {  	[tilespmem:s15], [sflag:$0x5] =	stream.linear.gather [hbm4b:s31+s24], $0x2800, $0x38;
	[tilespmem:$0x1B980] =	vst v63  }
.LBB2_16:
0xad: {  	s29 =	sadd.s32 $0xFFFFFEC0, s26;
	s0 =	sadd.s32 s24, s10  }
0xae: {  	[tilespmem:s19], [sflag:$0x3] =	stream.linear.gather [hbm4b:s29+s7], $0x50, $0x38;
	[tilespmem:$0x1B980] =	vst v63  }
0xaf: {  	s30 =	sadd.s32 $0xA000, s0  }
0xb0: {  	[tilespmem:s20], [sflag:$0x6] =	stream.linear.gather [hbm4b:s30+s7], $0x2800, $0x38;
	[tilespmem:$0x1B980] =	vst v63  }
0xb1: {  	_ =	swait.ge [sflag:s21], $0x50  }
0xb2: {  	[sflag:s21] =	ssyncset.done $0x0  }
0xb3: {  	[sflag:s21] =	ssyncadd.s32 $0xFFFFFFB0  }
0xb4: {  	_ =	swait.ge [sflag:s22], $0x2800  }
0xb5: {  	[sflag:s22] =	ssyncset.done $0x0  }
0xb6: {  	[sflag:s22] =	ssyncadd.s32 $0xFFFFD800  }
0xb7: {  	[spmem:s6] =	stream.indirect.scatter.add.f32 [tilespmem:s15], [sflag:$0x8], $0x80, s14, s18, $0xb8;
	[tilespmem:$0x1B980] =	vst v63  }
0xb8: {  	_ =	swait.ge [sflag:s1], $0x2800  }
0xb9: {  	[sflag:s1] =	ssyncset.done $0x0  }
0xba: {  	s31 =	sadd.s32 $0xFFFFFF60, s26;
	[sflag:s1] =	ssyncadd.s32 $0xFFFFD800  }
0xbb: {  	[tilespmem:s11], [sflag:$0x1] =	stream.linear.gather [hbm4b:s31+s7], $0x50, $0x38;
	[tilespmem:$0x1B980] =	vst v63  }
0xbc: {  	s29 =	sadd.s32 $0xF000, s0  }
0xbd: {  	[tilespmem:s3], [sflag:$0x4] =	stream.linear.gather [hbm4b:s29+s7], $0x2800, $0x38;
	[tilespmem:$0x1B980] =	vst v63  }
0xbe: {  	_ =	swait.ge [sflag:s2], $0x50  }
0xbf: {  	[sflag:s2] =	ssyncset.done $0x0  }
0xc0: {  	[sflag:s2] =	ssyncadd.s32 $0xFFFFFFB0  }
0xc1: {  	_ =	swait.ge [sflag:s5], $0x2800  }
0xc2: {  	p1 =	sgt.u32 s28, $0x51;
	[sflag:s5] =	ssyncset.done $0x0  }
0xc3: {  	s29 =	simm.s32 @!p1 $0x8;
	[sflag:s5] =	ssyncadd.s32 $0xFFFFD800  }
0xc4: {  	[spmem:s6] =	stream.indirect.scatter.add.f32 [tilespmem:s20], [sflag:$0x9], $0x80, s19, s18, $0xb8;
	[tilespmem:$0x1B980] =	vst v63  }
0xc5: {  	_ =	swait.ge @!p1 [sflag:s29], $0x2800  }
0xc6: {  	[sflag:s29] =	ssyncset.done @!p1 $0x0  }
0xc7: {  	s30 =	simm.s32 @!p1 $0x1B880;
	[sflag:s29] =	ssyncadd.s32 @!p1 $0xFFFFD800;
	s29 =	simm.s32 @!p1 $0x0  }
0xc8: {  	[tilespmem:s30], [sflag:$0x2] =	stream.linear.gather @!p1 [hbm4b:s26+s29], $0x50, $0x38;
	[tilespmem:$0x1B980] =	vst v63  }
0xc9: {  	s30 =	sadd.s32 @!p1 s24, s10  }
0xca: {  	s31 =	simm.s32 @!p1 $0x16800;
	s24 =	sadd.s32 $0xF000, s24;
	s30 =	sadd.s32 @!p1 $0x14000, s30  }
0xcb: {  	[tilespmem:s31], [sflag:$0x5] =	stream.linear.gather @!p1 [hbm4b:s30+s29], $0x2800, $0x38;
	[tilespmem:$0x1B980] =	vst v63  }
0xcc: {  	p1 =	sne.s32 s24, $0x4EC000  }
.Ltmp10:
0xcd: {  	_ = 	snop;
	(pc) =	sbr.rel @!p1 .LBB2_17-.Ltmp10, $2  }
0xce: {  	_ =	sdelay $0x2  }
0xcf: {  	s28 =	sadd.s32 $0x1, s28;
	s26 =	sadd.s32 $0x1E0, s26  }
.LBB2_12:
0xd0: {  	_ =	swait.ge [sflag:s16], $0x50  }
0xd1: {  	p1 =	seq.s32 s28, $0x0;
	[sflag:s16] =	ssyncset.done $0x0  }
.Ltmp11:
0xd2: {  	[sflag:s16] =	ssyncadd.s32 $0xFFFFFFB0;
	(pc) =	sbr.rel @p1 .LBB2_16-.Ltmp11, $4  }
0xd3: {  	_ =	swait.ge [sflag:s17], $0x2800  }
0xd4: {  	[sflag:s17] =	ssyncset.done $0x0  }
0xd5: {  	[sflag:s17] =	ssyncadd.s32 $0xFFFFD800  }
0xd6: {  	[spmem:s6] =	stream.indirect.scatter.add.f32 [tilespmem:s3], [sflag:$0x7], $0x80, s11, s18, $0xb8;
	[tilespmem:$0x1B980] =	vst v63  }
0xd7: {  	p1 =	seq.s32 s28, $0x53  }
.Ltmp12:
0xd8: {  	_ = 	snop;
	(pc) =	sbr.rel @p1 .LBB2_14-.Ltmp12, $1  }
0xd9: {  	_ =	sdelay $0x3  }
.Ltmp13:
0xda: {  	(pc) =	sbr.rel .LBB2_16-.Ltmp13, $4  }
0xdb: {  	_ = 	snop  }
0xdc: {  	_ =	swait.ge [sflag:s12], $0x2800  }
0xdd: {  	[sflag:s12] =	ssyncset.done $0x0  }
0xde: {  	[sflag:s12] =	ssyncadd.s32 $0xFFFFD800  }
.LBB2_10:
.Ltmp14:
0xdf: {  	(pc) =	sbr.rel .LBB2_18-.Ltmp14, $2  }
0xe0: {  	_ =	sdelay $0x2  }
0xe1: {  	s24 =	rddreg [dreg:$0x3]  }
.LBB2_17:
.Ltmp15:
0xe2: {  	(pc) =	sbr.rel .LBB2_18-.Ltmp15, $2  }
0xe3: {  	_ =	sdelay $0x2  }
0xe4: {  	s24 =	rddreg [dreg:$0x4]  }
.LBB2_7:
.Ltmp16:
0xe5: {  	(pc) =	sbr.rel .LBB2_18-.Ltmp16, $2  }
0xe6: {  	_ =	sdelay $0x2  }
0xe7: {  	s24 =	rddreg [dreg:$0x3]  }
.LBB2_14:
0xe8: {  	s24 =	rddreg [dreg:$0x4]  }
.LBB2_18:
0xe9: {  	s0 =	simm.s32 $0x8  }
0xea: {  	_ =	swait.ge [sflag:s0], $0x2800  }
0xeb: {  	[sflag:s0] =	ssyncset.done $0x0  }
0xec: {  	[sflag:s0] =	ssyncadd.s32 $0xFFFFD800  }
0xed: {  	_ =	swait.ge [sflag:s12], $0x2800  }
0xee: {  	[sflag:s12] =	ssyncset.done $0x0  }
0xef: {  	[sflag:s12] =	ssyncadd.s32 $0xFFFFD800  }
0xf0: {  	_ =	swait.ge [sflag:s1], $0x2800  }
0xf1: {  	s30 =	stileid.u32;
	[sflag:s1] =	ssyncset.done $0x0  }
0xf2: {  	s31 =	sshll.u32 s30, $0x6;
	[sflag:s1] =	ssyncadd.s32 $0xFFFFD800  }
0xf3: {  	s0 =	sor.u32 $0x1C0A, s31;
	s26 =	rddreg [dreg:$0x1d];
	[bflag:$0x0] =	sbarrier.arrive $0xFFFF  }
0xf4: {  	s28 =	sadd.s32 s24, s26;
	s26 =	sshrl.u32 s8, $0x3;
	[smem:$0x7FD] =	sst s0  }
0xf5: {  	[hbm:s28], [sflag:s0] =	dma.local [spmem:s26], $0x2800  }
0xf6: {  	_ =	swait.ge [sflag:s4], $0x2800  }
0xf7: {  	[sflag:s4] =	ssyncset.done $0x0  }
0xf8: {  	s29 =	simm.s32 $0x200;
	s28 =	simm.s32 $0x0;
	[sflag:s4] =	ssyncadd.s32 $0xFFFFD800  }
.LBB2_19:
0xf9: {  	p1 =	sne.s32 s29, $0x9E00;
	[tilespmem:s28+$0x14070] =	vst v0  }
0xfa: {  	[tilespmem:s28+$0x14000] =	vst v0  }
0xfb: {  	[tilespmem:s28+$0x14010] =	vst v0  }
.Ltmp17:
0xfc: {  	[tilespmem:s28+$0x14020] =	vst v0;
	(pc) =	sbr.rel @p1 .LBB2_19-.Ltmp17, $4  }
0xfd: {  	[tilespmem:s28+$0x14030] =	vst v0  }
0xfe: {  	[tilespmem:s28+$0x14040] =	vst v0  }
0xff: {  	[tilespmem:s28+$0x14050] =	vst v0  }
0x100: {  	[tilespmem:s28+$0x14060] =	vst v0;
	s28 =	sshra.s32 s29, $0x2;
	s29 =	sadd.s32 $0x200, s29  }
0x101: {  	[tilespmem:s28+$0x14070] =	vst v0  }
0x102: {  	[tilespmem:s28+$0x14000] =	vst v0  }
0x103: {  	[tilespmem:s28+$0x14010] =	vst v0  }
0x104: {  	[tilespmem:s28+$0x14020] =	vst v0  }
0x105: {  	[tilespmem:s28+$0x14030] =	vst v0  }
0x106: {  	[tilespmem:s28+$0x14040] =	vst v0  }
0x107: {  	[tilespmem:s28+$0x14050] =	vst v0  }
0x108: {  	[tilespmem:s28+$0x14060] =	vst v0  }
0x109: {  	[spmem:s8] =	stream.linear.scatter [tilespmem:s3], [sflag:$0xA], $0x2800, $0x38;
	[tilespmem:$0x1B980] =	vst v63  }
0x10a: {  	_ =	swait.ge [sflag:s4], $0x2800  }
0x10b: {  	[sflag:s4] =	ssyncset.done $0x0  }
0x10c: {  	[sflag:s4] =	ssyncadd.s32 $0xFFFFD800  }
0x10d: {  	[spmem:s25] =	stream.linear.scatter [tilespmem:s3], [sflag:$0xA], $0x2800, $0x38;
	[tilespmem:$0x1B980] =	vst v63  }
0x10e: {  	_ =	swait.ge [sflag:s4], $0x2800  }
0x10f: {  	[sflag:s4] =	ssyncset.done $0x0  }
0x110: {  	s0 =	rddreg [dreg:$0x16];
	[sflag:s4] =	ssyncadd.s32 $0xFFFFD800  }
0x111: {  	[spmem:s0] =	stream.linear.scatter [tilespmem:s3], [sflag:$0xA], $0x2800, $0x38;
	[tilespmem:$0x1B980] =	vst v63  }
0x112: {  	_ =	swait.ge [sflag:s4], $0x2800  }
0x113: {  	[sflag:s4] =	ssyncset.done $0x0  }
0x114: {  	s8 =	rddreg [dreg:$0x18];
	[sflag:s4] =	ssyncadd.s32 $0xFFFFD800  }
0x115: {  	[spmem:s8] =	stream.linear.scatter [tilespmem:s3], [sflag:$0xA], $0x2800, $0x38;
	[tilespmem:$0x1B980] =	vst v63  }
0x116: {  	_ =	swait.ge [sflag:s4], $0x2800  }
0x117: {  	[sflag:s4] =	ssyncset.done $0x0  }
0x118: {  	s24 =	rddreg [dreg:$0x19];
	[sflag:s4] =	ssyncadd.s32 $0xFFFFD800  }
0x119: {  	[spmem:s24] =	stream.linear.scatter [tilespmem:s3], [sflag:$0xA], $0x2800, $0x38;
	[tilespmem:$0x1B980] =	vst v63  }
0x11a: {  	_ =	swait.ge [sflag:s4], $0x2800  }
0x11b: {  	[sflag:s4] =	ssyncset.done $0x0  }
0x11c: {  	s25 =	rddreg [dreg:$0x1a];
	[sflag:s4] =	ssyncadd.s32 $0xFFFFD800  }
0x11d: {  	[spmem:s25] =	stream.linear.scatter [tilespmem:s3], [sflag:$0xA], $0x2800, $0x38;
	[tilespmem:$0x1B980] =	vst v63  }
0x11e: {  	_ =	swait.ge [sflag:s4], $0x2800  }
0x11f: {  	[sflag:s4] =	ssyncset.done $0x0  }
0x120: {  	s30 =	rddreg [dreg:$0x1b];
	[sflag:s4] =	ssyncadd.s32 $0xFFFFD800  }
0x121: {  	[spmem:s30] =	stream.linear.scatter [tilespmem:s3], [sflag:$0xA], $0x2800, $0x38;
	[tilespmem:$0x1B980] =	vst v63  }
0x122: {  	_ =	swait.ge [sflag:s4], $0x2800  }
0x123: {  	[sflag:s4] =	ssyncset.done $0x0  }
0x124: {  	s31 =	rddreg [dreg:$0x1c];
	[sflag:s4] =	ssyncadd.s32 $0xFFFFD800  }
0x125: {  	[spmem:s31] =	stream.linear.scatter [tilespmem:s3], [sflag:$0xA], $0x2800, $0x38;
	[tilespmem:$0x1B980] =	vst v63  }
0x126: {  	_ =	swait.ge [sflag:s4], $0x2800  }
0x127: {  	[sflag:s4] =	ssyncset.done $0x0  }
0x128: {  	[sflag:s4] =	ssyncadd.s32 $0xFFFFD800  }
0x129: {  	s28 =	simm.s32 $0x0;
	s29 =	simm.s32 $0x200;
	[bflag:$0x0] =	sbarrier.arrive $0xFFFF  }
.LBB2_21:
0x12a: {  	p1 =	sne.s32 s29, $0x9E00;
	[tilespmem:s28+$0x14070] =	vst v1  }
0x12b: {  	[tilespmem:s28+$0x14000] =	vst v1  }
0x12c: {  	[tilespmem:s28+$0x14010] =	vst v1  }
.Ltmp18:
0x12d: {  	[tilespmem:s28+$0x14020] =	vst v1;
	(pc) =	sbr.rel @p1 .LBB2_21-.Ltmp18, $4  }
0x12e: {  	[tilespmem:s28+$0x14030] =	vst v1  }
0x12f: {  	[tilespmem:s28+$0x14040] =	vst v1  }
0x130: {  	[tilespmem:s28+$0x14050] =	vst v1  }
0x131: {  	[tilespmem:s28+$0x14060] =	vst v1;
	s28 =	sshra.s32 s29, $0x2;
	s29 =	sadd.s32 $0x200, s29  }
0x132: {  	[tilespmem:s28+$0x14070] =	vst v1  }
0x133: {  	[tilespmem:s28+$0x14000] =	vst v1  }
0x134: {  	[tilespmem:s28+$0x14010] =	vst v1  }
.Ltmp19:
0x135: {  	[tilespmem:s28+$0x14020] =	vst v1;
	(pc) =	sbr.rel @p0 .LBB2_26-.Ltmp19, $4  }
0x136: {  	[tilespmem:s28+$0x14030] =	vst v1  }
0x137: {  	[tilespmem:s28+$0x14040] =	vst v1  }
0x138: {  	[tilespmem:s28+$0x14050] =	vst v1  }
0x139: {  	[tilespmem:s28+$0x14060] =	vst v1;
	s28 =	simm.s32 $0x0  }
0x13a: {  	[tilespmem:s11], [sflag:$0x1] =	stream.linear.gather [hbm4b:s13+s28], $0x50, $0x38;
	[tilespmem:$0x1B980] =	vst v63  }
0x13b: {  	s0 =	rddreg [dreg:$0xe];
	s29 =	simm.s32 $0x1  }
0x13c: {  	[tilespmem:s14], [sflag:$0x2] =	stream.linear.gather [hbm4b:s0+s28], $0x50, $0x38;
	[tilespmem:$0x1B980] =	vst v63  }
0x13d: {  	_ =	swait.ge [sflag:s29], $0x50  }
0x13e: {  	[sflag:s29] =	ssyncset.done $0x0  }
0x13f: {  	[sflag:s29] =	ssyncadd.s32 $0xFFFFFFB0  }
0x140: {  	[spmem:s6] =	stream.indirect.scatter.add.f32 [tilespmem:s3], [sflag:$0x7], $0x80, s11, s18, $0xb8;
	[tilespmem:$0x1B980] =	vst v63  }
0x141: {  	s24 =	rddreg [dreg:$0x12]  }
0x142: {  	[tilespmem:s19], [sflag:$0x3] =	stream.linear.gather [hbm4b:s24+s28], $0x50, $0x38;
	[tilespmem:$0x1B980] =	vst v63  }
0x143: {  	_ =	swait.ge [sflag:s21], $0x50  }
0x144: {  	[sflag:s21] =	ssyncset.done $0x0  }
0x145: {  	[sflag:s21] =	ssyncadd.s32 $0xFFFFFFB0  }
0x146: {  	[spmem:s6] =	stream.indirect.scatter.add.f32 [tilespmem:s3], [sflag:$0x8], $0x80, s14, s18, $0xb8;
	[tilespmem:$0x1B980] =	vst v63  }
0x147: {  	_ =	swait.ge [sflag:s1], $0x2800  }
0x148: {  	[sflag:s1] =	ssyncset.done $0x0  }
0x149: {  	s25 =	rddreg [dreg:$0x13];
	[sflag:s1] =	ssyncadd.s32 $0xFFFFD800  }
0x14a: {  	[tilespmem:s11], [sflag:$0x1] =	stream.linear.gather [hbm4b:s25+s28], $0x50, $0x38;
	[tilespmem:$0x1B980] =	vst v63  }
0x14b: {  	_ =	swait.ge [sflag:s2], $0x50  }
0x14c: {  	[sflag:s2] =	ssyncset.done $0x0  }
0x14d: {  	s30 =	simm.s32 $0x8;
	[sflag:s2] =	ssyncadd.s32 $0xFFFFFFB0  }
0x14e: {  	[spmem:s6] =	stream.indirect.scatter.add.f32 [tilespmem:s3], [sflag:$0x9], $0x80, s19, s18, $0xb8;
	[tilespmem:$0x1B980] =	vst v63  }
0x14f: {  	_ =	swait.ge [sflag:s30], $0x2800  }
0x150: {  	[sflag:s30] =	ssyncset.done $0x0  }
0x151: {  	s31 =	rddreg [dreg:$0x14];
	[sflag:s30] =	ssyncadd.s32 $0xFFFFD800  }
0x152: {  	[tilespmem:s14], [sflag:$0x2] =	stream.linear.gather [hbm4b:s31+s28], $0x50, $0x38;
	[tilespmem:$0x1B980] =	vst v63  }
.LBB2_24:
0x153: {  	_ =	swait.ge [sflag:s16], $0x50  }
0x154: {  	p1 =	seq.s32 s28, $0x99C0;
	[sflag:s16] =	ssyncset.done $0x0  }
0x155: {  	s30 =	simm.s32 @!p1 $0x9;
	[sflag:s16] =	ssyncadd.s32 $0xFFFFFFB0  }
0x156: {  	[spmem:s6] =	stream.indirect.scatter.add.f32 [tilespmem:s3], [sflag:$0x7], $0x80, s11, s18, $0xb8;
	[tilespmem:$0x1B980] =	vst v63  }
0x157: {  	_ =	swait.ge @!p1 [sflag:s30], $0x2800  }
0x158: {  	[sflag:s30] =	ssyncset.done @!p1 $0x0  }
0x159: {  	[sflag:s30] =	ssyncadd.s32 @!p1 $0xFFFFD800;
	s30 =	sadd.s32 @!p1 s28, s13  }
0x15a: {  	s0 =	simm.s32 @!p1 $0x0;
	s8 =	simm.s32 @!p1 $0x1B900;
	s31 =	sadd.s32 @!p1 $0x320, s30  }
0x15b: {  	[tilespmem:s8], [sflag:$0x3] =	stream.linear.gather @!p1 [hbm4b:s31+s0], $0x50, $0x38;
	[tilespmem:$0x1B980] =	vst v63  }
0x15c: {  	s31 =	simm.s32 @!p1 $0x2  }
0x15d: {  	_ =	swait.ge @!p1 [sflag:s31], $0x50  }
0x15e: {  	s25 =	simm.s32 @!p1 $0x1B880;
	[sflag:s31] =	ssyncset.done @!p1 $0x0  }
0x15f: {  	s24 =	simm.s32 @!p1 $0x14000;
	[sflag:s31] =	ssyncadd.s32 @!p1 $0xFFFFFFB0;
	s31 =	simm.s32 @!p1 $0x50  }
0x160: {  	[spmem:s6] =	stream.indirect.scatter.add.f32 @!p1 [tilespmem:s24], [sflag:$0x8], $0x80, s25, s31, $0xb8;
	[tilespmem:$0x1B980] =	vst v63  }
0x161: {  	s25 =	simm.s32 @!p1 $0x7  }
0x162: {  	_ =	swait.ge @!p1 [sflag:s25], $0x2800  }
0x163: {  	[sflag:s25] =	ssyncset.done @!p1 $0x0  }
0x164: {  	[sflag:s25] =	ssyncadd.s32 @!p1 $0xFFFFD800;
	s25 =	sadd.s32 @!p1 $0x3C0, s30;
	s30 =	simm.s32 @!p1 $0x1B800  }
0x165: {  	[tilespmem:s30], [sflag:$0x1] =	stream.linear.gather @!p1 [hbm4b:s25+s0], $0x50, $0x38;
	[tilespmem:$0x1B980] =	vst v63  }
0x166: {  	s0 =	simm.s32 @!p1 $0x3  }
0x167: {  	p2 =	sgt.u32 @!p1 s29, $0x51;
	_ =	swait.ge @!p1 [sflag:s0], $0x50  }
0x168: {  	p2 =	por p2, p1;
	[sflag:s0] =	ssyncset.done @!p1 $0x0  }
0x169: {  	[sflag:s0] =	ssyncadd.s32 @!p1 $0xFFFFFFB0;
	s0 =	simm.s32 @!p2 $0x8  }
0x16a: {  	[spmem:s6] =	stream.indirect.scatter.add.f32 @!p1 [tilespmem:s24], [sflag:$0x9], $0x80, s8, s31, $0xb8;
	[tilespmem:$0x1B980] =	vst v63  }
0x16b: {  	_ =	swait.ge @!p2 [sflag:s0], $0x2800  }
0x16c: {  	[sflag:s0] =	ssyncset.done @!p2 $0x0  }
0x16d: {  	s8 =	simm.s32 @!p2 $0x0;
	[sflag:s0] =	ssyncadd.s32 @!p2 $0xFFFFD800;
	s0 =	sadd.s32 @!p2 s28, s13  }
0x16e: {  	s24 =	simm.s32 @!p2 $0x1B880;
	s28 =	sadd.s32 @!p1 $0x1E0, s28;
	s0 =	sadd.s32 @!p2 $0x460, s0  }
0x16f: {  	[tilespmem:s24], [sflag:$0x2] =	stream.linear.gather @!p2 [hbm4b:s0+s8], $0x50, $0x38;
	[tilespmem:$0x1B980] =	vst v63  }
0x170: {  	p2 =	seq.s32 @!p1 s28, $0x9BA0  }
0x171: {  	p2 =	por p1, p2  }
.Ltmp20:
0x172: {  	_ = 	snop;
	(pc) =	sbr.rel @!p2 .LBB2_24-.Ltmp20, $2  }
0x173: {  	_ =	sdelay $0x2  }
0x174: {  	s29 =	sadd.s32 @!p1 $0x1, s29  }
.Ltmp21:
0x175: {  	(pc) =	sbr.rel .LBB2_29-.Ltmp21, $3  }
0x176: {  	_ =	sdelay $0x1  }
0x177: {  	s28 =	rddreg [dreg:$0x5]  }
0x178: {  	s28 =	smov.u32 @p1 s28  }
.LBB2_26:
0x179: {  	[tilespmem:s11], [sflag:$0x1] =	stream.linear.gather [hbm4b:s9+s28], $0x50, $0x38;
	[tilespmem:$0x1B980] =	vst v63  }
0x17a: {  	s0 =	rddreg [dreg:$0xd];
	s29 =	simm.s32 $0x1  }
0x17b: {  	[tilespmem:s14], [sflag:$0x2] =	stream.linear.gather [hbm4b:s0+s28], $0x50, $0x38;
	[tilespmem:$0x1B980] =	vst v63  }
0x17c: {  	_ =	swait.ge [sflag:s29], $0x50  }
0x17d: {  	[sflag:s29] =	ssyncset.done $0x0  }
0x17e: {  	[sflag:s29] =	ssyncadd.s32 $0xFFFFFFB0  }
0x17f: {  	[spmem:s6] =	stream.indirect.scatter.add.f32 [tilespmem:s3], [sflag:$0x7], $0x80, s11, s18, $0xb8;
	[tilespmem:$0x1B980] =	vst v63  }
0x180: {  	s24 =	rddreg [dreg:$0xf]  }
0x181: {  	[tilespmem:s19], [sflag:$0x3] =	stream.linear.gather [hbm4b:s24+s28], $0x50, $0x38;
	[tilespmem:$0x1B980] =	vst v63  }
0x182: {  	_ =	swait.ge [sflag:s21], $0x50  }
0x183: {  	[sflag:s21] =	ssyncset.done $0x0  }
0x184: {  	[sflag:s21] =	ssyncadd.s32 $0xFFFFFFB0  }
0x185: {  	[spmem:s6] =	stream.indirect.scatter.add.f32 [tilespmem:s3], [sflag:$0x8], $0x80, s14, s18, $0xb8;
	[tilespmem:$0x1B980] =	vst v63  }
0x186: {  	_ =	swait.ge [sflag:s1], $0x2800  }
0x187: {  	[sflag:s1] =	ssyncset.done $0x0  }
0x188: {  	s25 =	rddreg [dreg:$0x10];
	[sflag:s1] =	ssyncadd.s32 $0xFFFFD800  }
0x189: {  	[tilespmem:s11], [sflag:$0x1] =	stream.linear.gather [hbm4b:s25+s28], $0x50, $0x38;
	[tilespmem:$0x1B980] =	vst v63  }
0x18a: {  	_ =	swait.ge [sflag:s2], $0x50  }
0x18b: {  	[sflag:s2] =	ssyncset.done $0x0  }
0x18c: {  	s30 =	simm.s32 $0x8;
	[sflag:s2] =	ssyncadd.s32 $0xFFFFFFB0  }
0x18d: {  	[spmem:s6] =	stream.indirect.scatter.add.f32 [tilespmem:s3], [sflag:$0x9], $0x80, s19, s18, $0xb8;
	[tilespmem:$0x1B980] =	vst v63  }
0x18e: {  	_ =	swait.ge [sflag:s30], $0x2800  }
0x18f: {  	[sflag:s30] =	ssyncset.done $0x0  }
0x190: {  	s31 =	rddreg [dreg:$0x11];
	[sflag:s30] =	ssyncadd.s32 $0xFFFFD800  }
0x191: {  	[tilespmem:s14], [sflag:$0x2] =	stream.linear.gather [hbm4b:s31+s28], $0x50, $0x38;
	[tilespmem:$0x1B980] =	vst v63  }
.LBB2_27:
0x192: {  	_ =	swait.ge [sflag:s16], $0x50  }
0x193: {  	p1 =	seq.s32 s28, $0x99C0;
	[sflag:s16] =	ssyncset.done $0x0  }
0x194: {  	s0 =	simm.s32 @!p1 $0x9;
	[sflag:s16] =	ssyncadd.s32 $0xFFFFFFB0  }
0x195: {  	[spmem:s6] =	stream.indirect.scatter.add.f32 [tilespmem:s3], [sflag:$0x7], $0x80, s11, s18, $0xb8;
	[tilespmem:$0x1B980] =	vst v63  }
0x196: {  	_ =	swait.ge @!p1 [sflag:s0], $0x2800  }
0x197: {  	[sflag:s0] =	ssyncset.done @!p1 $0x0  }
0x198: {  	[sflag:s0] =	ssyncadd.s32 @!p1 $0xFFFFD800;
	s0 =	sadd.s32 @!p1 s28, s9  }
0x199: {  	s24 =	simm.s32 @!p1 $0x0;
	s25 =	simm.s32 @!p1 $0x1B900;
	s8 =	sadd.s32 @!p1 $0x320, s0  }
0x19a: {  	[tilespmem:s25], [sflag:$0x3] =	stream.linear.gather @!p1 [hbm4b:s8+s24], $0x50, $0x38;
	[tilespmem:$0x1B980] =	vst v63  }
0x19b: {  	s8 =	simm.s32 @!p1 $0x2  }
0x19c: {  	_ =	swait.ge @!p1 [sflag:s8], $0x50  }
0x19d: {  	s30 =	simm.s32 @!p1 $0x1B880;
	[sflag:s8] =	ssyncset.done @!p1 $0x0  }
0x19e: {  	s31 =	simm.s32 @!p1 $0x14000;
	[sflag:s8] =	ssyncadd.s32 @!p1 $0xFFFFFFB0;
	s8 =	simm.s32 @!p1 $0x50  }
0x19f: {  	[spmem:s6] =	stream.indirect.scatter.add.f32 @!p1 [tilespmem:s31], [sflag:$0x8], $0x80, s30, s8, $0xb8;
	[tilespmem:$0x1B980] =	vst v63  }
0x1a0: {  	s30 =	simm.s32 @!p1 $0x7  }
0x1a1: {  	_ =	swait.ge @!p1 [sflag:s30], $0x2800  }
0x1a2: {  	[sflag:s30] =	ssyncset.done @!p1 $0x0  }
0x1a3: {  	s0 =	sadd.s32 @!p1 $0x3C0, s0;
	[sflag:s30] =	ssyncadd.s32 @!p1 $0xFFFFD800;
	s30 =	simm.s32 @!p1 $0x1B800  }
0x1a4: {  	[tilespmem:s30], [sflag:$0x1] =	stream.linear.gather @!p1 [hbm4b:s0+s24], $0x50, $0x38;
	[tilespmem:$0x1B980] =	vst v63  }
0x1a5: {  	s0 =	simm.s32 @!p1 $0x3  }
0x1a6: {  	p2 =	sgt.u32 @!p1 s29, $0x51;
	_ =	swait.ge @!p1 [sflag:s0], $0x50  }
0x1a7: {  	p2 =	por p2, p1;
	[sflag:s0] =	ssyncset.done @!p1 $0x0  }
0x1a8: {  	[sflag:s0] =	ssyncadd.s32 @!p1 $0xFFFFFFB0;
	s0 =	simm.s32 @!p2 $0x8  }
0x1a9: {  	[spmem:s6] =	stream.indirect.scatter.add.f32 @!p1 [tilespmem:s31], [sflag:$0x9], $0x80, s25, s8, $0xb8;
	[tilespmem:$0x1B980] =	vst v63  }
0x1aa: {  	_ =	swait.ge @!p2 [sflag:s0], $0x2800  }
0x1ab: {  	[sflag:s0] =	ssyncset.done @!p2 $0x0  }
0x1ac: {  	s24 =	simm.s32 @!p2 $0x1B880;
	[sflag:s0] =	ssyncadd.s32 @!p2 $0xFFFFD800;
	s0 =	sadd.s32 @!p2 s28, s9  }
0x1ad: {  	s8 =	simm.s32 @!p2 $0x0;
	s28 =	sadd.s32 @!p1 $0x1E0, s28;
	s0 =	sadd.s32 @!p2 $0x460, s0  }
0x1ae: {  	[tilespmem:s24], [sflag:$0x2] =	stream.linear.gather @!p2 [hbm4b:s0+s8], $0x50, $0x38;
	[tilespmem:$0x1B980] =	vst v63  }
0x1af: {  	p2 =	sne.s32 @!p1 s28, $0x9BA0  }
0x1b0: {  	p2 =	por p1, !p2  }
.Ltmp22:
0x1b1: {  	_ = 	snop;
	(pc) =	sbr.rel @!p2 .LBB2_27-.Ltmp22, $2  }
0x1b2: {  	_ =	sdelay $0x2  }
0x1b3: {  	s29 =	sadd.s32 @!p1 $0x1, s29  }
.Ltmp23:
0x1b4: {  	(pc) =	sbr.rel .LBB2_29-.Ltmp23, $3  }
0x1b5: {  	_ =	sdelay $0x1  }
0x1b6: {  	s28 =	rddreg [dreg:$0x6]  }
0x1b7: {  	s28 =	smov.u32 @p1 s28  }
.LBB2_30:
0x1b8: {  	_ =	sfence.sel $0x180000  }
0x1b9: {  	[bflag:$0x0] =	sbarrier.arrive $0xFFFF  }
0x1ba: {  	_ =	strace $0x90000047  }
0x1bb: {  	s0 =	stileid.u32;
	[bflag:$0x2] =	sbarrier.arrive $0xFFFF  }
0x1bc: {  	p0 =	sne.s32 s0, $0x0;
	s0 =	rddreg [dreg:$0x8]  }
0x1bd: {  	s0 =	sadd.s32 @!p0 $0x100000, s0  }
0x1be: {  	[sflag:s0] =	ssyncadd.tile.s32 @!p0 $0x1;
	_ =	shalt  }
.Lfunc_end2:
_tile_overlayer_lowered:
.L_overlay_start_2:
0x1bf: {  	(tag) =	ssettag $0x2  }
0x1c0: {  	s0 =	rddreg [dreg:$0x0];
	s2 =	stileid.u32  }
0x1c1: {  	s1 =	rddreg [dreg:$0x1];
	p0 =	sne.s32 s2, $0x0  }
0x1c2: {  	s3 =	rddreg [dreg:$0x2];
	[bflag:$0x3] =	sbarrier.arrive $0xFFFF;
	s2 =	simm.s32 @!p0 $0x1C0A  }
0x1c3: {  	[timem:s3], [sflag:s2] =	dma.local @!p0 [hbm:s0], s1  }
0x1c4: {  	s0 =	simm.s32 @!p0 $0xA  }
0x1c5: {  	_ =	swait.ge @!p0 [sflag:s0], s1  }
0x1c6: {  	s1 =	ssub.s32 @!p0 $0x0, s1;
	[sflag:s0] =	ssyncset.done @!p0 $0x0  }
0x1c7: {  	[sflag:s0] =	ssyncadd.s32 @!p0 s1  }
0x1c8: {  	[bflag:$0x3] =	sbarrier.arrive $0xFFFF  }
0x1c9: {  	_ =	shalt  }

</sc_bundles>
